<compile_context>
chip_gen: v7x
topology: tpu7x:2x2x1
jax: 0.10.2.dev20260603
libtpu: 0.0.44.dev20260713+nightly
codegen_flags: <defaults>
</compile_context>

<pallas_src>
import math

import jax
import jax.numpy as jnp
from jax import lax
from jax.experimental import pallas as pl
from jax.experimental.pallas import tpu as pltpu
from jax.experimental.pallas import tpu_sc as plsc

SEQ_LEN = 200
DIM = 128
BATCH = 4096
LANES = 16

NUM_CORES = 2
NUM_SUBCORES = 16
NUM_WORKERS = NUM_CORES * NUM_SUBCORES

CHUNK = 80
NBUF = 5
STORE_DEPTH = 2
TOKENS = BATCH * SEQ_LEN
ROWS_PER_W = TOKENS // NUM_WORKERS
CHUNKS_PER_W = ROWS_PER_W // CHUNK
VECS_PER_ROW = DIM // LANES
AHEAD = NBUF - STORE_DEPTH

_MAX_PBASE = SEQ_LEN - math.gcd(CHUNK, SEQ_LEN)
POS_ROWS = _MAX_PBASE + CHUNK
_EXTRA = POS_ROWS - SEQ_LEN


def _body(idx_hbm, table_hbm, pos_hbm, out_hbm, idx_v, pos_v, *rest):
  bufs = rest[:NBUF]
  gsems = rest[NBUF:2 * NBUF]
  ssems = rest[2 * NBUF:3 * NBUF]

  c = lax.axis_index("c")
  s = lax.axis_index("s")
  wid = s * NUM_CORES + c

  pltpu.sync_copy(pos_hbm, pos_v.at[pl.ds(0, SEQ_LEN)])
  if _EXTRA:
    pltpu.sync_copy(pos_hbm.at[pl.ds(0, _EXTRA)],
                    pos_v.at[pl.ds(SEQ_LEN, _EXTRA)])
  pltpu.sync_copy(idx_hbm.at[pl.ds(wid * CHUNKS_PER_W, CHUNKS_PER_W)], idx_v)

  row0 = wid * ROWS_PER_W

  def out_slice(gg):
    return out_hbm.at[pl.ds(row0 + gg * CHUNK, CHUNK)]

  def prefill(gg, buf):
    pbase = lax.rem(gg * CHUNK, SEQ_LEN)

    @plsc.parallel_loop(0, CHUNK, 1, unroll=4)
    def _copy_row(r):
      pr = pbase + r
      for v in range(VECS_PER_ROW):
        sl = pl.ds(v * LANES, LANES)
        buf[r, sl] = pos_v[pr, sl]

  def launch_gather(gg, buf, sem):
    pltpu.async_copy(table_hbm.at[idx_v.at[gg]], buf, sem, add=True)

  for k in range(AHEAD):
    prefill(k, bufs[k])
    launch_gather(k, bufs[k], gsems[k])

  def process(gg, p):
    buf = bufs[p]
    q = (p + AHEAD) % NBUF
    pltpu.make_async_copy(table_hbm.at[idx_v.at[gg]], buf, gsems[p]).wait()

    @pl.when(gg >= STORE_DEPTH)
    def _drain():
      pltpu.make_async_copy(bufs[q], out_slice(gg - STORE_DEPTH),
                            ssems[q]).wait()

    @pl.when(gg + AHEAD < CHUNKS_PER_W)
    def _start():
      prefill(gg + AHEAD, bufs[q])
      launch_gather(gg + AHEAD, bufs[q], gsems[q])

    pltpu.async_copy(buf, out_slice(gg), ssems[p])

  def outer(g, _):
    for p in range(NBUF):
      process(g * NBUF + p, p)
    return _

  n_main = CHUNKS_PER_W // NBUF * NBUF
  lax.fori_loop(0, CHUNKS_PER_W // NBUF, outer, None)

  for gg in range(n_main, CHUNKS_PER_W):
    process(gg, gg % NBUF)
  for gg in range(CHUNKS_PER_W - STORE_DEPTH, CHUNKS_PER_W):
    pltpu.make_async_copy(bufs[gg % NBUF], out_slice(gg),
                          ssems[gg % NBUF]).wait()


@jax.jit
def _run(idx2d, token_table, pos_table):
  mesh = plsc.VectorSubcoreMesh(core_axis_name="c", subcore_axis_name="s")
  f = pl.kernel(
      _body,
      out_type=jax.ShapeDtypeStruct((TOKENS, DIM), jnp.float32),
      mesh=mesh,
      scratch_types=(
          [pltpu.VMEM((CHUNKS_PER_W, CHUNK), jnp.int32),
           pltpu.VMEM((POS_ROWS, DIM), jnp.float32)]
          + [pltpu.VMEM((CHUNK, DIM), jnp.float32)] * NBUF
          + [pltpu.SemaphoreType.DMA] * (2 * NBUF)
      ),
  )
  return f(idx2d, token_table, pos_table)


def kernel(inputs, token_table, pos_table):
  idx2d = inputs.astype(jnp.int32).reshape(TOKENS // CHUNK, CHUNK)
  out = _run(idx2d, token_table, pos_table)
  return out.reshape(BATCH, SEQ_LEN, DIM)

# --- scband reference (transcript-rebuilt; emitter-appended) ---
"""Pipeline reference for scband-positional-embedding-43928925503490 (READ-ONLY COPY).

The authoritative reference and input builder live on the scoring server;
editing this copy changes nothing except your own understanding.
"""

import jax, jax.numpy as jnp
import numpy as np

SEQ_LEN = 200
VOCAB = 100000
DIM = 128
BATCH = 4096

def setup_inputs(seed: int = 0) -> dict:
    key = jax.random.key(seed)
    k1, k2, k3 = jax.random.split(key, 3)
    inputs = jax.random.randint(k1, (BATCH, SEQ_LEN), 0, VOCAB, dtype=jnp.int64 if jax.config.jax_enable_x64 else jnp.int32)
    token_table = jax.random.normal(k2, (VOCAB, DIM), dtype=jnp.float32) * 0.02
    pos_table = jax.random.normal(k3, (SEQ_LEN, DIM), dtype=jnp.float32) * 0.02
    return {"inputs": inputs, "token_table": token_table, "pos_table": pos_table}

def reference(inputs, token_table, pos_table):
    length = inputs.shape[-1]
    positions = jnp.arange(0, length)
    embedded_tokens = jnp.take(token_table, inputs, axis=0)
    embedded_positions = jnp.take(pos_table, positions, axis=0)
    return embedded_tokens + embedded_positions

if __name__ == "__main__":
    import jax
    _d = setup_inputs()
    print(jax.jit(kernel)(*tuple(_d.values())))

</pallas_src>

<mosaic_0001>
#map = affine_map<(d0, d1) -> (0, 0)>
module attributes {stable_mosaic.version = 14 : i64} {
  func.func @_body(%arg0: i32, %arg1: i32, %arg2: memref<10240x80xi32, #tpu.memory_space<hbm>>, %arg3: memref<100000x128xf32, #tpu.memory_space<hbm>>, %arg4: memref<200x128xf32, #tpu.memory_space<hbm>>, %arg5: memref<819200x128xf32, #tpu.memory_space<hbm>>, %arg6: memref<320x80xi32, #tpu.memory_space<vmem>>, %arg7: memref<240x128xf32, #tpu.memory_space<vmem>>, %arg8: memref<80x128xf32, #tpu.memory_space<vmem>>, %arg9: memref<80x128xf32, #tpu.memory_space<vmem>>, %arg10: memref<80x128xf32, #tpu.memory_space<vmem>>, %arg11: memref<80x128xf32, #tpu.memory_space<vmem>>, %arg12: memref<80x128xf32, #tpu.memory_space<vmem>>, %arg13: memref<!tpu.dma_semaphore, #tpu.memory_space<semaphore_mem>>, %arg14: memref<!tpu.dma_semaphore, #tpu.memory_space<semaphore_mem>>, %arg15: memref<!tpu.dma_semaphore, #tpu.memory_space<semaphore_mem>>, %arg16: memref<!tpu.dma_semaphore, #tpu.memory_space<semaphore_mem>>, %arg17: memref<!tpu.dma_semaphore, #tpu.memory_space<semaphore_mem>>, %arg18: memref<!tpu.dma_semaphore, #tpu.memory_space<semaphore_mem>>, %arg19: memref<!tpu.dma_semaphore, #tpu.memory_space<semaphore_mem>>, %arg20: memref<!tpu.dma_semaphore, #tpu.memory_space<semaphore_mem>>, %arg21: memref<!tpu.dma_semaphore, #tpu.memory_space<semaphore_mem>>, %arg22: memref<!tpu.dma_semaphore, #tpu.memory_space<semaphore_mem>>) attributes {dimension_semantics = [#tpu.dimension_semantics<core_parallel>, #tpu.dimension_semantics<subcore_parallel>], iteration_bounds = array<i64: 2, 16>, scalar_prefetch = 0 : i64, scratch_operands = 17 : i64, tpu.core_type = #tpu.core_type<sc_vector_subcore>, window_params = [{transform_indices = #map}, {transform_indices = #map}, {transform_indices = #map}, {transform_indices = #map}]} {
    %mul3A = arith.constant 2 : i32
    %mul3A_0 = arith.muli %arg1, %mul3A : i32
    %add3A = arith.addi %mul3A_0, %arg0 : i32
    "tpu.region"() ({
      %run_scoped3A = tpu.sem_alloc : memref<!tpu.dma_semaphore, #tpu.memory_space<semaphore_mem>>
      %dma_start3A_56 = arith.constant 0 : i32
      %dma_start3A_57 = arith.constant 0 : i32
      %dma_start3A_58 = tpu.memref_slice %arg7[%dma_start3A_56, %dma_start3A_57] : memref<240x128xf32, #tpu.memory_space<vmem>> -> memref<200x128xf32, #tpu.memory_space<vmem>>
      %dma_start3A_59 = arith.constant 0 : i32
      %dma_start3A_60 = arith.constant 0 : i32
      %dma_start3A_61 = tpu.memref_slice %arg7[%dma_start3A_59, %dma_start3A_60] : memref<240x128xf32, #tpu.memory_space<vmem>> -> memref<200x128xf32, #tpu.memory_space<vmem>>
      tpu.enqueue_dma source(%arg4 : memref<200x128xf32, #tpu.memory_space<hbm>>) target(%dma_start3A_61 : memref<200x128xf32, #tpu.memory_space<vmem>>) target_semaphore(%run_scoped3A : memref<!tpu.dma_semaphore, #tpu.memory_space<semaphore_mem>>)
      %dma_wait3A_62 = arith.constant 0 : i32
      %dma_wait3A_63 = arith.constant 0 : i32
      %dma_wait3A_64 = tpu.memref_slice %arg7[%dma_wait3A_62, %dma_wait3A_63] : memref<240x128xf32, #tpu.memory_space<vmem>> -> memref<200x128xf32, #tpu.memory_space<vmem>>
      %dma_wait3A_65 = arith.constant 0 : i32
      %dma_wait3A_66 = arith.constant 0 : i32
      %dma_wait3A_67 = tpu.memref_slice %arg7[%dma_wait3A_65, %dma_wait3A_66] : memref<240x128xf32, #tpu.memory_space<vmem>> -> memref<200x128xf32, #tpu.memory_space<vmem>>
      tpu.wait_dma2 semaphore(%run_scoped3A : memref<!tpu.dma_semaphore, #tpu.memory_space<semaphore_mem>>) src(%arg4 : memref<200x128xf32, #tpu.memory_space<hbm>>) dst(%dma_wait3A_67 : memref<200x128xf32, #tpu.memory_space<vmem>>)
      tpu.yield
    }) : () -> ()
    "tpu.region"() ({
      %run_scoped3A = tpu.sem_alloc : memref<!tpu.dma_semaphore, #tpu.memory_space<semaphore_mem>>
      %dma_start3A_56 = arith.constant 200 : i32
      %dma_start3A_57 = arith.constant 0 : i32
      %dma_start3A_58 = tpu.memref_slice %arg7[%dma_start3A_56, %dma_start3A_57] : memref<240x128xf32, #tpu.memory_space<vmem>> -> memref<40x128xf32, #tpu.memory_space<vmem>>
      %dma_start3A_59 = arith.constant 0 : i32
      %dma_start3A_60 = arith.constant 0 : i32
      %dma_start3A_61 = tpu.memref_slice %arg4[%dma_start3A_59, %dma_start3A_60] : memref<200x128xf32, #tpu.memory_space<hbm>> -> memref<40x128xf32, #tpu.memory_space<hbm>>
      %dma_start3A_62 = arith.constant 200 : i32
      %dma_start3A_63 = arith.constant 0 : i32
      %dma_start3A_64 = tpu.memref_slice %arg7[%dma_start3A_62, %dma_start3A_63] : memref<240x128xf32, #tpu.memory_space<vmem>> -> memref<40x128xf32, #tpu.memory_space<vmem>>
      %dma_start3A_65 = arith.constant 0 : i32
      %dma_start3A_66 = arith.constant 0 : i32
      %dma_start3A_67 = tpu.memref_slice %arg4[%dma_start3A_65, %dma_start3A_66] : memref<200x128xf32, #tpu.memory_space<hbm>> -> memref<40x128xf32, #tpu.memory_space<hbm>>
      tpu.enqueue_dma source(%dma_start3A_67 : memref<40x128xf32, #tpu.memory_space<hbm>>) target(%dma_start3A_64 : memref<40x128xf32, #tpu.memory_space<vmem>>) target_semaphore(%run_scoped3A : memref<!tpu.dma_semaphore, #tpu.memory_space<semaphore_mem>>)
      %dma_wait3A_68 = arith.constant 200 : i32
      %dma_wait3A_69 = arith.constant 0 : i32
      %dma_wait3A_70 = tpu.memref_slice %arg7[%dma_wait3A_68, %dma_wait3A_69] : memref<240x128xf32, #tpu.memory_space<vmem>> -> memref<40x128xf32, #tpu.memory_space<vmem>>
      %dma_wait3A_71 = arith.constant 0 : i32
      %dma_wait3A_72 = arith.constant 0 : i32
      %dma_wait3A_73 = tpu.memref_slice %arg4[%dma_wait3A_71, %dma_wait3A_72] : memref<200x128xf32, #tpu.memory_space<hbm>> -> memref<40x128xf32, #tpu.memory_space<hbm>>
      %dma_wait3A_74 = arith.constant 200 : i32
      %dma_wait3A_75 = arith.constant 0 : i32
      %dma_wait3A_76 = tpu.memref_slice %arg7[%dma_wait3A_74, %dma_wait3A_75] : memref<240x128xf32, #tpu.memory_space<vmem>> -> memref<40x128xf32, #tpu.memory_space<vmem>>
      %dma_wait3A_77 = arith.constant 0 : i32
      %dma_wait3A_78 = arith.constant 0 : i32
      %dma_wait3A_79 = tpu.memref_slice %arg4[%dma_wait3A_77, %dma_wait3A_78] : memref<200x128xf32, #tpu.memory_space<hbm>> -> memref<40x128xf32, #tpu.memory_space<hbm>>
      tpu.wait_dma2 semaphore(%run_scoped3A : memref<!tpu.dma_semaphore, #tpu.memory_space<semaphore_mem>>) src(%dma_wait3A_79 : memref<40x128xf32, #tpu.memory_space<hbm>>) dst(%dma_wait3A_76 : memref<40x128xf32, #tpu.memory_space<vmem>>)
      tpu.yield
    }) : () -> ()
    %mul3A_1 = arith.constant 320 : i32
    %mul3A_2 = arith.muli %add3A, %mul3A_1 : i32
    "tpu.region"() ({
      %run_scoped3A = tpu.sem_alloc : memref<!tpu.dma_semaphore, #tpu.memory_space<semaphore_mem>>
      %dma_start3A_56 = arith.constant 0 : i32
      %dma_start3A_57 = tpu.memref_slice %arg2[%mul3A_2, %dma_start3A_56] : memref<10240x80xi32, #tpu.memory_space<hbm>> -> memref<320x80xi32, #tpu.memory_space<hbm>>
      %dma_start3A_58 = arith.constant 0 : i32
      %dma_start3A_59 = tpu.memref_slice %arg2[%mul3A_2, %dma_start3A_58] : memref<10240x80xi32, #tpu.memory_space<hbm>> -> memref<320x80xi32, #tpu.memory_space<hbm>>
      tpu.enqueue_dma source(%dma_start3A_59 : memref<320x80xi32, #tpu.memory_space<hbm>>) target(%arg6 : memref<320x80xi32, #tpu.memory_space<vmem>>) target_semaphore(%run_scoped3A : memref<!tpu.dma_semaphore, #tpu.memory_space<semaphore_mem>>)
      %dma_wait3A_60 = arith.constant 0 : i32
      %dma_wait3A_61 = tpu.memref_slice %arg2[%mul3A_2, %dma_wait3A_60] : memref<10240x80xi32, #tpu.memory_space<hbm>> -> memref<320x80xi32, #tpu.memory_space<hbm>>
      %dma_wait3A_62 = arith.constant 0 : i32
      %dma_wait3A_63 = tpu.memref_slice %arg2[%mul3A_2, %dma_wait3A_62] : memref<10240x80xi32, #tpu.memory_space<hbm>> -> memref<320x80xi32, #tpu.memory_space<hbm>>
      tpu.wait_dma2 semaphore(%run_scoped3A : memref<!tpu.dma_semaphore, #tpu.memory_space<semaphore_mem>>) src(%dma_wait3A_63 : memref<320x80xi32, #tpu.memory_space<hbm>>) dst(%arg6 : memref<320x80xi32, #tpu.memory_space<vmem>>)
      tpu.yield
    }) : () -> ()
    %mul3A_3 = arith.constant 25600 : i32
    %mul3A_4 = arith.muli %add3A, %mul3A_3 : i32
    %rem3A = arith.constant 0 : i32
    %rem3A_5 = arith.constant 200 : i32
    %rem3A_6 = arith.remsi %rem3A, %rem3A_5 : i32
    %parallel_loop3A = arith.constant 0 : i32
    %parallel_loop3A_7 = arith.constant 80 : i32
    %parallel_loop3A_8 = arith.constant 1 : i32
    scf.for %parallel_loop3A_56 = %parallel_loop3A to %parallel_loop3A_7 step %parallel_loop3A_8  : i32 {
      %parallel_loop3A_57 = arith.addi %rem3A_6, %parallel_loop3A_56 : i32
      %parallel_loop3A_58 = arith.index_cast %parallel_loop3A_57 : i32 to index
      %parallel_loop3A_59 = arith.constant 0 : index
      %parallel_loop3A_60 = tpu.vector_load %arg7[%parallel_loop3A_58, %parallel_loop3A_59] {strides = array<i32>} : memref<240x128xf32, #tpu.memory_space<vmem>>, vector<1x16xf32>,
      %parallel_loop3A_61 = vector.shape_cast %parallel_loop3A_60 : vector<1x16xf32> to vector<16xf32>
      %parallel_loop3A_62 = arith.index_cast %parallel_loop3A_56 : i32 to index
      %parallel_loop3A_63 = arith.constant 0 : index
      %parallel_loop3A_64 = tpu.vector_load %arg8[%parallel_loop3A_62, %parallel_loop3A_63] {strides = array<i32>} : memref<80x128xf32, #tpu.memory_space<vmem>>, vector<1x16xf32>,
      %parallel_loop3A_65 = vector.shape_cast %parallel_loop3A_64 : vector<1x16xf32> to vector<16xf32>
      %parallel_loop3A_66 = vector.shape_cast %parallel_loop3A_61 : vector<16xf32> to vector<1x16xf32>
      tpu.vector_store %arg8[%parallel_loop3A_62, %parallel_loop3A_63], %parallel_loop3A_66 {strides = array<i32>} : memref<80x128xf32, #tpu.memory_space<vmem>>, vector<1x16xf32>,
      %parallel_loop3A_67 = arith.index_cast %parallel_loop3A_57 : i32 to index
      %parallel_loop3A_68 = arith.constant 16 : index
      %parallel_loop3A_69 = tpu.vector_load %arg7[%parallel_loop3A_67, %parallel_loop3A_68] {strides = array<i32>} : memref<240x128xf32, #tpu.memory_space<vmem>>, vector<1x16xf32>,
      %parallel_loop3A_70 = vector.shape_cast %parallel_loop3A_69 : vector<1x16xf32> to vector<16xf32>
      %parallel_loop3A_71 = arith.index_cast %parallel_loop3A_56 : i32 to index
      %parallel_loop3A_72 = arith.constant 16 : index
      %parallel_loop3A_73 = tpu.vector_load %arg8[%parallel_loop3A_71, %parallel_loop3A_72] {strides = array<i32>} : memref<80x128xf32, #tpu.memory_space<vmem>>, vector<1x16xf32>,
      %parallel_loop3A_74 = vector.shape_cast %parallel_loop3A_73 : vector<1x16xf32> to vector<16xf32>
      %parallel_loop3A_75 = vector.shape_cast %parallel_loop3A_70 : vector<16xf32> to vector<1x16xf32>
      tpu.vector_store %arg8[%parallel_loop3A_71, %parallel_loop3A_72], %parallel_loop3A_75 {strides = array<i32>} : memref<80x128xf32, #tpu.memory_space<vmem>>, vector<1x16xf32>,
      %parallel_loop3A_76 = arith.index_cast %parallel_loop3A_57 : i32 to index
      %parallel_loop3A_77 = arith.constant 32 : index
      %parallel_loop3A_78 = tpu.vector_load %arg7[%parallel_loop3A_76, %parallel_loop3A_77] {strides = array<i32>} : memref<240x128xf32, #tpu.memory_space<vmem>>, vector<1x16xf32>,
      %parallel_loop3A_79 = vector.shape_cast %parallel_loop3A_78 : vector<1x16xf32> to vector<16xf32>
      %parallel_loop3A_80 = arith.index_cast %parallel_loop3A_56 : i32 to index
      %parallel_loop3A_81 = arith.constant 32 : index
      %parallel_loop3A_82 = tpu.vector_load %arg8[%parallel_loop3A_80, %parallel_loop3A_81] {strides = array<i32>} : memref<80x128xf32, #tpu.memory_space<vmem>>, vector<1x16xf32>,
      %parallel_loop3A_83 = vector.shape_cast %parallel_loop3A_82 : vector<1x16xf32> to vector<16xf32>
      %parallel_loop3A_84 = vector.shape_cast %parallel_loop3A_79 : vector<16xf32> to vector<1x16xf32>
      tpu.vector_store %arg8[%parallel_loop3A_80, %parallel_loop3A_81], %parallel_loop3A_84 {strides = array<i32>} : memref<80x128xf32, #tpu.memory_space<vmem>>, vector<1x16xf32>,
      %parallel_loop3A_85 = arith.index_cast %parallel_loop3A_57 : i32 to index
      %parallel_loop3A_86 = arith.constant 48 : index
      %parallel_loop3A_87 = tpu.vector_load %arg7[%parallel_loop3A_85, %parallel_loop3A_86] {strides = array<i32>} : memref<240x128xf32, #tpu.memory_space<vmem>>, vector<1x16xf32>,
      %parallel_loop3A_88 = vector.shape_cast %parallel_loop3A_87 : vector<1x16xf32> to vector<16xf32>
      %parallel_loop3A_89 = arith.index_cast %parallel_loop3A_56 : i32 to index
      %parallel_loop3A_90 = arith.constant 48 : index
      %parallel_loop3A_91 = tpu.vector_load %arg8[%parallel_loop3A_89, %parallel_loop3A_90] {strides = array<i32>} : memref<80x128xf32, #tpu.memory_space<vmem>>, vector<1x16xf32>,
      %parallel_loop3A_92 = vector.shape_cast %parallel_loop3A_91 : vector<1x16xf32> to vector<16xf32>
      %parallel_loop3A_93 = vector.shape_cast %parallel_loop3A_88 : vector<16xf32> to vector<1x16xf32>
      tpu.vector_store %arg8[%parallel_loop3A_89, %parallel_loop3A_90], %parallel_loop3A_93 {strides = array<i32>} : memref<80x128xf32, #tpu.memory_space<vmem>>, vector<1x16xf32>,
      %parallel_loop3A_94 = arith.index_cast %parallel_loop3A_57 : i32 to index
      %parallel_loop3A_95 = arith.constant 64 : index
      %parallel_loop3A_96 = tpu.vector_load %arg7[%parallel_loop3A_94, %parallel_loop3A_95] {strides = array<i32>} : memref<240x128xf32, #tpu.memory_space<vmem>>, vector<1x16xf32>,
      %parallel_loop3A_97 = vector.shape_cast %parallel_loop3A_96 : vector<1x16xf32> to vector<16xf32>
      %parallel_loop3A_98 = arith.index_cast %parallel_loop3A_56 : i32 to index
      %parallel_loop3A_99 = arith.constant 64 : index
      %parallel_loop3A_100 = tpu.vector_load %arg8[%parallel_loop3A_98, %parallel_loop3A_99] {strides = array<i32>} : memref<80x128xf32, #tpu.memory_space<vmem>>, vector<1x16xf32>,
      %parallel_loop3A_101 = vector.shape_cast %parallel_loop3A_100 : vector<1x16xf32> to vector<16xf32>
      %parallel_loop3A_102 = vector.shape_cast %parallel_loop3A_97 : vector<16xf32> to vector<1x16xf32>
      tpu.vector_store %arg8[%parallel_loop3A_98, %parallel_loop3A_99], %parallel_loop3A_102 {strides = array<i32>} : memref<80x128xf32, #tpu.memory_space<vmem>>, vector<1x16xf32>,
      %parallel_loop3A_103 = arith.index_cast %parallel_loop3A_57 : i32 to index
      %parallel_loop3A_104 = arith.constant 80 : index
      %parallel_loop3A_105 = tpu.vector_load %arg7[%parallel_loop3A_103, %parallel_loop3A_104] {strides = array<i32>} : memref<240x128xf32, #tpu.memory_space<vmem>>, vector<1x16xf32>,
      %parallel_loop3A_106 = vector.shape_cast %parallel_loop3A_105 : vector<1x16xf32> to vector<16xf32>
      %parallel_loop3A_107 = arith.index_cast %parallel_loop3A_56 : i32 to index
      %parallel_loop3A_108 = arith.constant 80 : index
      %parallel_loop3A_109 = tpu.vector_load %arg8[%parallel_loop3A_107, %parallel_loop3A_108] {strides = array<i32>} : memref<80x128xf32, #tpu.memory_space<vmem>>, vector<1x16xf32>,
      %parallel_loop3A_110 = vector.shape_cast %parallel_loop3A_109 : vector<1x16xf32> to vector<16xf32>
      %parallel_loop3A_111 = vector.shape_cast %parallel_loop3A_106 : vector<16xf32> to vector<1x16xf32>
      tpu.vector_store %arg8[%parallel_loop3A_107, %parallel_loop3A_108], %parallel_loop3A_111 {strides = array<i32>} : memref<80x128xf32, #tpu.memory_space<vmem>>, vector<1x16xf32>,
      %parallel_loop3A_112 = arith.index_cast %parallel_loop3A_57 : i32 to index
      %parallel_loop3A_113 = arith.constant 96 : index
      %parallel_loop3A_114 = tpu.vector_load %arg7[%parallel_loop3A_112, %parallel_loop3A_113] {strides = array<i32>} : memref<240x128xf32, #tpu.memory_space<vmem>>, vector<1x16xf32>,
      %parallel_loop3A_115 = vector.shape_cast %parallel_loop3A_114 : vector<1x16xf32> to vector<16xf32>
      %parallel_loop3A_116 = arith.index_cast %parallel_loop3A_56 : i32 to index
      %parallel_loop3A_117 = arith.constant 96 : index
      %parallel_loop3A_118 = tpu.vector_load %arg8[%parallel_loop3A_116, %parallel_loop3A_117] {strides = array<i32>} : memref<80x128xf32, #tpu.memory_space<vmem>>, vector<1x16xf32>,
      %parallel_loop3A_119 = vector.shape_cast %parallel_loop3A_118 : vector<1x16xf32> to vector<16xf32>
      %parallel_loop3A_120 = vector.shape_cast %parallel_loop3A_115 : vector<16xf32> to vector<1x16xf32>
      tpu.vector_store %arg8[%parallel_loop3A_116, %parallel_loop3A_117], %parallel_loop3A_120 {strides = array<i32>} : memref<80x128xf32, #tpu.memory_space<vmem>>, vector<1x16xf32>,
      %parallel_loop3A_121 = arith.index_cast %parallel_loop3A_57 : i32 to index
      %parallel_loop3A_122 = arith.constant 112 : index
      %parallel_loop3A_123 = tpu.vector_load %arg7[%parallel_loop3A_121, %parallel_loop3A_122] {strides = array<i32>} : memref<240x128xf32, #tpu.memory_space<vmem>>, vector<1x16xf32>,
      %parallel_loop3A_124 = vector.shape_cast %parallel_loop3A_123 : vector<1x16xf32> to vector<16xf32>
      %parallel_loop3A_125 = arith.index_cast %parallel_loop3A_56 : i32 to index
      %parallel_loop3A_126 = arith.constant 112 : index
      %parallel_loop3A_127 = tpu.vector_load %arg8[%parallel_loop3A_125, %parallel_loop3A_126] {strides = array<i32>} : memref<80x128xf32, #tpu.memory_space<vmem>>, vector<1x16xf32>,
      %parallel_loop3A_128 = vector.shape_cast %parallel_loop3A_127 : vector<1x16xf32> to vector<16xf32>
      %parallel_loop3A_129 = vector.shape_cast %parallel_loop3A_124 : vector<16xf32> to vector<1x16xf32>
      tpu.vector_store %arg8[%parallel_loop3A_125, %parallel_loop3A_126], %parallel_loop3A_129 {strides = array<i32>} : memref<80x128xf32, #tpu.memory_space<vmem>>, vector<1x16xf32>,
    } {sc.loop_unroll_factor = 4 : i64, sc.parallel_access}
    %dma_start3A = arith.constant 0 : i32
    %dma_start3A_9 = arith.constant 0 : i32
    %dma_start3A_10 = tpu.memref_slice %arg6[%dma_start3A, %dma_start3A_9] : memref<320x80xi32, #tpu.memory_space<vmem>> -> memref<1x80xi32, #tpu.memory_space<vmem>>
    %dma_start3A_11 = tpu.memref_squeeze %dma_start3A_10 : memref<1x80xi32, #tpu.memory_space<vmem>> -> memref<80xi32, #tpu.memory_space<vmem>>
    %dma_start3A_12 = arith.constant 0 : i32
    %dma_start3A_13 = arith.constant 0 : i32
    %dma_start3A_14 = tpu.memref_slice %arg3[%dma_start3A_12, %dma_start3A_13] : memref<100000x128xf32, #tpu.memory_space<hbm>> -> memref<100000x128xf32, #tpu.memory_space<hbm>>
    tpu.enqueue_indirect_dma source(%dma_start3A_14 : memref<100000x128xf32, #tpu.memory_space<hbm>>) target(%arg8 : memref<80x128xf32, #tpu.memory_space<vmem>>) offsets(%dma_start3A_11 : memref<80xi32, #tpu.memory_space<vmem>>) semaphore(%arg13 : memref<!tpu.dma_semaphore, #tpu.memory_space<semaphore_mem>>) {add = true}
    %rem3A_15 = arith.constant 80 : i32
    %rem3A_16 = arith.constant 200 : i32
    %rem3A_17 = arith.remsi %rem3A_15, %rem3A_16 : i32
    %parallel_loop3A_18 = arith.constant 0 : i32
    %parallel_loop3A_19 = arith.constant 80 : i32
    %parallel_loop3A_20 = arith.constant 1 : i32
    scf.for %parallel_loop3A_56 = %parallel_loop3A_18 to %parallel_loop3A_19 step %parallel_loop3A_20  : i32 {
      %parallel_loop3A_57 = arith.addi %rem3A_17, %parallel_loop3A_56 : i32
      %parallel_loop3A_58 = arith.index_cast %parallel_loop3A_57 : i32 to index
      %parallel_loop3A_59 = arith.constant 0 : index
      %parallel_loop3A_60 = tpu.vector_load %arg7[%parallel_loop3A_58, %parallel_loop3A_59] {strides = array<i32>} : memref<240x128xf32, #tpu.memory_space<vmem>>, vector<1x16xf32>,
      %parallel_loop3A_61 = vector.shape_cast %parallel_loop3A_60 : vector<1x16xf32> to vector<16xf32>
      %parallel_loop3A_62 = arith.index_cast %parallel_loop3A_56 : i32 to index
      %parallel_loop3A_63 = arith.constant 0 : index
      %parallel_loop3A_64 = tpu.vector_load %arg9[%parallel_loop3A_62, %parallel_loop3A_63] {strides = array<i32>} : memref<80x128xf32, #tpu.memory_space<vmem>>, vector<1x16xf32>,
      %parallel_loop3A_65 = vector.shape_cast %parallel_loop3A_64 : vector<1x16xf32> to vector<16xf32>
      %parallel_loop3A_66 = vector.shape_cast %parallel_loop3A_61 : vector<16xf32> to vector<1x16xf32>
      tpu.vector_store %arg9[%parallel_loop3A_62, %parallel_loop3A_63], %parallel_loop3A_66 {strides = array<i32>} : memref<80x128xf32, #tpu.memory_space<vmem>>, vector<1x16xf32>,
      %parallel_loop3A_67 = arith.index_cast %parallel_loop3A_57 : i32 to index
      %parallel_loop3A_68 = arith.constant 16 : index
      %parallel_loop3A_69 = tpu.vector_load %arg7[%parallel_loop3A_67, %parallel_loop3A_68] {strides = array<i32>} : memref<240x128xf32, #tpu.memory_space<vmem>>, vector<1x16xf32>,
      %parallel_loop3A_70 = vector.shape_cast %parallel_loop3A_69 : vector<1x16xf32> to vector<16xf32>
      %parallel_loop3A_71 = arith.index_cast %parallel_loop3A_56 : i32 to index
      %parallel_loop3A_72 = arith.constant 16 : index
      %parallel_loop3A_73 = tpu.vector_load %arg9[%parallel_loop3A_71, %parallel_loop3A_72] {strides = array<i32>} : memref<80x128xf32, #tpu.memory_space<vmem>>, vector<1x16xf32>,
      %parallel_loop3A_74 = vector.shape_cast %parallel_loop3A_73 : vector<1x16xf32> to vector<16xf32>
      %parallel_loop3A_75 = vector.shape_cast %parallel_loop3A_70 : vector<16xf32> to vector<1x16xf32>
      tpu.vector_store %arg9[%parallel_loop3A_71, %parallel_loop3A_72], %parallel_loop3A_75 {strides = array<i32>} : memref<80x128xf32, #tpu.memory_space<vmem>>, vector<1x16xf32>,
      %parallel_loop3A_76 = arith.index_cast %parallel_loop3A_57 : i32 to index
      %parallel_loop3A_77 = arith.constant 32 : index
      %parallel_loop3A_78 = tpu.vector_load %arg7[%parallel_loop3A_76, %parallel_loop3A_77] {strides = array<i32>} : memref<240x128xf32, #tpu.memory_space<vmem>>, vector<1x16xf32>,
      %parallel_loop3A_79 = vector.shape_cast %parallel_loop3A_78 : vector<1x16xf32> to vector<16xf32>
      %parallel_loop3A_80 = arith.index_cast %parallel_loop3A_56 : i32 to index
      %parallel_loop3A_81 = arith.constant 32 : index
      %parallel_loop3A_82 = tpu.vector_load %arg9[%parallel_loop3A_80, %parallel_loop3A_81] {strides = array<i32>} : memref<80x128xf32, #tpu.memory_space<vmem>>, vector<1x16xf32>,
      %parallel_loop3A_83 = vector.shape_cast %parallel_loop3A_82 : vector<1x16xf32> to vector<16xf32>
      %parallel_loop3A_84 = vector.shape_cast %parallel_loop3A_79 : vector<16xf32> to vector<1x16xf32>
      tpu.vector_store %arg9[%parallel_loop3A_80, %parallel_loop3A_81], %parallel_loop3A_84 {strides = array<i32>} : memref<80x128xf32, #tpu.memory_space<vmem>>, vector<1x16xf32>,
      %parallel_loop3A_85 = arith.index_cast %parallel_loop3A_57 : i32 to index
      %parallel_loop3A_86 = arith.constant 48 : index
      %parallel_loop3A_87 = tpu.vector_load %arg7[%parallel_loop3A_85, %parallel_loop3A_86] {strides = array<i32>} : memref<240x128xf32, #tpu.memory_space<vmem>>, vector<1x16xf32>,
      %parallel_loop3A_88 = vector.shape_cast %parallel_loop3A_87 : vector<1x16xf32> to vector<16xf32>
      %parallel_loop3A_89 = arith.index_cast %parallel_loop3A_56 : i32 to index
      %parallel_loop3A_90 = arith.constant 48 : index
      %parallel_loop3A_91 = tpu.vector_load %arg9[%parallel_loop3A_89, %parallel_loop3A_90] {strides = array<i32>} : memref<80x128xf32, #tpu.memory_space<vmem>>, vector<1x16xf32>,
      %parallel_loop3A_92 = vector.shape_cast %parallel_loop3A_91 : vector<1x16xf32> to vector<16xf32>
      %parallel_loop3A_93 = vector.shape_cast %parallel_loop3A_88 : vector<16xf32> to vector<1x16xf32>
      tpu.vector_store %arg9[%parallel_loop3A_89, %parallel_loop3A_90], %parallel_loop3A_93 {strides = array<i32>} : memref<80x128xf32, #tpu.memory_space<vmem>>, vector<1x16xf32>,
      %parallel_loop3A_94 = arith.index_cast %parallel_loop3A_57 : i32 to index
      %parallel_loop3A_95 = arith.constant 64 : index
      %parallel_loop3A_96 = tpu.vector_load %arg7[%parallel_loop3A_94, %parallel_loop3A_95] {strides = array<i32>} : memref<240x128xf32, #tpu.memory_space<vmem>>, vector<1x16xf32>,
      %parallel_loop3A_97 = vector.shape_cast %parallel_loop3A_96 : vector<1x16xf32> to vector<16xf32>
      %parallel_loop3A_98 = arith.index_cast %parallel_loop3A_56 : i32 to index
      %parallel_loop3A_99 = arith.constant 64 : index
      %parallel_loop3A_100 = tpu.vector_load %arg9[%parallel_loop3A_98, %parallel_loop3A_99] {strides = array<i32>} : memref<80x128xf32, #tpu.memory_space<vmem>>, vector<1x16xf32>,
      %parallel_loop3A_101 = vector.shape_cast %parallel_loop3A_100 : vector<1x16xf32> to vector<16xf32>
      %parallel_loop3A_102 = vector.shape_cast %parallel_loop3A_97 : vector<16xf32> to vector<1x16xf32>
      tpu.vector_store %arg9[%parallel_loop3A_98, %parallel_loop3A_99], %parallel_loop3A_102 {strides = array<i32>} : memref<80x128xf32, #tpu.memory_space<vmem>>, vector<1x16xf32>,
      %parallel_loop3A_103 = arith.index_cast %parallel_loop3A_57 : i32 to index
      %parallel_loop3A_104 = arith.constant 80 : index
      %parallel_loop3A_105 = tpu.vector_load %arg7[%parallel_loop3A_103, %parallel_loop3A_104] {strides = array<i32>} : memref<240x128xf32, #tpu.memory_space<vmem>>, vector<1x16xf32>,
      %parallel_loop3A_106 = vector.shape_cast %parallel_loop3A_105 : vector<1x16xf32> to vector<16xf32>
      %parallel_loop3A_107 = arith.index_cast %parallel_loop3A_56 : i32 to index
      %parallel_loop3A_108 = arith.constant 80 : index
      %parallel_loop3A_109 = tpu.vector_load %arg9[%parallel_loop3A_107, %parallel_loop3A_108] {strides = array<i32>} : memref<80x128xf32, #tpu.memory_space<vmem>>, vector<1x16xf32>,
      %parallel_loop3A_110 = vector.shape_cast %parallel_loop3A_109 : vector<1x16xf32> to vector<16xf32>
      %parallel_loop3A_111 = vector.shape_cast %parallel_loop3A_106 : vector<16xf32> to vector<1x16xf32>
      tpu.vector_store %arg9[%parallel_loop3A_107, %parallel_loop3A_108], %parallel_loop3A_111 {strides = array<i32>} : memref<80x128xf32, #tpu.memory_space<vmem>>, vector<1x16xf32>,
      %parallel_loop3A_112 = arith.index_cast %parallel_loop3A_57 : i32 to index
      %parallel_loop3A_113 = arith.constant 96 : index
      %parallel_loop3A_114 = tpu.vector_load %arg7[%parallel_loop3A_112, %parallel_loop3A_113] {strides = array<i32>} : memref<240x128xf32, #tpu.memory_space<vmem>>, vector<1x16xf32>,
      %parallel_loop3A_115 = vector.shape_cast %parallel_loop3A_114 : vector<1x16xf32> to vector<16xf32>
      %parallel_loop3A_116 = arith.index_cast %parallel_loop3A_56 : i32 to index
      %parallel_loop3A_117 = arith.constant 96 : index
      %parallel_loop3A_118 = tpu.vector_load %arg9[%parallel_loop3A_116, %parallel_loop3A_117] {strides = array<i32>} : memref<80x128xf32, #tpu.memory_space<vmem>>, vector<1x16xf32>,
      %parallel_loop3A_119 = vector.shape_cast %parallel_loop3A_118 : vector<1x16xf32> to vector<16xf32>
      %parallel_loop3A_120 = vector.shape_cast %parallel_loop3A_115 : vector<16xf32> to vector<1x16xf32>
      tpu.vector_store %arg9[%parallel_loop3A_116, %parallel_loop3A_117], %parallel_loop3A_120 {strides = array<i32>} : memref<80x128xf32, #tpu.memory_space<vmem>>, vector<1x16xf32>,
      %parallel_loop3A_121 = arith.index_cast %parallel_loop3A_57 : i32 to index
      %parallel_loop3A_122 = arith.constant 112 : index
      %parallel_loop3A_123 = tpu.vector_load %arg7[%parallel_loop3A_121, %parallel_loop3A_122] {strides = array<i32>} : memref<240x128xf32, #tpu.memory_space<vmem>>, vector<1x16xf32>,
      %parallel_loop3A_124 = vector.shape_cast %parallel_loop3A_123 : vector<1x16xf32> to vector<16xf32>
      %parallel_loop3A_125 = arith.index_cast %parallel_loop3A_56 : i32 to index
      %parallel_loop3A_126 = arith.constant 112 : index
      %parallel_loop3A_127 = tpu.vector_load %arg9[%parallel_loop3A_125, %parallel_loop3A_126] {strides = array<i32>} : memref<80x128xf32, #tpu.memory_space<vmem>>, vector<1x16xf32>,
      %parallel_loop3A_128 = vector.shape_cast %parallel_loop3A_127 : vector<1x16xf32> to vector<16xf32>
      %parallel_loop3A_129 = vector.shape_cast %parallel_loop3A_124 : vector<16xf32> to vector<1x16xf32>
      tpu.vector_store %arg9[%parallel_loop3A_125, %parallel_loop3A_126], %parallel_loop3A_129 {strides = array<i32>} : memref<80x128xf32, #tpu.memory_space<vmem>>, vector<1x16xf32>,
    } {sc.loop_unroll_factor = 4 : i64, sc.parallel_access}
    %dma_start3A_21 = arith.constant 1 : i32
    %dma_start3A_22 = arith.constant 0 : i32
    %dma_start3A_23 = tpu.memref_slice %arg6[%dma_start3A_21, %dma_start3A_22] : memref<320x80xi32, #tpu.memory_space<vmem>> -> memref<1x80xi32, #tpu.memory_space<vmem>>
    %dma_start3A_24 = tpu.memref_squeeze %dma_start3A_23 : memref<1x80xi32, #tpu.memory_space<vmem>> -> memref<80xi32, #tpu.memory_space<vmem>>
    %dma_start3A_25 = arith.constant 0 : i32
    %dma_start3A_26 = arith.constant 0 : i32
    %dma_start3A_27 = tpu.memref_slice %arg3[%dma_start3A_25, %dma_start3A_26] : memref<100000x128xf32, #tpu.memory_space<hbm>> -> memref<100000x128xf32, #tpu.memory_space<hbm>>
    tpu.enqueue_indirect_dma source(%dma_start3A_27 : memref<100000x128xf32, #tpu.memory_space<hbm>>) target(%arg9 : memref<80x128xf32, #tpu.memory_space<vmem>>) offsets(%dma_start3A_24 : memref<80xi32, #tpu.memory_space<vmem>>) semaphore(%arg14 : memref<!tpu.dma_semaphore, #tpu.memory_space<semaphore_mem>>) {add = true}
    %rem3A_28 = arith.constant 160 : i32
    %rem3A_29 = arith.constant 200 : i32
    %rem3A_30 = arith.remsi %rem3A_28, %rem3A_29 : i32
    %parallel_loop3A_31 = arith.constant 0 : i32
    %parallel_loop3A_32 = arith.constant 80 : i32
    %parallel_loop3A_33 = arith.constant 1 : i32
    scf.for %parallel_loop3A_56 = %parallel_loop3A_31 to %parallel_loop3A_32 step %parallel_loop3A_33  : i32 {
      %parallel_loop3A_57 = arith.addi %rem3A_30, %parallel_loop3A_56 : i32
      %parallel_loop3A_58 = arith.index_cast %parallel_loop3A_57 : i32 to index
      %parallel_loop3A_59 = arith.constant 0 : index
      %parallel_loop3A_60 = tpu.vector_load %arg7[%parallel_loop3A_58, %parallel_loop3A_59] {strides = array<i32>} : memref<240x128xf32, #tpu.memory_space<vmem>>, vector<1x16xf32>,
      %parallel_loop3A_61 = vector.shape_cast %parallel_loop3A_60 : vector<1x16xf32> to vector<16xf32>
      %parallel_loop3A_62 = arith.index_cast %parallel_loop3A_56 : i32 to index
      %parallel_loop3A_63 = arith.constant 0 : index
      %parallel_loop3A_64 = tpu.vector_load %arg10[%parallel_loop3A_62, %parallel_loop3A_63] {strides = array<i32>} : memref<80x128xf32, #tpu.memory_space<vmem>>, vector<1x16xf32>,
      %parallel_loop3A_65 = vector.shape_cast %parallel_loop3A_64 : vector<1x16xf32> to vector<16xf32>
      %parallel_loop3A_66 = vector.shape_cast %parallel_loop3A_61 : vector<16xf32> to vector<1x16xf32>
      tpu.vector_store %arg10[%parallel_loop3A_62, %parallel_loop3A_63], %parallel_loop3A_66 {strides = array<i32>} : memref<80x128xf32, #tpu.memory_space<vmem>>, vector<1x16xf32>,
      %parallel_loop3A_67 = arith.index_cast %parallel_loop3A_57 : i32 to index
      %parallel_loop3A_68 = arith.constant 16 : index
      %parallel_loop3A_69 = tpu.vector_load %arg7[%parallel_loop3A_67, %parallel_loop3A_68] {strides = array<i32>} : memref<240x128xf32, #tpu.memory_space<vmem>>, vector<1x16xf32>,
      %parallel_loop3A_70 = vector.shape_cast %parallel_loop3A_69 : vector<1x16xf32> to vector<16xf32>
      %parallel_loop3A_71 = arith.index_cast %parallel_loop3A_56 : i32 to index
      %parallel_loop3A_72 = arith.constant 16 : index
      %parallel_loop3A_73 = tpu.vector_load %arg10[%parallel_loop3A_71, %parallel_loop3A_72] {strides = array<i32>} : memref<80x128xf32, #tpu.memory_space<vmem>>, vector<1x16xf32>,
      %parallel_loop3A_74 = vector.shape_cast %parallel_loop3A_73 : vector<1x16xf32> to vector<16xf32>
      %parallel_loop3A_75 = vector.shape_cast %parallel_loop3A_70 : vector<16xf32> to vector<1x16xf32>
      tpu.vector_store %arg10[%parallel_loop3A_71, %parallel_loop3A_72], %parallel_loop3A_75 {strides = array<i32>} : memref<80x128xf32, #tpu.memory_space<vmem>>, vector<1x16xf32>,
      %parallel_loop3A_76 = arith.index_cast %parallel_loop3A_57 : i32 to index
      %parallel_loop3A_77 = arith.constant 32 : index
      %parallel_loop3A_78 = tpu.vector_load %arg7[%parallel_loop3A_76, %parallel_loop3A_77] {strides = array<i32>} : memref<240x128xf32, #tpu.memory_space<vmem>>, vector<1x16xf32>,
      %parallel_loop3A_79 = vector.shape_cast %parallel_loop3A_78 : vector<1x16xf32> to vector<16xf32>
      %parallel_loop3A_80 = arith.index_cast %parallel_loop3A_56 : i32 to index
      %parallel_loop3A_81 = arith.constant 32 : index
      %parallel_loop3A_82 = tpu.vector_load %arg10[%parallel_loop3A_80, %parallel_loop3A_81] {strides = array<i32>} : memref<80x128xf32, #tpu.memory_space<vmem>>, vector<1x16xf32>,
      %parallel_loop3A_83 = vector.shape_cast %parallel_loop3A_82 : vector<1x16xf32> to vector<16xf32>
      %parallel_loop3A_84 = vector.shape_cast %parallel_loop3A_79 : vector<16xf32> to vector<1x16xf32>
      tpu.vector_store %arg10[%parallel_loop3A_80, %parallel_loop3A_81], %parallel_loop3A_84 {strides = array<i32>} : memref<80x128xf32, #tpu.memory_space<vmem>>, vector<1x16xf32>,
      %parallel_loop3A_85 = arith.index_cast %parallel_loop3A_57 : i32 to index
      %parallel_loop3A_86 = arith.constant 48 : index
      %parallel_loop3A_87 = tpu.vector_load %arg7[%parallel_loop3A_85, %parallel_loop3A_86] {strides = array<i32>} : memref<240x128xf32, #tpu.memory_space<vmem>>, vector<1x16xf32>,
      %parallel_loop3A_88 = vector.shape_cast %parallel_loop3A_87 : vector<1x16xf32> to vector<16xf32>
      %parallel_loop3A_89 = arith.index_cast %parallel_loop3A_56 : i32 to index
      %parallel_loop3A_90 = arith.constant 48 : index
      %parallel_loop3A_91 = tpu.vector_load %arg10[%parallel_loop3A_89, %parallel_loop3A_90] {strides = array<i32>} : memref<80x128xf32, #tpu.memory_space<vmem>>, vector<1x16xf32>,
      %parallel_loop3A_92 = vector.shape_cast %parallel_loop3A_91 : vector<1x16xf32> to vector<16xf32>
      %parallel_loop3A_93 = vector.shape_cast %parallel_loop3A_88 : vector<16xf32> to vector<1x16xf32>
      tpu.vector_store %arg10[%parallel_loop3A_89, %parallel_loop3A_90], %parallel_loop3A_93 {strides = array<i32>} : memref<80x128xf32, #tpu.memory_space<vmem>>, vector<1x16xf32>,
      %parallel_loop3A_94 = arith.index_cast %parallel_loop3A_57 : i32 to index
      %parallel_loop3A_95 = arith.constant 64 : index
      %parallel_loop3A_96 = tpu.vector_load %arg7[%parallel_loop3A_94, %parallel_loop3A_95] {strides = array<i32>} : memref<240x128xf32, #tpu.memory_space<vmem>>, vector<1x16xf32>,
      %parallel_loop3A_97 = vector.shape_cast %parallel_loop3A_96 : vector<1x16xf32> to vector<16xf32>
      %parallel_loop3A_98 = arith.index_cast %parallel_loop3A_56 : i32 to index
      %parallel_loop3A_99 = arith.constant 64 : index
      %parallel_loop3A_100 = tpu.vector_load %arg10[%parallel_loop3A_98, %parallel_loop3A_99] {strides = array<i32>} : memref<80x128xf32, #tpu.memory_space<vmem>>, vector<1x16xf32>,
      %parallel_loop3A_101 = vector.shape_cast %parallel_loop3A_100 : vector<1x16xf32> to vector<16xf32>
      %parallel_loop3A_102 = vector.shape_cast %parallel_loop3A_97 : vector<16xf32> to vector<1x16xf32>
      tpu.vector_store %arg10[%parallel_loop3A_98, %parallel_loop3A_99], %parallel_loop3A_102 {strides = array<i32>} : memref<80x128xf32, #tpu.memory_space<vmem>>, vector<1x16xf32>,
      %parallel_loop3A_103 = arith.index_cast %parallel_loop3A_57 : i32 to index
      %parallel_loop3A_104 = arith.constant 80 : index
      %parallel_loop3A_105 = tpu.vector_load %arg7[%parallel_loop3A_103, %parallel_loop3A_104] {strides = array<i32>} : memref<240x128xf32, #tpu.memory_space<vmem>>, vector<1x16xf32>,
      %parallel_loop3A_106 = vector.shape_cast %parallel_loop3A_105 : vector<1x16xf32> to vector<16xf32>
      %parallel_loop3A_107 = arith.index_cast %parallel_loop3A_56 : i32 to index
      %parallel_loop3A_108 = arith.constant 80 : index
      %parallel_loop3A_109 = tpu.vector_load %arg10[%parallel_loop3A_107, %parallel_loop3A_108] {strides = array<i32>} : memref<80x128xf32, #tpu.memory_space<vmem>>, vector<1x16xf32>,
      %parallel_loop3A_110 = vector.shape_cast %parallel_loop3A_109 : vector<1x16xf32> to vector<16xf32>
      %parallel_loop3A_111 = vector.shape_cast %parallel_loop3A_106 : vector<16xf32> to vector<1x16xf32>
      tpu.vector_store %arg10[%parallel_loop3A_107, %parallel_loop3A_108], %parallel_loop3A_111 {strides = array<i32>} : memref<80x128xf32, #tpu.memory_space<vmem>>, vector<1x16xf32>,
      %parallel_loop3A_112 = arith.index_cast %parallel_loop3A_57 : i32 to index
      %parallel_loop3A_113 = arith.constant 96 : index
      %parallel_loop3A_114 = tpu.vector_load %arg7[%parallel_loop3A_112, %parallel_loop3A_113] {strides = array<i32>} : memref<240x128xf32, #tpu.memory_space<vmem>>, vector<1x16xf32>,
      %parallel_loop3A_115 = vector.shape_cast %parallel_loop3A_114 : vector<1x16xf32> to vector<16xf32>
      %parallel_loop3A_116 = arith.index_cast %parallel_loop3A_56 : i32 to index
      %parallel_loop3A_117 = arith.constant 96 : index
      %parallel_loop3A_118 = tpu.vector_load %arg10[%parallel_loop3A_116, %parallel_loop3A_117] {strides = array<i32>} : memref<80x128xf32, #tpu.memory_space<vmem>>, vector<1x16xf32>,
      %parallel_loop3A_119 = vector.shape_cast %parallel_loop3A_118 : vector<1x16xf32> to vector<16xf32>
      %parallel_loop3A_120 = vector.shape_cast %parallel_loop3A_115 : vector<16xf32> to vector<1x16xf32>
      tpu.vector_store %arg10[%parallel_loop3A_116, %parallel_loop3A_117], %parallel_loop3A_120 {strides = array<i32>} : memref<80x128xf32, #tpu.memory_space<vmem>>, vector<1x16xf32>,
      %parallel_loop3A_121 = arith.index_cast %parallel_loop3A_57 : i32 to index
      %parallel_loop3A_122 = arith.constant 112 : index
      %parallel_loop3A_123 = tpu.vector_load %arg7[%parallel_loop3A_121, %parallel_loop3A_122] {strides = array<i32>} : memref<240x128xf32, #tpu.memory_space<vmem>>, vector<1x16xf32>,
      %parallel_loop3A_124 = vector.shape_cast %parallel_loop3A_123 : vector<1x16xf32> to vector<16xf32>
      %parallel_loop3A_125 = arith.index_cast %parallel_loop3A_56 : i32 to index
      %parallel_loop3A_126 = arith.constant 112 : index
      %parallel_loop3A_127 = tpu.vector_load %arg10[%parallel_loop3A_125, %parallel_loop3A_126] {strides = array<i32>} : memref<80x128xf32, #tpu.memory_space<vmem>>, vector<1x16xf32>,
      %parallel_loop3A_128 = vector.shape_cast %parallel_loop3A_127 : vector<1x16xf32> to vector<16xf32>
      %parallel_loop3A_129 = vector.shape_cast %parallel_loop3A_124 : vector<16xf32> to vector<1x16xf32>
      tpu.vector_store %arg10[%parallel_loop3A_125, %parallel_loop3A_126], %parallel_loop3A_129 {strides = array<i32>} : memref<80x128xf32, #tpu.memory_space<vmem>>, vector<1x16xf32>,
    } {sc.loop_unroll_factor = 4 : i64, sc.parallel_access}
    %dma_start3A_34 = arith.constant 2 : i32
    %dma_start3A_35 = arith.constant 0 : i32
    %dma_start3A_36 = tpu.memref_slice %arg6[%dma_start3A_34, %dma_start3A_35] : memref<320x80xi32, #tpu.memory_space<vmem>> -> memref<1x80xi32, #tpu.memory_space<vmem>>
    %dma_start3A_37 = tpu.memref_squeeze %dma_start3A_36 : memref<1x80xi32, #tpu.memory_space<vmem>> -> memref<80xi32, #tpu.memory_space<vmem>>
    %dma_start3A_38 = arith.constant 0 : i32
    %dma_start3A_39 = arith.constant 0 : i32
    %dma_start3A_40 = tpu.memref_slice %arg3[%dma_start3A_38, %dma_start3A_39] : memref<100000x128xf32, #tpu.memory_space<hbm>> -> memref<100000x128xf32, #tpu.memory_space<hbm>>
    tpu.enqueue_indirect_dma source(%dma_start3A_40 : memref<100000x128xf32, #tpu.memory_space<hbm>>) target(%arg10 : memref<80x128xf32, #tpu.memory_space<vmem>>) offsets(%dma_start3A_37 : memref<80xi32, #tpu.memory_space<vmem>>) semaphore(%arg15 : memref<!tpu.dma_semaphore, #tpu.memory_space<semaphore_mem>>) {add = true}
    %scan3A = arith.constant 0 : i32
    %scan3A_41 = arith.constant 64 : i32
    %scan3A_42 = arith.addi %scan3A, %scan3A_41 : i32
    %scan3A_43 = arith.constant 1 : i32
    scf.for %scan3A_56 = %scan3A to %scan3A_42 step %scan3A_43  : i32 {
      %mul3A_57 = arith.constant 5 : i32
      %mul3A_58 = arith.muli %scan3A_56, %mul3A_57 : i32
      %add3A_59 = arith.constant 0 : i32
      %add3A_60 = arith.addi %mul3A_58, %add3A_59 : i32
      %dma_wait3A_61 = arith.constant 0 : i32
      %dma_wait3A_62 = tpu.memref_slice %arg6[%add3A_60, %dma_wait3A_61] : memref<320x80xi32, #tpu.memory_space<vmem>> -> memref<1x80xi32, #tpu.memory_space<vmem>>
      %dma_wait3A_63 = tpu.memref_squeeze %dma_wait3A_62 : memref<1x80xi32, #tpu.memory_space<vmem>> -> memref<80xi32, #tpu.memory_space<vmem>>
      %dma_wait3A_64 = arith.constant 0 : i32
      %dma_wait3A_65 = arith.constant 0 : i32
      %dma_wait3A_66 = tpu.memref_slice %arg3[%dma_wait3A_64, %dma_wait3A_65] : memref<100000x128xf32, #tpu.memory_space<hbm>> -> memref<100000x128xf32, #tpu.memory_space<hbm>>
      tpu.wait_indirect_dma semaphore(%arg13 : memref<!tpu.dma_semaphore, #tpu.memory_space<semaphore_mem>>) src(%dma_wait3A_66 : memref<100000x128xf32, #tpu.memory_space<hbm>>) dst(%arg8 : memref<80x128xf32, #tpu.memory_space<vmem>>)
      %ge3A = arith.constant 2 : i32
      %ge3A_67 = arith.cmpi sge, %add3A_60, %ge3A : i32
      %convert_element_type3A = arith.extui %ge3A_67 : i1 to i32
      %cond3A = arith.constant 0 : i32
      %cond3A_68 = arith.cmpi ne, %convert_element_type3A, %cond3A : i32
      scf.if %cond3A_68 {
        %sub3A = arith.constant 2 : i32
        %sub3A_198 = arith.subi %add3A_60, %sub3A : i32
        %mul3A_199 = arith.constant 80 : i32
        %mul3A_200 = arith.muli %sub3A_198, %mul3A_199 : i32
        %add3A_201 = arith.addi %mul3A_4, %mul3A_200 : i32
        %dma_wait3A_202 = arith.constant 0 : i32
        %dma_wait3A_203 = tpu.memref_slice %arg5[%add3A_201, %dma_wait3A_202] : memref<819200x128xf32, #tpu.memory_space<hbm>> -> memref<80x128xf32, #tpu.memory_space<hbm>>
        %dma_wait3A_204 = arith.constant 0 : i32
        %dma_wait3A_205 = tpu.memref_slice %arg5[%add3A_201, %dma_wait3A_204] : memref<819200x128xf32, #tpu.memory_space<hbm>> -> memref<80x128xf32, #tpu.memory_space<hbm>>
        tpu.wait_dma2 semaphore(%arg21 : memref<!tpu.dma_semaphore, #tpu.memory_space<semaphore_mem>>) src(%arg11 : memref<80x128xf32, #tpu.memory_space<vmem>>) dst(%dma_wait3A_205 : memref<80x128xf32, #tpu.memory_space<hbm>>)
      } else {
      }
      %add3A_69 = arith.constant 3 : i32
      %add3A_70 = arith.addi %add3A_60, %add3A_69 : i32
      %lt3A = arith.constant 320 : i32
      %lt3A_71 = arith.cmpi slt, %add3A_70, %lt3A : i32
      %convert_element_type3A_72 = arith.extui %lt3A_71 : i1 to i32
      %cond3A_73 = arith.constant 0 : i32
      %cond3A_74 = arith.cmpi ne, %convert_element_type3A_72, %cond3A_73 : i32
      scf.if %cond3A_74 {
        %add3A_198 = arith.constant 3 : i32
        %add3A_199 = arith.addi %add3A_60, %add3A_198 : i32
        %mul3A_200 = arith.constant 80 : i32
        %mul3A_201 = arith.muli %add3A_199, %mul3A_200 : i32
        %rem3A_202 = arith.constant 200 : i32
        %rem3A_203 = arith.remsi %mul3A_201, %rem3A_202 : i32
        %parallel_loop3A_204 = arith.constant 0 : i32
        %parallel_loop3A_205 = arith.constant 80 : i32
        %parallel_loop3A_206 = arith.constant 1 : i32
        scf.for %parallel_loop3A_215 = %parallel_loop3A_204 to %parallel_loop3A_205 step %parallel_loop3A_206  : i32 {
          %parallel_loop3A_216 = arith.addi %rem3A_203, %parallel_loop3A_215 : i32
          %parallel_loop3A_217 = arith.index_cast %parallel_loop3A_216 : i32 to index
          %parallel_loop3A_218 = arith.constant 0 : index
          %parallel_loop3A_219 = tpu.vector_load %arg7[%parallel_loop3A_217, %parallel_loop3A_218] {strides = array<i32>} : memref<240x128xf32, #tpu.memory_space<vmem>>, vector<1x16xf32>,
          %parallel_loop3A_220 = vector.shape_cast %parallel_loop3A_219 : vector<1x16xf32> to vector<16xf32>
          %parallel_loop3A_221 = arith.index_cast %parallel_loop3A_215 : i32 to index
          %parallel_loop3A_222 = arith.constant 0 : index
          %parallel_loop3A_223 = tpu.vector_load %arg11[%parallel_loop3A_221, %parallel_loop3A_222] {strides = array<i32>} : memref<80x128xf32, #tpu.memory_space<vmem>>, vector<1x16xf32>,
          %parallel_loop3A_224 = vector.shape_cast %parallel_loop3A_223 : vector<1x16xf32> to vector<16xf32>
          %parallel_loop3A_225 = vector.shape_cast %parallel_loop3A_220 : vector<16xf32> to vector<1x16xf32>
          tpu.vector_store %arg11[%parallel_loop3A_221, %parallel_loop3A_222], %parallel_loop3A_225 {strides = array<i32>} : memref<80x128xf32, #tpu.memory_space<vmem>>, vector<1x16xf32>,
          %parallel_loop3A_226 = arith.index_cast %parallel_loop3A_216 : i32 to index
          %parallel_loop3A_227 = arith.constant 16 : index
          %parallel_loop3A_228 = tpu.vector_load %arg7[%parallel_loop3A_226, %parallel_loop3A_227] {strides = array<i32>} : memref<240x128xf32, #tpu.memory_space<vmem>>, vector<1x16xf32>,
          %parallel_loop3A_229 = vector.shape_cast %parallel_loop3A_228 : vector<1x16xf32> to vector<16xf32>
          %parallel_loop3A_230 = arith.index_cast %parallel_loop3A_215 : i32 to index
          %parallel_loop3A_231 = arith.constant 16 : index
          %parallel_loop3A_232 = tpu.vector_load %arg11[%parallel_loop3A_230, %parallel_loop3A_231] {strides = array<i32>} : memref<80x128xf32, #tpu.memory_space<vmem>>, vector<1x16xf32>,
          %parallel_loop3A_233 = vector.shape_cast %parallel_loop3A_232 : vector<1x16xf32> to vector<16xf32>
          %parallel_loop3A_234 = vector.shape_cast %parallel_loop3A_229 : vector<16xf32> to vector<1x16xf32>
          tpu.vector_store %arg11[%parallel_loop3A_230, %parallel_loop3A_231], %parallel_loop3A_234 {strides = array<i32>} : memref<80x128xf32, #tpu.memory_space<vmem>>, vector<1x16xf32>,
          %parallel_loop3A_235 = arith.index_cast %parallel_loop3A_216 : i32 to index
          %parallel_loop3A_236 = arith.constant 32 : index
          %parallel_loop3A_237 = tpu.vector_load %arg7[%parallel_loop3A_235, %parallel_loop3A_236] {strides = array<i32>} : memref<240x128xf32, #tpu.memory_space<vmem>>, vector<1x16xf32>,
          %parallel_loop3A_238 = vector.shape_cast %parallel_loop3A_237 : vector<1x16xf32> to vector<16xf32>
          %parallel_loop3A_239 = arith.index_cast %parallel_loop3A_215 : i32 to index
          %parallel_loop3A_240 = arith.constant 32 : index
          %parallel_loop3A_241 = tpu.vector_load %arg11[%parallel_loop3A_239, %parallel_loop3A_240] {strides = array<i32>} : memref<80x128xf32, #tpu.memory_space<vmem>>, vector<1x16xf32>,
          %parallel_loop3A_242 = vector.shape_cast %parallel_loop3A_241 : vector<1x16xf32> to vector<16xf32>
          %parallel_loop3A_243 = vector.shape_cast %parallel_loop3A_238 : vector<16xf32> to vector<1x16xf32>
          tpu.vector_store %arg11[%parallel_loop3A_239, %parallel_loop3A_240], %parallel_loop3A_243 {strides = array<i32>} : memref<80x128xf32, #tpu.memory_space<vmem>>, vector<1x16xf32>,
          %parallel_loop3A_244 = arith.index_cast %parallel_loop3A_216 : i32 to index
          %parallel_loop3A_245 = arith.constant 48 : index
          %parallel_loop3A_246 = tpu.vector_load %arg7[%parallel_loop3A_244, %parallel_loop3A_245] {strides = array<i32>} : memref<240x128xf32, #tpu.memory_space<vmem>>, vector<1x16xf32>,
          %parallel_loop3A_247 = vector.shape_cast %parallel_loop3A_246 : vector<1x16xf32> to vector<16xf32>
          %parallel_loop3A_248 = arith.index_cast %parallel_loop3A_215 : i32 to index
          %parallel_loop3A_249 = arith.constant 48 : index
          %parallel_loop3A_250 = tpu.vector_load %arg11[%parallel_loop3A_248, %parallel_loop3A_249] {strides = array<i32>} : memref<80x128xf32, #tpu.memory_space<vmem>>, vector<1x16xf32>,
          %parallel_loop3A_251 = vector.shape_cast %parallel_loop3A_250 : vector<1x16xf32> to vector<16xf32>
          %parallel_loop3A_252 = vector.shape_cast %parallel_loop3A_247 : vector<16xf32> to vector<1x16xf32>
          tpu.vector_store %arg11[%parallel_loop3A_248, %parallel_loop3A_249], %parallel_loop3A_252 {strides = array<i32>} : memref<80x128xf32, #tpu.memory_space<vmem>>, vector<1x16xf32>,
          %parallel_loop3A_253 = arith.index_cast %parallel_loop3A_216 : i32 to index
          %parallel_loop3A_254 = arith.constant 64 : index
          %parallel_loop3A_255 = tpu.vector_load %arg7[%parallel_loop3A_253, %parallel_loop3A_254] {strides = array<i32>} : memref<240x128xf32, #tpu.memory_space<vmem>>, vector<1x16xf32>,
          %parallel_loop3A_256 = vector.shape_cast %parallel_loop3A_255 : vector<1x16xf32> to vector<16xf32>
          %parallel_loop3A_257 = arith.index_cast %parallel_loop3A_215 : i32 to index
          %parallel_loop3A_258 = arith.constant 64 : index
          %parallel_loop3A_259 = tpu.vector_load %arg11[%parallel_loop3A_257, %parallel_loop3A_258] {strides = array<i32>} : memref<80x128xf32, #tpu.memory_space<vmem>>, vector<1x16xf32>,
          %parallel_loop3A_260 = vector.shape_cast %parallel_loop3A_259 : vector<1x16xf32> to vector<16xf32>
          %parallel_loop3A_261 = vector.shape_cast %parallel_loop3A_256 : vector<16xf32> to vector<1x16xf32>
          tpu.vector_store %arg11[%parallel_loop3A_257, %parallel_loop3A_258], %parallel_loop3A_261 {strides = array<i32>} : memref<80x128xf32, #tpu.memory_space<vmem>>, vector<1x16xf32>,
          %parallel_loop3A_262 = arith.index_cast %parallel_loop3A_216 : i32 to index
          %parallel_loop3A_263 = arith.constant 80 : index
          %parallel_loop3A_264 = tpu.vector_load %arg7[%parallel_loop3A_262, %parallel_loop3A_263] {strides = array<i32>} : memref<240x128xf32, #tpu.memory_space<vmem>>, vector<1x16xf32>,
          %parallel_loop3A_265 = vector.shape_cast %parallel_loop3A_264 : vector<1x16xf32> to vector<16xf32>
          %parallel_loop3A_266 = arith.index_cast %parallel_loop3A_215 : i32 to index
          %parallel_loop3A_267 = arith.constant 80 : index
          %parallel_loop3A_268 = tpu.vector_load %arg11[%parallel_loop3A_266, %parallel_loop3A_267] {strides = array<i32>} : memref<80x128xf32, #tpu.memory_space<vmem>>, vector<1x16xf32>,
          %parallel_loop3A_269 = vector.shape_cast %parallel_loop3A_268 : vector<1x16xf32> to vector<16xf32>
          %parallel_loop3A_270 = vector.shape_cast %parallel_loop3A_265 : vector<16xf32> to vector<1x16xf32>
          tpu.vector_store %arg11[%parallel_loop3A_266, %parallel_loop3A_267], %parallel_loop3A_270 {strides = array<i32>} : memref<80x128xf32, #tpu.memory_space<vmem>>, vector<1x16xf32>,
          %parallel_loop3A_271 = arith.index_cast %parallel_loop3A_216 : i32 to index
          %parallel_loop3A_272 = arith.constant 96 : index
          %parallel_loop3A_273 = tpu.vector_load %arg7[%parallel_loop3A_271, %parallel_loop3A_272] {strides = array<i32>} : memref<240x128xf32, #tpu.memory_space<vmem>>, vector<1x16xf32>,
          %parallel_loop3A_274 = vector.shape_cast %parallel_loop3A_273 : vector<1x16xf32> to vector<16xf32>
          %parallel_loop3A_275 = arith.index_cast %parallel_loop3A_215 : i32 to index
          %parallel_loop3A_276 = arith.constant 96 : index
          %parallel_loop3A_277 = tpu.vector_load %arg11[%parallel_loop3A_275, %parallel_loop3A_276] {strides = array<i32>} : memref<80x128xf32, #tpu.memory_space<vmem>>, vector<1x16xf32>,
          %parallel_loop3A_278 = vector.shape_cast %parallel_loop3A_277 : vector<1x16xf32> to vector<16xf32>
          %parallel_loop3A_279 = vector.shape_cast %parallel_loop3A_274 : vector<16xf32> to vector<1x16xf32>
          tpu.vector_store %arg11[%parallel_loop3A_275, %parallel_loop3A_276], %parallel_loop3A_279 {strides = array<i32>} : memref<80x128xf32, #tpu.memory_space<vmem>>, vector<1x16xf32>,
          %parallel_loop3A_280 = arith.index_cast %parallel_loop3A_216 : i32 to index
          %parallel_loop3A_281 = arith.constant 112 : index
          %parallel_loop3A_282 = tpu.vector_load %arg7[%parallel_loop3A_280, %parallel_loop3A_281] {strides = array<i32>} : memref<240x128xf32, #tpu.memory_space<vmem>>, vector<1x16xf32>,
          %parallel_loop3A_283 = vector.shape_cast %parallel_loop3A_282 : vector<1x16xf32> to vector<16xf32>
          %parallel_loop3A_284 = arith.index_cast %parallel_loop3A_215 : i32 to index
          %parallel_loop3A_285 = arith.constant 112 : index
          %parallel_loop3A_286 = tpu.vector_load %arg11[%parallel_loop3A_284, %parallel_loop3A_285] {strides = array<i32>} : memref<80x128xf32, #tpu.memory_space<vmem>>, vector<1x16xf32>,
          %parallel_loop3A_287 = vector.shape_cast %parallel_loop3A_286 : vector<1x16xf32> to vector<16xf32>
          %parallel_loop3A_288 = vector.shape_cast %parallel_loop3A_283 : vector<16xf32> to vector<1x16xf32>
          tpu.vector_store %arg11[%parallel_loop3A_284, %parallel_loop3A_285], %parallel_loop3A_288 {strides = array<i32>} : memref<80x128xf32, #tpu.memory_space<vmem>>, vector<1x16xf32>,
        } {sc.loop_unroll_factor = 4 : i64, sc.parallel_access}
        %add3A_207 = arith.constant 3 : i32
        %add3A_208 = arith.addi %add3A_60, %add3A_207 : i32
        %dma_start3A_209 = arith.constant 0 : i32
        %dma_start3A_210 = tpu.memref_slice %arg6[%add3A_208, %dma_start3A_209] : memref<320x80xi32, #tpu.memory_space<vmem>> -> memref<1x80xi32, #tpu.memory_space<vmem>>
        %dma_start3A_211 = tpu.memref_squeeze %dma_start3A_210 : memref<1x80xi32, #tpu.memory_space<vmem>> -> memref<80xi32, #tpu.memory_space<vmem>>
        %dma_start3A_212 = arith.constant 0 : i32
        %dma_start3A_213 = arith.constant 0 : i32
        %dma_start3A_214 = tpu.memref_slice %arg3[%dma_start3A_212, %dma_start3A_213] : memref<100000x128xf32, #tpu.memory_space<hbm>> -> memref<100000x128xf32, #tpu.memory_space<hbm>>
        tpu.enqueue_indirect_dma source(%dma_start3A_214 : memref<100000x128xf32, #tpu.memory_space<hbm>>) target(%arg11 : memref<80x128xf32, #tpu.memory_space<vmem>>) offsets(%dma_start3A_211 : memref<80xi32, #tpu.memory_space<vmem>>) semaphore(%arg16 : memref<!tpu.dma_semaphore, #tpu.memory_space<semaphore_mem>>) {add = true}
      } else {
      }
      %mul3A_75 = arith.constant 80 : i32
      %mul3A_76 = arith.muli %add3A_60, %mul3A_75 : i32
      %add3A_77 = arith.addi %mul3A_4, %mul3A_76 : i32
      %dma_start3A_78 = arith.constant 0 : i32
      %dma_start3A_79 = tpu.memref_slice %arg5[%add3A_77, %dma_start3A_78] : memref<819200x128xf32, #tpu.memory_space<hbm>> -> memref<80x128xf32, #tpu.memory_space<hbm>>
      %dma_start3A_80 = arith.constant 0 : i32
      %dma_start3A_81 = tpu.memref_slice %arg5[%add3A_77, %dma_start3A_80] : memref<819200x128xf32, #tpu.memory_space<hbm>> -> memref<80x128xf32, #tpu.memory_space<hbm>>
      tpu.enqueue_dma source(%arg8 : memref<80x128xf32, #tpu.memory_space<vmem>>) target(%dma_start3A_81 : memref<80x128xf32, #tpu.memory_space<hbm>>) target_semaphore(%arg18 : memref<!tpu.dma_semaphore, #tpu.memory_space<semaphore_mem>>)
      %mul3A_82 = arith.constant 5 : i32
      %mul3A_83 = arith.muli %scan3A_56, %mul3A_82 : i32
      %add3A_84 = arith.constant 1 : i32
      %add3A_85 = arith.addi %mul3A_83, %add3A_84 : i32
      %dma_wait3A_86 = arith.constant 0 : i32
      %dma_wait3A_87 = tpu.memref_slice %arg6[%add3A_85, %dma_wait3A_86] : memref<320x80xi32, #tpu.memory_space<vmem>> -> memref<1x80xi32, #tpu.memory_space<vmem>>
      %dma_wait3A_88 = tpu.memref_squeeze %dma_wait3A_87 : memref<1x80xi32, #tpu.memory_space<vmem>> -> memref<80xi32, #tpu.memory_space<vmem>>
      %dma_wait3A_89 = arith.constant 0 : i32
      %dma_wait3A_90 = arith.constant 0 : i32
      %dma_wait3A_91 = tpu.memref_slice %arg3[%dma_wait3A_89, %dma_wait3A_90] : memref<100000x128xf32, #tpu.memory_space<hbm>> -> memref<100000x128xf32, #tpu.memory_space<hbm>>
      tpu.wait_indirect_dma semaphore(%arg14 : memref<!tpu.dma_semaphore, #tpu.memory_space<semaphore_mem>>) src(%dma_wait3A_91 : memref<100000x128xf32, #tpu.memory_space<hbm>>) dst(%arg9 : memref<80x128xf32, #tpu.memory_space<vmem>>)
      %ge3A_92 = arith.constant 2 : i32
      %ge3A_93 = arith.cmpi sge, %add3A_85, %ge3A_92 : i32
      %convert_element_type3A_94 = arith.extui %ge3A_93 : i1 to i32
      %cond3A_95 = arith.constant 0 : i32
      %cond3A_96 = arith.cmpi ne, %convert_element_type3A_94, %cond3A_95 : i32
      scf.if %cond3A_96 {
        %sub3A = arith.constant 2 : i32
        %sub3A_198 = arith.subi %add3A_85, %sub3A : i32
        %mul3A_199 = arith.constant 80 : i32
        %mul3A_200 = arith.muli %sub3A_198, %mul3A_199 : i32
        %add3A_201 = arith.addi %mul3A_4, %mul3A_200 : i32
        %dma_wait3A_202 = arith.constant 0 : i32
        %dma_wait3A_203 = tpu.memref_slice %arg5[%add3A_201, %dma_wait3A_202] : memref<819200x128xf32, #tpu.memory_space<hbm>> -> memref<80x128xf32, #tpu.memory_space<hbm>>
        %dma_wait3A_204 = arith.constant 0 : i32
        %dma_wait3A_205 = tpu.memref_slice %arg5[%add3A_201, %dma_wait3A_204] : memref<819200x128xf32, #tpu.memory_space<hbm>> -> memref<80x128xf32, #tpu.memory_space<hbm>>
        tpu.wait_dma2 semaphore(%arg22 : memref<!tpu.dma_semaphore, #tpu.memory_space<semaphore_mem>>) src(%arg12 : memref<80x128xf32, #tpu.memory_space<vmem>>) dst(%dma_wait3A_205 : memref<80x128xf32, #tpu.memory_space<hbm>>)
      } else {
      }
      %add3A_97 = arith.constant 3 : i32
      %add3A_98 = arith.addi %add3A_85, %add3A_97 : i32
      %lt3A_99 = arith.constant 320 : i32
      %lt3A_100 = arith.cmpi slt, %add3A_98, %lt3A_99 : i32
      %convert_element_type3A_101 = arith.extui %lt3A_100 : i1 to i32
      %cond3A_102 = arith.constant 0 : i32
      %cond3A_103 = arith.cmpi ne, %convert_element_type3A_101, %cond3A_102 : i32
      scf.if %cond3A_103 {
        %add3A_198 = arith.constant 3 : i32
        %add3A_199 = arith.addi %add3A_85, %add3A_198 : i32
        %mul3A_200 = arith.constant 80 : i32
        %mul3A_201 = arith.muli %add3A_199, %mul3A_200 : i32
        %rem3A_202 = arith.constant 200 : i32
        %rem3A_203 = arith.remsi %mul3A_201, %rem3A_202 : i32
        %parallel_loop3A_204 = arith.constant 0 : i32
        %parallel_loop3A_205 = arith.constant 80 : i32
        %parallel_loop3A_206 = arith.constant 1 : i32
        scf.for %parallel_loop3A_215 = %parallel_loop3A_204 to %parallel_loop3A_205 step %parallel_loop3A_206  : i32 {
          %parallel_loop3A_216 = arith.addi %rem3A_203, %parallel_loop3A_215 : i32
          %parallel_loop3A_217 = arith.index_cast %parallel_loop3A_216 : i32 to index
          %parallel_loop3A_218 = arith.constant 0 : index
          %parallel_loop3A_219 = tpu.vector_load %arg7[%parallel_loop3A_217, %parallel_loop3A_218] {strides = array<i32>} : memref<240x128xf32, #tpu.memory_space<vmem>>, vector<1x16xf32>,
          %parallel_loop3A_220 = vector.shape_cast %parallel_loop3A_219 : vector<1x16xf32> to vector<16xf32>
          %parallel_loop3A_221 = arith.index_cast %parallel_loop3A_215 : i32 to index
          %parallel_loop3A_222 = arith.constant 0 : index
          %parallel_loop3A_223 = tpu.vector_load %arg12[%parallel_loop3A_221, %parallel_loop3A_222] {strides = array<i32>} : memref<80x128xf32, #tpu.memory_space<vmem>>, vector<1x16xf32>,
          %parallel_loop3A_224 = vector.shape_cast %parallel_loop3A_223 : vector<1x16xf32> to vector<16xf32>
          %parallel_loop3A_225 = vector.shape_cast %parallel_loop3A_220 : vector<16xf32> to vector<1x16xf32>
          tpu.vector_store %arg12[%parallel_loop3A_221, %parallel_loop3A_222], %parallel_loop3A_225 {strides = array<i32>} : memref<80x128xf32, #tpu.memory_space<vmem>>, vector<1x16xf32>,
          %parallel_loop3A_226 = arith.index_cast %parallel_loop3A_216 : i32 to index
          %parallel_loop3A_227 = arith.constant 16 : index
          %parallel_loop3A_228 = tpu.vector_load %arg7[%parallel_loop3A_226, %parallel_loop3A_227] {strides = array<i32>} : memref<240x128xf32, #tpu.memory_space<vmem>>, vector<1x16xf32>,
          %parallel_loop3A_229 = vector.shape_cast %parallel_loop3A_228 : vector<1x16xf32> to vector<16xf32>
          %parallel_loop3A_230 = arith.index_cast %parallel_loop3A_215 : i32 to index
          %parallel_loop3A_231 = arith.constant 16 : index
          %parallel_loop3A_232 = tpu.vector_load %arg12[%parallel_loop3A_230, %parallel_loop3A_231] {strides = array<i32>} : memref<80x128xf32, #tpu.memory_space<vmem>>, vector<1x16xf32>,
          %parallel_loop3A_233 = vector.shape_cast %parallel_loop3A_232 : vector<1x16xf32> to vector<16xf32>
          %parallel_loop3A_234 = vector.shape_cast %parallel_loop3A_229 : vector<16xf32> to vector<1x16xf32>
          tpu.vector_store %arg12[%parallel_loop3A_230, %parallel_loop3A_231], %parallel_loop3A_234 {strides = array<i32>} : memref<80x128xf32, #tpu.memory_space<vmem>>, vector<1x16xf32>,
          %parallel_loop3A_235 = arith.index_cast %parallel_loop3A_216 : i32 to index
          %parallel_loop3A_236 = arith.constant 32 : index
          %parallel_loop3A_237 = tpu.vector_load %arg7[%parallel_loop3A_235, %parallel_loop3A_236] {strides = array<i32>} : memref<240x128xf32, #tpu.memory_space<vmem>>, vector<1x16xf32>,
          %parallel_loop3A_238 = vector.shape_cast %parallel_loop3A_237 : vector<1x16xf32> to vector<16xf32>
          %parallel_loop3A_239 = arith.index_cast %parallel_loop3A_215 : i32 to index
          %parallel_loop3A_240 = arith.constant 32 : index
          %parallel_loop3A_241 = tpu.vector_load %arg12[%parallel_loop3A_239, %parallel_loop3A_240] {strides = array<i32>} : memref<80x128xf32, #tpu.memory_space<vmem>>, vector<1x16xf32>,
          %parallel_loop3A_242 = vector.shape_cast %parallel_loop3A_241 : vector<1x16xf32> to vector<16xf32>
          %parallel_loop3A_243 = vector.shape_cast %parallel_loop3A_238 : vector<16xf32> to vector<1x16xf32>
          tpu.vector_store %arg12[%parallel_loop3A_239, %parallel_loop3A_240], %parallel_loop3A_243 {strides = array<i32>} : memref<80x128xf32, #tpu.memory_space<vmem>>, vector<1x16xf32>,
          %parallel_loop3A_244 = arith.index_cast %parallel_loop3A_216 : i32 to index
          %parallel_loop3A_245 = arith.constant 48 : index
          %parallel_loop3A_246 = tpu.vector_load %arg7[%parallel_loop3A_244, %parallel_loop3A_245] {strides = array<i32>} : memref<240x128xf32, #tpu.memory_space<vmem>>, vector<1x16xf32>,
          %parallel_loop3A_247 = vector.shape_cast %parallel_loop3A_246 : vector<1x16xf32> to vector<16xf32>
          %parallel_loop3A_248 = arith.index_cast %parallel_loop3A_215 : i32 to index
          %parallel_loop3A_249 = arith.constant 48 : index
          %parallel_loop3A_250 = tpu.vector_load %arg12[%parallel_loop3A_248, %parallel_loop3A_249] {strides = array<i32>} : memref<80x128xf32, #tpu.memory_space<vmem>>, vector<1x16xf32>,
          %parallel_loop3A_251 = vector.shape_cast %parallel_loop3A_250 : vector<1x16xf32> to vector<16xf32>
          %parallel_loop3A_252 = vector.shape_cast %parallel_loop3A_247 : vector<16xf32> to vector<1x16xf32>
          tpu.vector_store %arg12[%parallel_loop3A_248, %parallel_loop3A_249], %parallel_loop3A_252 {strides = array<i32>} : memref<80x128xf32, #tpu.memory_space<vmem>>, vector<1x16xf32>,
          %parallel_loop3A_253 = arith.index_cast %parallel_loop3A_216 : i32 to index
          %parallel_loop3A_254 = arith.constant 64 : index
          %parallel_loop3A_255 = tpu.vector_load %arg7[%parallel_loop3A_253, %parallel_loop3A_254] {strides = array<i32>} : memref<240x128xf32, #tpu.memory_space<vmem>>, vector<1x16xf32>,
          %parallel_loop3A_256 = vector.shape_cast %parallel_loop3A_255 : vector<1x16xf32> to vector<16xf32>
          %parallel_loop3A_257 = arith.index_cast %parallel_loop3A_215 : i32 to index
          %parallel_loop3A_258 = arith.constant 64 : index
          %parallel_loop3A_259 = tpu.vector_load %arg12[%parallel_loop3A_257, %parallel_loop3A_258] {strides = array<i32>} : memref<80x128xf32, #tpu.memory_space<vmem>>, vector<1x16xf32>,
          %parallel_loop3A_260 = vector.shape_cast %parallel_loop3A_259 : vector<1x16xf32> to vector<16xf32>
          %parallel_loop3A_261 = vector.shape_cast %parallel_loop3A_256 : vector<16xf32> to vector<1x16xf32>
          tpu.vector_store %arg12[%parallel_loop3A_257, %parallel_loop3A_258], %parallel_loop3A_261 {strides = array<i32>} : memref<80x128xf32, #tpu.memory_space<vmem>>, vector<1x16xf32>,
          %parallel_loop3A_262 = arith.index_cast %parallel_loop3A_216 : i32 to index
          %parallel_loop3A_263 = arith.constant 80 : index
          %parallel_loop3A_264 = tpu.vector_load %arg7[%parallel_loop3A_262, %parallel_loop3A_263] {strides = array<i32>} : memref<240x128xf32, #tpu.memory_space<vmem>>, vector<1x16xf32>,
          %parallel_loop3A_265 = vector.shape_cast %parallel_loop3A_264 : vector<1x16xf32> to vector<16xf32>
          %parallel_loop3A_266 = arith.index_cast %parallel_loop3A_215 : i32 to index
          %parallel_loop3A_267 = arith.constant 80 : index
          %parallel_loop3A_268 = tpu.vector_load %arg12[%parallel_loop3A_266, %parallel_loop3A_267] {strides = array<i32>} : memref<80x128xf32, #tpu.memory_space<vmem>>, vector<1x16xf32>,
          %parallel_loop3A_269 = vector.shape_cast %parallel_loop3A_268 : vector<1x16xf32> to vector<16xf32>
          %parallel_loop3A_270 = vector.shape_cast %parallel_loop3A_265 : vector<16xf32> to vector<1x16xf32>
          tpu.vector_store %arg12[%parallel_loop3A_266, %parallel_loop3A_267], %parallel_loop3A_270 {strides = array<i32>} : memref<80x128xf32, #tpu.memory_space<vmem>>, vector<1x16xf32>,
          %parallel_loop3A_271 = arith.index_cast %parallel_loop3A_216 : i32 to index
          %parallel_loop3A_272 = arith.constant 96 : index
          %parallel_loop3A_273 = tpu.vector_load %arg7[%parallel_loop3A_271, %parallel_loop3A_272] {strides = array<i32>} : memref<240x128xf32, #tpu.memory_space<vmem>>, vector<1x16xf32>,
          %parallel_loop3A_274 = vector.shape_cast %parallel_loop3A_273 : vector<1x16xf32> to vector<16xf32>
          %parallel_loop3A_275 = arith.index_cast %parallel_loop3A_215 : i32 to index
          %parallel_loop3A_276 = arith.constant 96 : index
          %parallel_loop3A_277 = tpu.vector_load %arg12[%parallel_loop3A_275, %parallel_loop3A_276] {strides = array<i32>} : memref<80x128xf32, #tpu.memory_space<vmem>>, vector<1x16xf32>,
          %parallel_loop3A_278 = vector.shape_cast %parallel_loop3A_277 : vector<1x16xf32> to vector<16xf32>
          %parallel_loop3A_279 = vector.shape_cast %parallel_loop3A_274 : vector<16xf32> to vector<1x16xf32>
          tpu.vector_store %arg12[%parallel_loop3A_275, %parallel_loop3A_276], %parallel_loop3A_279 {strides = array<i32>} : memref<80x128xf32, #tpu.memory_space<vmem>>, vector<1x16xf32>,
          %parallel_loop3A_280 = arith.index_cast %parallel_loop3A_216 : i32 to index
          %parallel_loop3A_281 = arith.constant 112 : index
          %parallel_loop3A_282 = tpu.vector_load %arg7[%parallel_loop3A_280, %parallel_loop3A_281] {strides = array<i32>} : memref<240x128xf32, #tpu.memory_space<vmem>>, vector<1x16xf32>,
          %parallel_loop3A_283 = vector.shape_cast %parallel_loop3A_282 : vector<1x16xf32> to vector<16xf32>
          %parallel_loop3A_284 = arith.index_cast %parallel_loop3A_215 : i32 to index
          %parallel_loop3A_285 = arith.constant 112 : index
          %parallel_loop3A_286 = tpu.vector_load %arg12[%parallel_loop3A_284, %parallel_loop3A_285] {strides = array<i32>} : memref<80x128xf32, #tpu.memory_space<vmem>>, vector<1x16xf32>,
          %parallel_loop3A_287 = vector.shape_cast %parallel_loop3A_286 : vector<1x16xf32> to vector<16xf32>
          %parallel_loop3A_288 = vector.shape_cast %parallel_loop3A_283 : vector<16xf32> to vector<1x16xf32>
          tpu.vector_store %arg12[%parallel_loop3A_284, %parallel_loop3A_285], %parallel_loop3A_288 {strides = array<i32>} : memref<80x128xf32, #tpu.memory_space<vmem>>, vector<1x16xf32>,
        } {sc.loop_unroll_factor = 4 : i64, sc.parallel_access}
        %add3A_207 = arith.constant 3 : i32
        %add3A_208 = arith.addi %add3A_85, %add3A_207 : i32
        %dma_start3A_209 = arith.constant 0 : i32
        %dma_start3A_210 = tpu.memref_slice %arg6[%add3A_208, %dma_start3A_209] : memref<320x80xi32, #tpu.memory_space<vmem>> -> memref<1x80xi32, #tpu.memory_space<vmem>>
        %dma_start3A_211 = tpu.memref_squeeze %dma_start3A_210 : memref<1x80xi32, #tpu.memory_space<vmem>> -> memref<80xi32, #tpu.memory_space<vmem>>
        %dma_start3A_212 = arith.constant 0 : i32
        %dma_start3A_213 = arith.constant 0 : i32
        %dma_start3A_214 = tpu.memref_slice %arg3[%dma_start3A_212, %dma_start3A_213] : memref<100000x128xf32, #tpu.memory_space<hbm>> -> memref<100000x128xf32, #tpu.memory_space<hbm>>
        tpu.enqueue_indirect_dma source(%dma_start3A_214 : memref<100000x128xf32, #tpu.memory_space<hbm>>) target(%arg12 : memref<80x128xf32, #tpu.memory_space<vmem>>) offsets(%dma_start3A_211 : memref<80xi32, #tpu.memory_space<vmem>>) semaphore(%arg17 : memref<!tpu.dma_semaphore, #tpu.memory_space<semaphore_mem>>) {add = true}
      } else {
      }
      %mul3A_104 = arith.constant 80 : i32
      %mul3A_105 = arith.muli %add3A_85, %mul3A_104 : i32
      %add3A_106 = arith.addi %mul3A_4, %mul3A_105 : i32
      %dma_start3A_107 = arith.constant 0 : i32
      %dma_start3A_108 = tpu.memref_slice %arg5[%add3A_106, %dma_start3A_107] : memref<819200x128xf32, #tpu.memory_space<hbm>> -> memref<80x128xf32, #tpu.memory_space<hbm>>
      %dma_start3A_109 = arith.constant 0 : i32
      %dma_start3A_110 = tpu.memref_slice %arg5[%add3A_106, %dma_start3A_109] : memref<819200x128xf32, #tpu.memory_space<hbm>> -> memref<80x128xf32, #tpu.memory_space<hbm>>
      tpu.enqueue_dma source(%arg9 : memref<80x128xf32, #tpu.memory_space<vmem>>) target(%dma_start3A_110 : memref<80x128xf32, #tpu.memory_space<hbm>>) target_semaphore(%arg19 : memref<!tpu.dma_semaphore, #tpu.memory_space<semaphore_mem>>)
      %mul3A_111 = arith.constant 5 : i32
      %mul3A_112 = arith.muli %scan3A_56, %mul3A_111 : i32
      %add3A_113 = arith.constant 2 : i32
      %add3A_114 = arith.addi %mul3A_112, %add3A_113 : i32
      %dma_wait3A_115 = arith.constant 0 : i32
      %dma_wait3A_116 = tpu.memref_slice %arg6[%add3A_114, %dma_wait3A_115] : memref<320x80xi32, #tpu.memory_space<vmem>> -> memref<1x80xi32, #tpu.memory_space<vmem>>
      %dma_wait3A_117 = tpu.memref_squeeze %dma_wait3A_116 : memref<1x80xi32, #tpu.memory_space<vmem>> -> memref<80xi32, #tpu.memory_space<vmem>>
      %dma_wait3A_118 = arith.constant 0 : i32
      %dma_wait3A_119 = arith.constant 0 : i32
      %dma_wait3A_120 = tpu.memref_slice %arg3[%dma_wait3A_118, %dma_wait3A_119] : memref<100000x128xf32, #tpu.memory_space<hbm>> -> memref<100000x128xf32, #tpu.memory_space<hbm>>
      tpu.wait_indirect_dma semaphore(%arg15 : memref<!tpu.dma_semaphore, #tpu.memory_space<semaphore_mem>>) src(%dma_wait3A_120 : memref<100000x128xf32, #tpu.memory_space<hbm>>) dst(%arg10 : memref<80x128xf32, #tpu.memory_space<vmem>>)
      %ge3A_121 = arith.constant 2 : i32
      %ge3A_122 = arith.cmpi sge, %add3A_114, %ge3A_121 : i32
      %convert_element_type3A_123 = arith.extui %ge3A_122 : i1 to i32
      %cond3A_124 = arith.constant 0 : i32
      %cond3A_125 = arith.cmpi ne, %convert_element_type3A_123, %cond3A_124 : i32
      scf.if %cond3A_125 {
        %sub3A = arith.constant 2 : i32
        %sub3A_198 = arith.subi %add3A_114, %sub3A : i32
        %mul3A_199 = arith.constant 80 : i32
        %mul3A_200 = arith.muli %sub3A_198, %mul3A_199 : i32
        %add3A_201 = arith.addi %mul3A_4, %mul3A_200 : i32
        %dma_wait3A_202 = arith.constant 0 : i32
        %dma_wait3A_203 = tpu.memref_slice %arg5[%add3A_201, %dma_wait3A_202] : memref<819200x128xf32, #tpu.memory_space<hbm>> -> memref<80x128xf32, #tpu.memory_space<hbm>>
        %dma_wait3A_204 = arith.constant 0 : i32
        %dma_wait3A_205 = tpu.memref_slice %arg5[%add3A_201, %dma_wait3A_204] : memref<819200x128xf32, #tpu.memory_space<hbm>> -> memref<80x128xf32, #tpu.memory_space<hbm>>
        tpu.wait_dma2 semaphore(%arg18 : memref<!tpu.dma_semaphore, #tpu.memory_space<semaphore_mem>>) src(%arg8 : memref<80x128xf32, #tpu.memory_space<vmem>>) dst(%dma_wait3A_205 : memref<80x128xf32, #tpu.memory_space<hbm>>)
      } else {
      }
      %add3A_126 = arith.constant 3 : i32
      %add3A_127 = arith.addi %add3A_114, %add3A_126 : i32
      %lt3A_128 = arith.constant 320 : i32
      %lt3A_129 = arith.cmpi slt, %add3A_127, %lt3A_128 : i32
      %convert_element_type3A_130 = arith.extui %lt3A_129 : i1 to i32
      %cond3A_131 = arith.constant 0 : i32
      %cond3A_132 = arith.cmpi ne, %convert_element_type3A_130, %cond3A_131 : i32
      scf.if %cond3A_132 {
        %add3A_198 = arith.constant 3 : i32
        %add3A_199 = arith.addi %add3A_114, %add3A_198 : i32
        %mul3A_200 = arith.constant 80 : i32
        %mul3A_201 = arith.muli %add3A_199, %mul3A_200 : i32
        %rem3A_202 = arith.constant 200 : i32
        %rem3A_203 = arith.remsi %mul3A_201, %rem3A_202 : i32
        %parallel_loop3A_204 = arith.constant 0 : i32
        %parallel_loop3A_205 = arith.constant 80 : i32
        %parallel_loop3A_206 = arith.constant 1 : i32
        scf.for %parallel_loop3A_215 = %parallel_loop3A_204 to %parallel_loop3A_205 step %parallel_loop3A_206  : i32 {
          %parallel_loop3A_216 = arith.addi %rem3A_203, %parallel_loop3A_215 : i32
          %parallel_loop3A_217 = arith.index_cast %parallel_loop3A_216 : i32 to index
          %parallel_loop3A_218 = arith.constant 0 : index
          %parallel_loop3A_219 = tpu.vector_load %arg7[%parallel_loop3A_217, %parallel_loop3A_218] {strides = array<i32>} : memref<240x128xf32, #tpu.memory_space<vmem>>, vector<1x16xf32>,
          %parallel_loop3A_220 = vector.shape_cast %parallel_loop3A_219 : vector<1x16xf32> to vector<16xf32>
          %parallel_loop3A_221 = arith.index_cast %parallel_loop3A_215 : i32 to index
          %parallel_loop3A_222 = arith.constant 0 : index
          %parallel_loop3A_223 = tpu.vector_load %arg8[%parallel_loop3A_221, %parallel_loop3A_222] {strides = array<i32>} : memref<80x128xf32, #tpu.memory_space<vmem>>, vector<1x16xf32>,
          %parallel_loop3A_224 = vector.shape_cast %parallel_loop3A_223 : vector<1x16xf32> to vector<16xf32>
          %parallel_loop3A_225 = vector.shape_cast %parallel_loop3A_220 : vector<16xf32> to vector<1x16xf32>
          tpu.vector_store %arg8[%parallel_loop3A_221, %parallel_loop3A_222], %parallel_loop3A_225 {strides = array<i32>} : memref<80x128xf32, #tpu.memory_space<vmem>>, vector<1x16xf32>,
          %parallel_loop3A_226 = arith.index_cast %parallel_loop3A_216 : i32 to index
          %parallel_loop3A_227 = arith.constant 16 : index
          %parallel_loop3A_228 = tpu.vector_load %arg7[%parallel_loop3A_226, %parallel_loop3A_227] {strides = array<i32>} : memref<240x128xf32, #tpu.memory_space<vmem>>, vector<1x16xf32>,
          %parallel_loop3A_229 = vector.shape_cast %parallel_loop3A_228 : vector<1x16xf32> to vector<16xf32>
          %parallel_loop3A_230 = arith.index_cast %parallel_loop3A_215 : i32 to index
          %parallel_loop3A_231 = arith.constant 16 : index
          %parallel_loop3A_232 = tpu.vector_load %arg8[%parallel_loop3A_230, %parallel_loop3A_231] {strides = array<i32>} : memref<80x128xf32, #tpu.memory_space<vmem>>, vector<1x16xf32>,
          %parallel_loop3A_233 = vector.shape_cast %parallel_loop3A_232 : vector<1x16xf32> to vector<16xf32>
          %parallel_loop3A_234 = vector.shape_cast %parallel_loop3A_229 : vector<16xf32> to vector<1x16xf32>
          tpu.vector_store %arg8[%parallel_loop3A_230, %parallel_loop3A_231], %parallel_loop3A_234 {strides = array<i32>} : memref<80x128xf32, #tpu.memory_space<vmem>>, vector<1x16xf32>,
          %parallel_loop3A_235 = arith.index_cast %parallel_loop3A_216 : i32 to index
          %parallel_loop3A_236 = arith.constant 32 : index
          %parallel_loop3A_237 = tpu.vector_load %arg7[%parallel_loop3A_235, %parallel_loop3A_236] {strides = array<i32>} : memref<240x128xf32, #tpu.memory_space<vmem>>, vector<1x16xf32>,
          %parallel_loop3A_238 = vector.shape_cast %parallel_loop3A_237 : vector<1x16xf32> to vector<16xf32>
          %parallel_loop3A_239 = arith.index_cast %parallel_loop3A_215 : i32 to index
          %parallel_loop3A_240 = arith.constant 32 : index
          %parallel_loop3A_241 = tpu.vector_load %arg8[%parallel_loop3A_239, %parallel_loop3A_240] {strides = array<i32>} : memref<80x128xf32, #tpu.memory_space<vmem>>, vector<1x16xf32>,
          %parallel_loop3A_242 = vector.shape_cast %parallel_loop3A_241 : vector<1x16xf32> to vector<16xf32>
          %parallel_loop3A_243 = vector.shape_cast %parallel_loop3A_238 : vector<16xf32> to vector<1x16xf32>
          tpu.vector_store %arg8[%parallel_loop3A_239, %parallel_loop3A_240], %parallel_loop3A_243 {strides = array<i32>} : memref<80x128xf32, #tpu.memory_space<vmem>>, vector<1x16xf32>,
          %parallel_loop3A_244 = arith.index_cast %parallel_loop3A_216 : i32 to index
          %parallel_loop3A_245 = arith.constant 48 : index
          %parallel_loop3A_246 = tpu.vector_load %arg7[%parallel_loop3A_244, %parallel_loop3A_245] {strides = array<i32>} : memref<240x128xf32, #tpu.memory_space<vmem>>, vector<1x16xf32>,
          %parallel_loop3A_247 = vector.shape_cast %parallel_loop3A_246 : vector<1x16xf32> to vector<16xf32>
          %parallel_loop3A_248 = arith.index_cast %parallel_loop3A_215 : i32 to index
          %parallel_loop3A_249 = arith.constant 48 : index
          %parallel_loop3A_250 = tpu.vector_load %arg8[%parallel_loop3A_248, %parallel_loop3A_249] {strides = array<i32>} : memref<80x128xf32, #tpu.memory_space<vmem>>, vector<1x16xf32>,
          %parallel_loop3A_251 = vector.shape_cast %parallel_loop3A_250 : vector<1x16xf32> to vector<16xf32>
          %parallel_loop3A_252 = vector.shape_cast %parallel_loop3A_247 : vector<16xf32> to vector<1x16xf32>
          tpu.vector_store %arg8[%parallel_loop3A_248, %parallel_loop3A_249], %parallel_loop3A_252 {strides = array<i32>} : memref<80x128xf32, #tpu.memory_space<vmem>>, vector<1x16xf32>,
          %parallel_loop3A_253 = arith.index_cast %parallel_loop3A_216 : i32 to index
          %parallel_loop3A_254 = arith.constant 64 : index
          %parallel_loop3A_255 = tpu.vector_load %arg7[%parallel_loop3A_253, %parallel_loop3A_254] {strides = array<i32>} : memref<240x128xf32, #tpu.memory_space<vmem>>, vector<1x16xf32>,
          %parallel_loop3A_256 = vector.shape_cast %parallel_loop3A_255 : vector<1x16xf32> to vector<16xf32>
          %parallel_loop3A_257 = arith.index_cast %parallel_loop3A_215 : i32 to index
          %parallel_loop3A_258 = arith.constant 64 : index
          %parallel_loop3A_259 = tpu.vector_load %arg8[%parallel_loop3A_257, %parallel_loop3A_258] {strides = array<i32>} : memref<80x128xf32, #tpu.memory_space<vmem>>, vector<1x16xf32>,
          %parallel_loop3A_260 = vector.shape_cast %parallel_loop3A_259 : vector<1x16xf32> to vector<16xf32>
          %parallel_loop3A_261 = vector.shape_cast %parallel_loop3A_256 : vector<16xf32> to vector<1x16xf32>
          tpu.vector_store %arg8[%parallel_loop3A_257, %parallel_loop3A_258], %parallel_loop3A_261 {strides = array<i32>} : memref<80x128xf32, #tpu.memory_space<vmem>>, vector<1x16xf32>,
          %parallel_loop3A_262 = arith.index_cast %parallel_loop3A_216 : i32 to index
          %parallel_loop3A_263 = arith.constant 80 : index
          %parallel_loop3A_264 = tpu.vector_load %arg7[%parallel_loop3A_262, %parallel_loop3A_263] {strides = array<i32>} : memref<240x128xf32, #tpu.memory_space<vmem>>, vector<1x16xf32>,
          %parallel_loop3A_265 = vector.shape_cast %parallel_loop3A_264 : vector<1x16xf32> to vector<16xf32>
          %parallel_loop3A_266 = arith.index_cast %parallel_loop3A_215 : i32 to index
          %parallel_loop3A_267 = arith.constant 80 : index
          %parallel_loop3A_268 = tpu.vector_load %arg8[%parallel_loop3A_266, %parallel_loop3A_267] {strides = array<i32>} : memref<80x128xf32, #tpu.memory_space<vmem>>, vector<1x16xf32>,
          %parallel_loop3A_269 = vector.shape_cast %parallel_loop3A_268 : vector<1x16xf32> to vector<16xf32>
          %parallel_loop3A_270 = vector.shape_cast %parallel_loop3A_265 : vector<16xf32> to vector<1x16xf32>
          tpu.vector_store %arg8[%parallel_loop3A_266, %parallel_loop3A_267], %parallel_loop3A_270 {strides = array<i32>} : memref<80x128xf32, #tpu.memory_space<vmem>>, vector<1x16xf32>,
          %parallel_loop3A_271 = arith.index_cast %parallel_loop3A_216 : i32 to index
          %parallel_loop3A_272 = arith.constant 96 : index
          %parallel_loop3A_273 = tpu.vector_load %arg7[%parallel_loop3A_271, %parallel_loop3A_272] {strides = array<i32>} : memref<240x128xf32, #tpu.memory_space<vmem>>, vector<1x16xf32>,
          %parallel_loop3A_274 = vector.shape_cast %parallel_loop3A_273 : vector<1x16xf32> to vector<16xf32>
          %parallel_loop3A_275 = arith.index_cast %parallel_loop3A_215 : i32 to index
          %parallel_loop3A_276 = arith.constant 96 : index
          %parallel_loop3A_277 = tpu.vector_load %arg8[%parallel_loop3A_275, %parallel_loop3A_276] {strides = array<i32>} : memref<80x128xf32, #tpu.memory_space<vmem>>, vector<1x16xf32>,
          %parallel_loop3A_278 = vector.shape_cast %parallel_loop3A_277 : vector<1x16xf32> to vector<16xf32>
          %parallel_loop3A_279 = vector.shape_cast %parallel_loop3A_274 : vector<16xf32> to vector<1x16xf32>
          tpu.vector_store %arg8[%parallel_loop3A_275, %parallel_loop3A_276], %parallel_loop3A_279 {strides = array<i32>} : memref<80x128xf32, #tpu.memory_space<vmem>>, vector<1x16xf32>,
          %parallel_loop3A_280 = arith.index_cast %parallel_loop3A_216 : i32 to index
          %parallel_loop3A_281 = arith.constant 112 : index
          %parallel_loop3A_282 = tpu.vector_load %arg7[%parallel_loop3A_280, %parallel_loop3A_281] {strides = array<i32>} : memref<240x128xf32, #tpu.memory_space<vmem>>, vector<1x16xf32>,
          %parallel_loop3A_283 = vector.shape_cast %parallel_loop3A_282 : vector<1x16xf32> to vector<16xf32>
          %parallel_loop3A_284 = arith.index_cast %parallel_loop3A_215 : i32 to index
          %parallel_loop3A_285 = arith.constant 112 : index
          %parallel_loop3A_286 = tpu.vector_load %arg8[%parallel_loop3A_284, %parallel_loop3A_285] {strides = array<i32>} : memref<80x128xf32, #tpu.memory_space<vmem>>, vector<1x16xf32>,
          %parallel_loop3A_287 = vector.shape_cast %parallel_loop3A_286 : vector<1x16xf32> to vector<16xf32>
          %parallel_loop3A_288 = vector.shape_cast %parallel_loop3A_283 : vector<16xf32> to vector<1x16xf32>
          tpu.vector_store %arg8[%parallel_loop3A_284, %parallel_loop3A_285], %parallel_loop3A_288 {strides = array<i32>} : memref<80x128xf32, #tpu.memory_space<vmem>>, vector<1x16xf32>,
        } {sc.loop_unroll_factor = 4 : i64, sc.parallel_access}
        %add3A_207 = arith.constant 3 : i32
        %add3A_208 = arith.addi %add3A_114, %add3A_207 : i32
        %dma_start3A_209 = arith.constant 0 : i32
        %dma_start3A_210 = tpu.memref_slice %arg6[%add3A_208, %dma_start3A_209] : memref<320x80xi32, #tpu.memory_space<vmem>> -> memref<1x80xi32, #tpu.memory_space<vmem>>
        %dma_start3A_211 = tpu.memref_squeeze %dma_start3A_210 : memref<1x80xi32, #tpu.memory_space<vmem>> -> memref<80xi32, #tpu.memory_space<vmem>>
        %dma_start3A_212 = arith.constant 0 : i32
        %dma_start3A_213 = arith.constant 0 : i32
        %dma_start3A_214 = tpu.memref_slice %arg3[%dma_start3A_212, %dma_start3A_213] : memref<100000x128xf32, #tpu.memory_space<hbm>> -> memref<100000x128xf32, #tpu.memory_space<hbm>>
        tpu.enqueue_indirect_dma source(%dma_start3A_214 : memref<100000x128xf32, #tpu.memory_space<hbm>>) target(%arg8 : memref<80x128xf32, #tpu.memory_space<vmem>>) offsets(%dma_start3A_211 : memref<80xi32, #tpu.memory_space<vmem>>) semaphore(%arg13 : memref<!tpu.dma_semaphore, #tpu.memory_space<semaphore_mem>>) {add = true}
      } else {
      }
      %mul3A_133 = arith.constant 80 : i32
      %mul3A_134 = arith.muli %add3A_114, %mul3A_133 : i32
      %add3A_135 = arith.addi %mul3A_4, %mul3A_134 : i32
      %dma_start3A_136 = arith.constant 0 : i32
      %dma_start3A_137 = tpu.memref_slice %arg5[%add3A_135, %dma_start3A_136] : memref<819200x128xf32, #tpu.memory_space<hbm>> -> memref<80x128xf32, #tpu.memory_space<hbm>>
      %dma_start3A_138 = arith.constant 0 : i32
      %dma_start3A_139 = tpu.memref_slice %arg5[%add3A_135, %dma_start3A_138] : memref<819200x128xf32, #tpu.memory_space<hbm>> -> memref<80x128xf32, #tpu.memory_space<hbm>>
      tpu.enqueue_dma source(%arg10 : memref<80x128xf32, #tpu.memory_space<vmem>>) target(%dma_start3A_139 : memref<80x128xf32, #tpu.memory_space<hbm>>) target_semaphore(%arg20 : memref<!tpu.dma_semaphore, #tpu.memory_space<semaphore_mem>>)
      %mul3A_140 = arith.constant 5 : i32
      %mul3A_141 = arith.muli %scan3A_56, %mul3A_140 : i32
      %add3A_142 = arith.constant 3 : i32
      %add3A_143 = arith.addi %mul3A_141, %add3A_142 : i32
      %dma_wait3A_144 = arith.constant 0 : i32
      %dma_wait3A_145 = tpu.memref_slice %arg6[%add3A_143, %dma_wait3A_144] : memref<320x80xi32, #tpu.memory_space<vmem>> -> memref<1x80xi32, #tpu.memory_space<vmem>>
      %dma_wait3A_146 = tpu.memref_squeeze %dma_wait3A_145 : memref<1x80xi32, #tpu.memory_space<vmem>> -> memref<80xi32, #tpu.memory_space<vmem>>
      %dma_wait3A_147 = arith.constant 0 : i32
      %dma_wait3A_148 = arith.constant 0 : i32
      %dma_wait3A_149 = tpu.memref_slice %arg3[%dma_wait3A_147, %dma_wait3A_148] : memref<100000x128xf32, #tpu.memory_space<hbm>> -> memref<100000x128xf32, #tpu.memory_space<hbm>>
      tpu.wait_indirect_dma semaphore(%arg16 : memref<!tpu.dma_semaphore, #tpu.memory_space<semaphore_mem>>) src(%dma_wait3A_149 : memref<100000x128xf32, #tpu.memory_space<hbm>>) dst(%arg11 : memref<80x128xf32, #tpu.memory_space<vmem>>)
      %ge3A_150 = arith.constant 2 : i32
      %ge3A_151 = arith.cmpi sge, %add3A_143, %ge3A_150 : i32
      %convert_element_type3A_152 = arith.extui %ge3A_151 : i1 to i32
      %cond3A_153 = arith.constant 0 : i32
      %cond3A_154 = arith.cmpi ne, %convert_element_type3A_152, %cond3A_153 : i32
      scf.if %cond3A_154 {
        %sub3A = arith.constant 2 : i32
        %sub3A_198 = arith.subi %add3A_143, %sub3A : i32
        %mul3A_199 = arith.constant 80 : i32
        %mul3A_200 = arith.muli %sub3A_198, %mul3A_199 : i32
        %add3A_201 = arith.addi %mul3A_4, %mul3A_200 : i32
        %dma_wait3A_202 = arith.constant 0 : i32
        %dma_wait3A_203 = tpu.memref_slice %arg5[%add3A_201, %dma_wait3A_202] : memref<819200x128xf32, #tpu.memory_space<hbm>> -> memref<80x128xf32, #tpu.memory_space<hbm>>
        %dma_wait3A_204 = arith.constant 0 : i32
        %dma_wait3A_205 = tpu.memref_slice %arg5[%add3A_201, %dma_wait3A_204] : memref<819200x128xf32, #tpu.memory_space<hbm>> -> memref<80x128xf32, #tpu.memory_space<hbm>>
        tpu.wait_dma2 semaphore(%arg19 : memref<!tpu.dma_semaphore, #tpu.memory_space<semaphore_mem>>) src(%arg9 : memref<80x128xf32, #tpu.memory_space<vmem>>) dst(%dma_wait3A_205 : memref<80x128xf32, #tpu.memory_space<hbm>>)
      } else {
      }
      %add3A_155 = arith.constant 3 : i32
      %add3A_156 = arith.addi %add3A_143, %add3A_155 : i32
      %lt3A_157 = arith.constant 320 : i32
      %lt3A_158 = arith.cmpi slt, %add3A_156, %lt3A_157 : i32
      %convert_element_type3A_159 = arith.extui %lt3A_158 : i1 to i32
      %cond3A_160 = arith.constant 0 : i32
      %cond3A_161 = arith.cmpi ne, %convert_element_type3A_159, %cond3A_160 : i32
      scf.if %cond3A_161 {
        %add3A_198 = arith.constant 3 : i32
        %add3A_199 = arith.addi %add3A_143, %add3A_198 : i32
        %mul3A_200 = arith.constant 80 : i32
        %mul3A_201 = arith.muli %add3A_199, %mul3A_200 : i32
        %rem3A_202 = arith.constant 200 : i32
        %rem3A_203 = arith.remsi %mul3A_201, %rem3A_202 : i32
        %parallel_loop3A_204 = arith.constant 0 : i32
        %parallel_loop3A_205 = arith.constant 80 : i32
        %parallel_loop3A_206 = arith.constant 1 : i32
        scf.for %parallel_loop3A_215 = %parallel_loop3A_204 to %parallel_loop3A_205 step %parallel_loop3A_206  : i32 {
          %parallel_loop3A_216 = arith.addi %rem3A_203, %parallel_loop3A_215 : i32
          %parallel_loop3A_217 = arith.index_cast %parallel_loop3A_216 : i32 to index
          %parallel_loop3A_218 = arith.constant 0 : index
          %parallel_loop3A_219 = tpu.vector_load %arg7[%parallel_loop3A_217, %parallel_loop3A_218] {strides = array<i32>} : memref<240x128xf32, #tpu.memory_space<vmem>>, vector<1x16xf32>,
          %parallel_loop3A_220 = vector.shape_cast %parallel_loop3A_219 : vector<1x16xf32> to vector<16xf32>
          %parallel_loop3A_221 = arith.index_cast %parallel_loop3A_215 : i32 to index
          %parallel_loop3A_222 = arith.constant 0 : index
          %parallel_loop3A_223 = tpu.vector_load %arg9[%parallel_loop3A_221, %parallel_loop3A_222] {strides = array<i32>} : memref<80x128xf32, #tpu.memory_space<vmem>>, vector<1x16xf32>,
          %parallel_loop3A_224 = vector.shape_cast %parallel_loop3A_223 : vector<1x16xf32> to vector<16xf32>
          %parallel_loop3A_225 = vector.shape_cast %parallel_loop3A_220 : vector<16xf32> to vector<1x16xf32>
          tpu.vector_store %arg9[%parallel_loop3A_221, %parallel_loop3A_222], %parallel_loop3A_225 {strides = array<i32>} : memref<80x128xf32, #tpu.memory_space<vmem>>, vector<1x16xf32>,
          %parallel_loop3A_226 = arith.index_cast %parallel_loop3A_216 : i32 to index
          %parallel_loop3A_227 = arith.constant 16 : index
          %parallel_loop3A_228 = tpu.vector_load %arg7[%parallel_loop3A_226, %parallel_loop3A_227] {strides = array<i32>} : memref<240x128xf32, #tpu.memory_space<vmem>>, vector<1x16xf32>,
          %parallel_loop3A_229 = vector.shape_cast %parallel_loop3A_228 : vector<1x16xf32> to vector<16xf32>
          %parallel_loop3A_230 = arith.index_cast %parallel_loop3A_215 : i32 to index
          %parallel_loop3A_231 = arith.constant 16 : index
          %parallel_loop3A_232 = tpu.vector_load %arg9[%parallel_loop3A_230, %parallel_loop3A_231] {strides = array<i32>} : memref<80x128xf32, #tpu.memory_space<vmem>>, vector<1x16xf32>,
          %parallel_loop3A_233 = vector.shape_cast %parallel_loop3A_232 : vector<1x16xf32> to vector<16xf32>
          %parallel_loop3A_234 = vector.shape_cast %parallel_loop3A_229 : vector<16xf32> to vector<1x16xf32>
          tpu.vector_store %arg9[%parallel_loop3A_230, %parallel_loop3A_231], %parallel_loop3A_234 {strides = array<i32>} : memref<80x128xf32, #tpu.memory_space<vmem>>, vector<1x16xf32>,
          %parallel_loop3A_235 = arith.index_cast %parallel_loop3A_216 : i32 to index
          %parallel_loop3A_236 = arith.constant 32 : index
          %parallel_loop3A_237 = tpu.vector_load %arg7[%parallel_loop3A_235, %parallel_loop3A_236] {strides = array<i32>} : memref<240x128xf32, #tpu.memory_space<vmem>>, vector<1x16xf32>,
          %parallel_loop3A_238 = vector.shape_cast %parallel_loop3A_237 : vector<1x16xf32> to vector<16xf32>
          %parallel_loop3A_239 = arith.index_cast %parallel_loop3A_215 : i32 to index
          %parallel_loop3A_240 = arith.constant 32 : index
          %parallel_loop3A_241 = tpu.vector_load %arg9[%parallel_loop3A_239, %parallel_loop3A_240] {strides = array<i32>} : memref<80x128xf32, #tpu.memory_space<vmem>>, vector<1x16xf32>,
          %parallel_loop3A_242 = vector.shape_cast %parallel_loop3A_241 : vector<1x16xf32> to vector<16xf32>
          %parallel_loop3A_243 = vector.shape_cast %parallel_loop3A_238 : vector<16xf32> to vector<1x16xf32>
          tpu.vector_store %arg9[%parallel_loop3A_239, %parallel_loop3A_240], %parallel_loop3A_243 {strides = array<i32>} : memref<80x128xf32, #tpu.memory_space<vmem>>, vector<1x16xf32>,
          %parallel_loop3A_244 = arith.index_cast %parallel_loop3A_216 : i32 to index
          %parallel_loop3A_245 = arith.constant 48 : index
          %parallel_loop3A_246 = tpu.vector_load %arg7[%parallel_loop3A_244, %parallel_loop3A_245] {strides = array<i32>} : memref<240x128xf32, #tpu.memory_space<vmem>>, vector<1x16xf32>,
          %parallel_loop3A_247 = vector.shape_cast %parallel_loop3A_246 : vector<1x16xf32> to vector<16xf32>
          %parallel_loop3A_248 = arith.index_cast %parallel_loop3A_215 : i32 to index
          %parallel_loop3A_249 = arith.constant 48 : index
          %parallel_loop3A_250 = tpu.vector_load %arg9[%parallel_loop3A_248, %parallel_loop3A_249] {strides = array<i32>} : memref<80x128xf32, #tpu.memory_space<vmem>>, vector<1x16xf32>,
          %parallel_loop3A_251 = vector.shape_cast %parallel_loop3A_250 : vector<1x16xf32> to vector<16xf32>
          %parallel_loop3A_252 = vector.shape_cast %parallel_loop3A_247 : vector<16xf32> to vector<1x16xf32>
          tpu.vector_store %arg9[%parallel_loop3A_248, %parallel_loop3A_249], %parallel_loop3A_252 {strides = array<i32>} : memref<80x128xf32, #tpu.memory_space<vmem>>, vector<1x16xf32>,
          %parallel_loop3A_253 = arith.index_cast %parallel_loop3A_216 : i32 to index
          %parallel_loop3A_254 = arith.constant 64 : index
          %parallel_loop3A_255 = tpu.vector_load %arg7[%parallel_loop3A_253, %parallel_loop3A_254] {strides = array<i32>} : memref<240x128xf32, #tpu.memory_space<vmem>>, vector<1x16xf32>,
          %parallel_loop3A_256 = vector.shape_cast %parallel_loop3A_255 : vector<1x16xf32> to vector<16xf32>
          %parallel_loop3A_257 = arith.index_cast %parallel_loop3A_215 : i32 to index
          %parallel_loop3A_258 = arith.constant 64 : index
          %parallel_loop3A_259 = tpu.vector_load %arg9[%parallel_loop3A_257, %parallel_loop3A_258] {strides = array<i32>} : memref<80x128xf32, #tpu.memory_space<vmem>>, vector<1x16xf32>,
          %parallel_loop3A_260 = vector.shape_cast %parallel_loop3A_259 : vector<1x16xf32> to vector<16xf32>
          %parallel_loop3A_261 = vector.shape_cast %parallel_loop3A_256 : vector<16xf32> to vector<1x16xf32>
          tpu.vector_store %arg9[%parallel_loop3A_257, %parallel_loop3A_258], %parallel_loop3A_261 {strides = array<i32>} : memref<80x128xf32, #tpu.memory_space<vmem>>, vector<1x16xf32>,
          %parallel_loop3A_262 = arith.index_cast %parallel_loop3A_216 : i32 to index
          %parallel_loop3A_263 = arith.constant 80 : index
          %parallel_loop3A_264 = tpu.vector_load %arg7[%parallel_loop3A_262, %parallel_loop3A_263] {strides = array<i32>} : memref<240x128xf32, #tpu.memory_space<vmem>>, vector<1x16xf32>,
          %parallel_loop3A_265 = vector.shape_cast %parallel_loop3A_264 : vector<1x16xf32> to vector<16xf32>
          %parallel_loop3A_266 = arith.index_cast %parallel_loop3A_215 : i32 to index
          %parallel_loop3A_267 = arith.constant 80 : index
          %parallel_loop3A_268 = tpu.vector_load %arg9[%parallel_loop3A_266, %parallel_loop3A_267] {strides = array<i32>} : memref<80x128xf32, #tpu.memory_space<vmem>>, vector<1x16xf32>,
          %parallel_loop3A_269 = vector.shape_cast %parallel_loop3A_268 : vector<1x16xf32> to vector<16xf32>
          %parallel_loop3A_270 = vector.shape_cast %parallel_loop3A_265 : vector<16xf32> to vector<1x16xf32>
          tpu.vector_store %arg9[%parallel_loop3A_266, %parallel_loop3A_267], %parallel_loop3A_270 {strides = array<i32>} : memref<80x128xf32, #tpu.memory_space<vmem>>, vector<1x16xf32>,
          %parallel_loop3A_271 = arith.index_cast %parallel_loop3A_216 : i32 to index
          %parallel_loop3A_272 = arith.constant 96 : index
          %parallel_loop3A_273 = tpu.vector_load %arg7[%parallel_loop3A_271, %parallel_loop3A_272] {strides = array<i32>} : memref<240x128xf32, #tpu.memory_space<vmem>>, vector<1x16xf32>,
          %parallel_loop3A_274 = vector.shape_cast %parallel_loop3A_273 : vector<1x16xf32> to vector<16xf32>
          %parallel_loop3A_275 = arith.index_cast %parallel_loop3A_215 : i32 to index
          %parallel_loop3A_276 = arith.constant 96 : index
          %parallel_loop3A_277 = tpu.vector_load %arg9[%parallel_loop3A_275, %parallel_loop3A_276] {strides = array<i32>} : memref<80x128xf32, #tpu.memory_space<vmem>>, vector<1x16xf32>,
          %parallel_loop3A_278 = vector.shape_cast %parallel_loop3A_277 : vector<1x16xf32> to vector<16xf32>
          %parallel_loop3A_279 = vector.shape_cast %parallel_loop3A_274 : vector<16xf32> to vector<1x16xf32>
          tpu.vector_store %arg9[%parallel_loop3A_275, %parallel_loop3A_276], %parallel_loop3A_279 {strides = array<i32>} : memref<80x128xf32, #tpu.memory_space<vmem>>, vector<1x16xf32>,
          %parallel_loop3A_280 = arith.index_cast %parallel_loop3A_216 : i32 to index
          %parallel_loop3A_281 = arith.constant 112 : index
          %parallel_loop3A_282 = tpu.vector_load %arg7[%parallel_loop3A_280, %parallel_loop3A_281] {strides = array<i32>} : memref<240x128xf32, #tpu.memory_space<vmem>>, vector<1x16xf32>,
          %parallel_loop3A_283 = vector.shape_cast %parallel_loop3A_282 : vector<1x16xf32> to vector<16xf32>
          %parallel_loop3A_284 = arith.index_cast %parallel_loop3A_215 : i32 to index
          %parallel_loop3A_285 = arith.constant 112 : index
          %parallel_loop3A_286 = tpu.vector_load %arg9[%parallel_loop3A_284, %parallel_loop3A_285] {strides = array<i32>} : memref<80x128xf32, #tpu.memory_space<vmem>>, vector<1x16xf32>,
          %parallel_loop3A_287 = vector.shape_cast %parallel_loop3A_286 : vector<1x16xf32> to vector<16xf32>
          %parallel_loop3A_288 = vector.shape_cast %parallel_loop3A_283 : vector<16xf32> to vector<1x16xf32>
          tpu.vector_store %arg9[%parallel_loop3A_284, %parallel_loop3A_285], %parallel_loop3A_288 {strides = array<i32>} : memref<80x128xf32, #tpu.memory_space<vmem>>, vector<1x16xf32>,
        } {sc.loop_unroll_factor = 4 : i64, sc.parallel_access}
        %add3A_207 = arith.constant 3 : i32
        %add3A_208 = arith.addi %add3A_143, %add3A_207 : i32
        %dma_start3A_209 = arith.constant 0 : i32
        %dma_start3A_210 = tpu.memref_slice %arg6[%add3A_208, %dma_start3A_209] : memref<320x80xi32, #tpu.memory_space<vmem>> -> memref<1x80xi32, #tpu.memory_space<vmem>>
        %dma_start3A_211 = tpu.memref_squeeze %dma_start3A_210 : memref<1x80xi32, #tpu.memory_space<vmem>> -> memref<80xi32, #tpu.memory_space<vmem>>
        %dma_start3A_212 = arith.constant 0 : i32
        %dma_start3A_213 = arith.constant 0 : i32
        %dma_start3A_214 = tpu.memref_slice %arg3[%dma_start3A_212, %dma_start3A_213] : memref<100000x128xf32, #tpu.memory_space<hbm>> -> memref<100000x128xf32, #tpu.memory_space<hbm>>
        tpu.enqueue_indirect_dma source(%dma_start3A_214 : memref<100000x128xf32, #tpu.memory_space<hbm>>) target(%arg9 : memref<80x128xf32, #tpu.memory_space<vmem>>) offsets(%dma_start3A_211 : memref<80xi32, #tpu.memory_space<vmem>>) semaphore(%arg14 : memref<!tpu.dma_semaphore, #tpu.memory_space<semaphore_mem>>) {add = true}
      } else {
      }
      %mul3A_162 = arith.constant 80 : i32
      %mul3A_163 = arith.muli %add3A_143, %mul3A_162 : i32
      %add3A_164 = arith.addi %mul3A_4, %mul3A_163 : i32
      %dma_start3A_165 = arith.constant 0 : i32
      %dma_start3A_166 = tpu.memref_slice %arg5[%add3A_164, %dma_start3A_165] : memref<819200x128xf32, #tpu.memory_space<hbm>> -> memref<80x128xf32, #tpu.memory_space<hbm>>
      %dma_start3A_167 = arith.constant 0 : i32
      %dma_start3A_168 = tpu.memref_slice %arg5[%add3A_164, %dma_start3A_167] : memref<819200x128xf32, #tpu.memory_space<hbm>> -> memref<80x128xf32, #tpu.memory_space<hbm>>
      tpu.enqueue_dma source(%arg11 : memref<80x128xf32, #tpu.memory_space<vmem>>) target(%dma_start3A_168 : memref<80x128xf32, #tpu.memory_space<hbm>>) target_semaphore(%arg21 : memref<!tpu.dma_semaphore, #tpu.memory_space<semaphore_mem>>)
      %mul3A_169 = arith.constant 5 : i32
      %mul3A_170 = arith.muli %scan3A_56, %mul3A_169 : i32
      %add3A_171 = arith.constant 4 : i32
      %add3A_172 = arith.addi %mul3A_170, %add3A_171 : i32
      %dma_wait3A_173 = arith.constant 0 : i32
      %dma_wait3A_174 = tpu.memref_slice %arg6[%add3A_172, %dma_wait3A_173] : memref<320x80xi32, #tpu.memory_space<vmem>> -> memref<1x80xi32, #tpu.memory_space<vmem>>
      %dma_wait3A_175 = tpu.memref_squeeze %dma_wait3A_174 : memref<1x80xi32, #tpu.memory_space<vmem>> -> memref<80xi32, #tpu.memory_space<vmem>>
      %dma_wait3A_176 = arith.constant 0 : i32
      %dma_wait3A_177 = arith.constant 0 : i32
      %dma_wait3A_178 = tpu.memref_slice %arg3[%dma_wait3A_176, %dma_wait3A_177] : memref<100000x128xf32, #tpu.memory_space<hbm>> -> memref<100000x128xf32, #tpu.memory_space<hbm>>
      tpu.wait_indirect_dma semaphore(%arg17 : memref<!tpu.dma_semaphore, #tpu.memory_space<semaphore_mem>>) src(%dma_wait3A_178 : memref<100000x128xf32, #tpu.memory_space<hbm>>) dst(%arg12 : memref<80x128xf32, #tpu.memory_space<vmem>>)
      %ge3A_179 = arith.constant 2 : i32
      %ge3A_180 = arith.cmpi sge, %add3A_172, %ge3A_179 : i32
      %convert_element_type3A_181 = arith.extui %ge3A_180 : i1 to i32
      %cond3A_182 = arith.constant 0 : i32
      %cond3A_183 = arith.cmpi ne, %convert_element_type3A_181, %cond3A_182 : i32
      scf.if %cond3A_183 {
        %sub3A = arith.constant 2 : i32
        %sub3A_198 = arith.subi %add3A_172, %sub3A : i32
        %mul3A_199 = arith.constant 80 : i32
        %mul3A_200 = arith.muli %sub3A_198, %mul3A_199 : i32
        %add3A_201 = arith.addi %mul3A_4, %mul3A_200 : i32
        %dma_wait3A_202 = arith.constant 0 : i32
        %dma_wait3A_203 = tpu.memref_slice %arg5[%add3A_201, %dma_wait3A_202] : memref<819200x128xf32, #tpu.memory_space<hbm>> -> memref<80x128xf32, #tpu.memory_space<hbm>>
        %dma_wait3A_204 = arith.constant 0 : i32
        %dma_wait3A_205 = tpu.memref_slice %arg5[%add3A_201, %dma_wait3A_204] : memref<819200x128xf32, #tpu.memory_space<hbm>> -> memref<80x128xf32, #tpu.memory_space<hbm>>
        tpu.wait_dma2 semaphore(%arg20 : memref<!tpu.dma_semaphore, #tpu.memory_space<semaphore_mem>>) src(%arg10 : memref<80x128xf32, #tpu.memory_space<vmem>>) dst(%dma_wait3A_205 : memref<80x128xf32, #tpu.memory_space<hbm>>)
      } else {
      }
      %add3A_184 = arith.constant 3 : i32
      %add3A_185 = arith.addi %add3A_172, %add3A_184 : i32
      %lt3A_186 = arith.constant 320 : i32
      %lt3A_187 = arith.cmpi slt, %add3A_185, %lt3A_186 : i32
      %convert_element_type3A_188 = arith.extui %lt3A_187 : i1 to i32
      %cond3A_189 = arith.constant 0 : i32
      %cond3A_190 = arith.cmpi ne, %convert_element_type3A_188, %cond3A_189 : i32
      scf.if %cond3A_190 {
        %add3A_198 = arith.constant 3 : i32
        %add3A_199 = arith.addi %add3A_172, %add3A_198 : i32
        %mul3A_200 = arith.constant 80 : i32
        %mul3A_201 = arith.muli %add3A_199, %mul3A_200 : i32
        %rem3A_202 = arith.constant 200 : i32
        %rem3A_203 = arith.remsi %mul3A_201, %rem3A_202 : i32
        %parallel_loop3A_204 = arith.constant 0 : i32
        %parallel_loop3A_205 = arith.constant 80 : i32
        %parallel_loop3A_206 = arith.constant 1 : i32
        scf.for %parallel_loop3A_215 = %parallel_loop3A_204 to %parallel_loop3A_205 step %parallel_loop3A_206  : i32 {
          %parallel_loop3A_216 = arith.addi %rem3A_203, %parallel_loop3A_215 : i32
          %parallel_loop3A_217 = arith.index_cast %parallel_loop3A_216 : i32 to index
          %parallel_loop3A_218 = arith.constant 0 : index
          %parallel_loop3A_219 = tpu.vector_load %arg7[%parallel_loop3A_217, %parallel_loop3A_218] {strides = array<i32>} : memref<240x128xf32, #tpu.memory_space<vmem>>, vector<1x16xf32>,
          %parallel_loop3A_220 = vector.shape_cast %parallel_loop3A_219 : vector<1x16xf32> to vector<16xf32>
          %parallel_loop3A_221 = arith.index_cast %parallel_loop3A_215 : i32 to index
          %parallel_loop3A_222 = arith.constant 0 : index
          %parallel_loop3A_223 = tpu.vector_load %arg10[%parallel_loop3A_221, %parallel_loop3A_222] {strides = array<i32>} : memref<80x128xf32, #tpu.memory_space<vmem>>, vector<1x16xf32>,
          %parallel_loop3A_224 = vector.shape_cast %parallel_loop3A_223 : vector<1x16xf32> to vector<16xf32>
          %parallel_loop3A_225 = vector.shape_cast %parallel_loop3A_220 : vector<16xf32> to vector<1x16xf32>
          tpu.vector_store %arg10[%parallel_loop3A_221, %parallel_loop3A_222], %parallel_loop3A_225 {strides = array<i32>} : memref<80x128xf32, #tpu.memory_space<vmem>>, vector<1x16xf32>,
          %parallel_loop3A_226 = arith.index_cast %parallel_loop3A_216 : i32 to index
          %parallel_loop3A_227 = arith.constant 16 : index
          %parallel_loop3A_228 = tpu.vector_load %arg7[%parallel_loop3A_226, %parallel_loop3A_227] {strides = array<i32>} : memref<240x128xf32, #tpu.memory_space<vmem>>, vector<1x16xf32>,
          %parallel_loop3A_229 = vector.shape_cast %parallel_loop3A_228 : vector<1x16xf32> to vector<16xf32>
          %parallel_loop3A_230 = arith.index_cast %parallel_loop3A_215 : i32 to index
          %parallel_loop3A_231 = arith.constant 16 : index
          %parallel_loop3A_232 = tpu.vector_load %arg10[%parallel_loop3A_230, %parallel_loop3A_231] {strides = array<i32>} : memref<80x128xf32, #tpu.memory_space<vmem>>, vector<1x16xf32>,
          %parallel_loop3A_233 = vector.shape_cast %parallel_loop3A_232 : vector<1x16xf32> to vector<16xf32>
          %parallel_loop3A_234 = vector.shape_cast %parallel_loop3A_229 : vector<16xf32> to vector<1x16xf32>
          tpu.vector_store %arg10[%parallel_loop3A_230, %parallel_loop3A_231], %parallel_loop3A_234 {strides = array<i32>} : memref<80x128xf32, #tpu.memory_space<vmem>>, vector<1x16xf32>,
          %parallel_loop3A_235 = arith.index_cast %parallel_loop3A_216 : i32 to index
          %parallel_loop3A_236 = arith.constant 32 : index
          %parallel_loop3A_237 = tpu.vector_load %arg7[%parallel_loop3A_235, %parallel_loop3A_236] {strides = array<i32>} : memref<240x128xf32, #tpu.memory_space<vmem>>, vector<1x16xf32>,
          %parallel_loop3A_238 = vector.shape_cast %parallel_loop3A_237 : vector<1x16xf32> to vector<16xf32>
          %parallel_loop3A_239 = arith.index_cast %parallel_loop3A_215 : i32 to index
          %parallel_loop3A_240 = arith.constant 32 : index
          %parallel_loop3A_241 = tpu.vector_load %arg10[%parallel_loop3A_239, %parallel_loop3A_240] {strides = array<i32>} : memref<80x128xf32, #tpu.memory_space<vmem>>, vector<1x16xf32>,
          %parallel_loop3A_242 = vector.shape_cast %parallel_loop3A_241 : vector<1x16xf32> to vector<16xf32>
          %parallel_loop3A_243 = vector.shape_cast %parallel_loop3A_238 : vector<16xf32> to vector<1x16xf32>
          tpu.vector_store %arg10[%parallel_loop3A_239, %parallel_loop3A_240], %parallel_loop3A_243 {strides = array<i32>} : memref<80x128xf32, #tpu.memory_space<vmem>>, vector<1x16xf32>,
          %parallel_loop3A_244 = arith.index_cast %parallel_loop3A_216 : i32 to index
          %parallel_loop3A_245 = arith.constant 48 : index
          %parallel_loop3A_246 = tpu.vector_load %arg7[%parallel_loop3A_244, %parallel_loop3A_245] {strides = array<i32>} : memref<240x128xf32, #tpu.memory_space<vmem>>, vector<1x16xf32>,
          %parallel_loop3A_247 = vector.shape_cast %parallel_loop3A_246 : vector<1x16xf32> to vector<16xf32>
          %parallel_loop3A_248 = arith.index_cast %parallel_loop3A_215 : i32 to index
          %parallel_loop3A_249 = arith.constant 48 : index
          %parallel_loop3A_250 = tpu.vector_load %arg10[%parallel_loop3A_248, %parallel_loop3A_249] {strides = array<i32>} : memref<80x128xf32, #tpu.memory_space<vmem>>, vector<1x16xf32>,
          %parallel_loop3A_251 = vector.shape_cast %parallel_loop3A_250 : vector<1x16xf32> to vector<16xf32>
          %parallel_loop3A_252 = vector.shape_cast %parallel_loop3A_247 : vector<16xf32> to vector<1x16xf32>
          tpu.vector_store %arg10[%parallel_loop3A_248, %parallel_loop3A_249], %parallel_loop3A_252 {strides = array<i32>} : memref<80x128xf32, #tpu.memory_space<vmem>>, vector<1x16xf32>,
          %parallel_loop3A_253 = arith.index_cast %parallel_loop3A_216 : i32 to index
          %parallel_loop3A_254 = arith.constant 64 : index
          %parallel_loop3A_255 = tpu.vector_load %arg7[%parallel_loop3A_253, %parallel_loop3A_254] {strides = array<i32>} : memref<240x128xf32, #tpu.memory_space<vmem>>, vector<1x16xf32>,
          %parallel_loop3A_256 = vector.shape_cast %parallel_loop3A_255 : vector<1x16xf32> to vector<16xf32>
          %parallel_loop3A_257 = arith.index_cast %parallel_loop3A_215 : i32 to index
          %parallel_loop3A_258 = arith.constant 64 : index
          %parallel_loop3A_259 = tpu.vector_load %arg10[%parallel_loop3A_257, %parallel_loop3A_258] {strides = array<i32>} : memref<80x128xf32, #tpu.memory_space<vmem>>, vector<1x16xf32>,
          %parallel_loop3A_260 = vector.shape_cast %parallel_loop3A_259 : vector<1x16xf32> to vector<16xf32>
          %parallel_loop3A_261 = vector.shape_cast %parallel_loop3A_256 : vector<16xf32> to vector<1x16xf32>
          tpu.vector_store %arg10[%parallel_loop3A_257, %parallel_loop3A_258], %parallel_loop3A_261 {strides = array<i32>} : memref<80x128xf32, #tpu.memory_space<vmem>>, vector<1x16xf32>,
          %parallel_loop3A_262 = arith.index_cast %parallel_loop3A_216 : i32 to index
          %parallel_loop3A_263 = arith.constant 80 : index
          %parallel_loop3A_264 = tpu.vector_load %arg7[%parallel_loop3A_262, %parallel_loop3A_263] {strides = array<i32>} : memref<240x128xf32, #tpu.memory_space<vmem>>, vector<1x16xf32>,
          %parallel_loop3A_265 = vector.shape_cast %parallel_loop3A_264 : vector<1x16xf32> to vector<16xf32>
          %parallel_loop3A_266 = arith.index_cast %parallel_loop3A_215 : i32 to index
          %parallel_loop3A_267 = arith.constant 80 : index
          %parallel_loop3A_268 = tpu.vector_load %arg10[%parallel_loop3A_266, %parallel_loop3A_267] {strides = array<i32>} : memref<80x128xf32, #tpu.memory_space<vmem>>, vector<1x16xf32>,
          %parallel_loop3A_269 = vector.shape_cast %parallel_loop3A_268 : vector<1x16xf32> to vector<16xf32>
          %parallel_loop3A_270 = vector.shape_cast %parallel_loop3A_265 : vector<16xf32> to vector<1x16xf32>
          tpu.vector_store %arg10[%parallel_loop3A_266, %parallel_loop3A_267], %parallel_loop3A_270 {strides = array<i32>} : memref<80x128xf32, #tpu.memory_space<vmem>>, vector<1x16xf32>,
          %parallel_loop3A_271 = arith.index_cast %parallel_loop3A_216 : i32 to index
          %parallel_loop3A_272 = arith.constant 96 : index
          %parallel_loop3A_273 = tpu.vector_load %arg7[%parallel_loop3A_271, %parallel_loop3A_272] {strides = array<i32>} : memref<240x128xf32, #tpu.memory_space<vmem>>, vector<1x16xf32>,
          %parallel_loop3A_274 = vector.shape_cast %parallel_loop3A_273 : vector<1x16xf32> to vector<16xf32>
          %parallel_loop3A_275 = arith.index_cast %parallel_loop3A_215 : i32 to index
          %parallel_loop3A_276 = arith.constant 96 : index
          %parallel_loop3A_277 = tpu.vector_load %arg10[%parallel_loop3A_275, %parallel_loop3A_276] {strides = array<i32>} : memref<80x128xf32, #tpu.memory_space<vmem>>, vector<1x16xf32>,
          %parallel_loop3A_278 = vector.shape_cast %parallel_loop3A_277 : vector<1x16xf32> to vector<16xf32>
          %parallel_loop3A_279 = vector.shape_cast %parallel_loop3A_274 : vector<16xf32> to vector<1x16xf32>
          tpu.vector_store %arg10[%parallel_loop3A_275, %parallel_loop3A_276], %parallel_loop3A_279 {strides = array<i32>} : memref<80x128xf32, #tpu.memory_space<vmem>>, vector<1x16xf32>,
          %parallel_loop3A_280 = arith.index_cast %parallel_loop3A_216 : i32 to index
          %parallel_loop3A_281 = arith.constant 112 : index
          %parallel_loop3A_282 = tpu.vector_load %arg7[%parallel_loop3A_280, %parallel_loop3A_281] {strides = array<i32>} : memref<240x128xf32, #tpu.memory_space<vmem>>, vector<1x16xf32>,
          %parallel_loop3A_283 = vector.shape_cast %parallel_loop3A_282 : vector<1x16xf32> to vector<16xf32>
          %parallel_loop3A_284 = arith.index_cast %parallel_loop3A_215 : i32 to index
          %parallel_loop3A_285 = arith.constant 112 : index
          %parallel_loop3A_286 = tpu.vector_load %arg10[%parallel_loop3A_284, %parallel_loop3A_285] {strides = array<i32>} : memref<80x128xf32, #tpu.memory_space<vmem>>, vector<1x16xf32>,
          %parallel_loop3A_287 = vector.shape_cast %parallel_loop3A_286 : vector<1x16xf32> to vector<16xf32>
          %parallel_loop3A_288 = vector.shape_cast %parallel_loop3A_283 : vector<16xf32> to vector<1x16xf32>
          tpu.vector_store %arg10[%parallel_loop3A_284, %parallel_loop3A_285], %parallel_loop3A_288 {strides = array<i32>} : memref<80x128xf32, #tpu.memory_space<vmem>>, vector<1x16xf32>,
        } {sc.loop_unroll_factor = 4 : i64, sc.parallel_access}
        %add3A_207 = arith.constant 3 : i32
        %add3A_208 = arith.addi %add3A_172, %add3A_207 : i32
        %dma_start3A_209 = arith.constant 0 : i32
        %dma_start3A_210 = tpu.memref_slice %arg6[%add3A_208, %dma_start3A_209] : memref<320x80xi32, #tpu.memory_space<vmem>> -> memref<1x80xi32, #tpu.memory_space<vmem>>
        %dma_start3A_211 = tpu.memref_squeeze %dma_start3A_210 : memref<1x80xi32, #tpu.memory_space<vmem>> -> memref<80xi32, #tpu.memory_space<vmem>>
        %dma_start3A_212 = arith.constant 0 : i32
        %dma_start3A_213 = arith.constant 0 : i32
        %dma_start3A_214 = tpu.memref_slice %arg3[%dma_start3A_212, %dma_start3A_213] : memref<100000x128xf32, #tpu.memory_space<hbm>> -> memref<100000x128xf32, #tpu.memory_space<hbm>>
        tpu.enqueue_indirect_dma source(%dma_start3A_214 : memref<100000x128xf32, #tpu.memory_space<hbm>>) target(%arg10 : memref<80x128xf32, #tpu.memory_space<vmem>>) offsets(%dma_start3A_211 : memref<80xi32, #tpu.memory_space<vmem>>) semaphore(%arg15 : memref<!tpu.dma_semaphore, #tpu.memory_space<semaphore_mem>>) {add = true}
      } else {
      }
      %mul3A_191 = arith.constant 80 : i32
      %mul3A_192 = arith.muli %add3A_172, %mul3A_191 : i32
      %add3A_193 = arith.addi %mul3A_4, %mul3A_192 : i32
      %dma_start3A_194 = arith.constant 0 : i32
      %dma_start3A_195 = tpu.memref_slice %arg5[%add3A_193, %dma_start3A_194] : memref<819200x128xf32, #tpu.memory_space<hbm>> -> memref<80x128xf32, #tpu.memory_space<hbm>>
      %dma_start3A_196 = arith.constant 0 : i32
      %dma_start3A_197 = tpu.memref_slice %arg5[%add3A_193, %dma_start3A_196] : memref<819200x128xf32, #tpu.memory_space<hbm>> -> memref<80x128xf32, #tpu.memory_space<hbm>>
      tpu.enqueue_dma source(%arg12 : memref<80x128xf32, #tpu.memory_space<vmem>>) target(%dma_start3A_197 : memref<80x128xf32, #tpu.memory_space<hbm>>) target_semaphore(%arg22 : memref<!tpu.dma_semaphore, #tpu.memory_space<semaphore_mem>>)
    }
    %scan3A_44 = arith.constant 64 : i32
    %add3A_45 = arith.constant 25440 : i32
    %add3A_46 = arith.addi %mul3A_4, %add3A_45 : i32
    %dma_wait3A = arith.constant 0 : i32
    %dma_wait3A_47 = tpu.memref_slice %arg5[%add3A_46, %dma_wait3A] : memref<819200x128xf32, #tpu.memory_space<hbm>> -> memref<80x128xf32, #tpu.memory_space<hbm>>
    %dma_wait3A_48 = arith.constant 0 : i32
    %dma_wait3A_49 = tpu.memref_slice %arg5[%add3A_46, %dma_wait3A_48] : memref<819200x128xf32, #tpu.memory_space<hbm>> -> memref<80x128xf32, #tpu.memory_space<hbm>>
    tpu.wait_dma2 semaphore(%arg21 : memref<!tpu.dma_semaphore, #tpu.memory_space<semaphore_mem>>) src(%arg11 : memref<80x128xf32, #tpu.memory_space<vmem>>) dst(%dma_wait3A_49 : memref<80x128xf32, #tpu.memory_space<hbm>>)
    %add3A_50 = arith.constant 25520 : i32
    %add3A_51 = arith.addi %mul3A_4, %add3A_50 : i32
    %dma_wait3A_52 = arith.constant 0 : i32
    %dma_wait3A_53 = tpu.memref_slice %arg5[%add3A_51, %dma_wait3A_52] : memref<819200x128xf32, #tpu.memory_space<hbm>> -> memref<80x128xf32, #tpu.memory_space<hbm>>
    %dma_wait3A_54 = arith.constant 0 : i32
    %dma_wait3A_55 = tpu.memref_slice %arg5[%add3A_51, %dma_wait3A_54] : memref<819200x128xf32, #tpu.memory_space<hbm>> -> memref<80x128xf32, #tpu.memory_space<hbm>>
    tpu.wait_dma2 semaphore(%arg22 : memref<!tpu.dma_semaphore, #tpu.memory_space<semaphore_mem>>) src(%arg12 : memref<80x128xf32, #tpu.memory_space<vmem>>) dst(%dma_wait3A_55 : memref<80x128xf32, #tpu.memory_space<hbm>>)
    return
  }
}

</mosaic_0001>

<sc_bundles>
// kernel: _run.3.cloned.1.call-start
scs
__scs_entry_jumppad:
0x0: {  	(pc) =	sbr.rel $0x88, $3  }
0x1: {  	(tag) =	ssettag $0x0;
	lr =	simm.s32 $0x1  }
0x2: {  	[smem:$0x3F9E] =	sst lr;
	_ =	strace $0xD0000000  }
0x3: {  	_ = 	snop  }
0x4: {  	_ = 	snop  }
0x5: {  	_ = 	snop  }
0x6: {  	_ = 	snop  }
0x7: {  	_ = 	snop  }
__scs_overlays_trampoline_lowered:
0x8: {  	[smem:$0x3FAD] =	sst s0  }
0x9: {  	[smem:$0x3FAE] =	sst s1  }
0xa: {  	[smem:$0x3FAF] =	sst s2  }
0xb: {  	[smem:$0x3FB0] =	sst s3  }
0xc: {  	[smem:$0x3FB1] =	sst s4  }
0xd: {  	[smem:$0x3FB2] =	sst s5  }
0xe: {  	[smem:$0x3FB3] =	sst s6  }
0xf: {  	[smem:$0x3FB4] =	sst s7  }
0x10: {  	[smem:$0x3FB5] =	sst s8  }
0x11: {  	[smem:$0x3FB6] =	sst s9;
	s0 =	simm.s32 @!p0 $0x0  }
0x12: {  	s1 =	sld [smem:$0x3F9C];
	s0 =	simm.s32 @p0 $0x1  }
0x13: {  	[smem:$0x3FB7] =	sst s0;
	s0 =	simm.s32 @!p1 $0x0  }
0x14: {  	s2 =	sld [smem:$0x3F9B];
	s0 =	simm.s32 @p1 $0x1  }
0x15: {  	[smem:$0x3FB8] =	sst s0;
	s0 =	simm.s32 @!p2 $0x0  }
0x16: {  	s3 =	sld [smem:$0x3FDB];
	s0 =	simm.s32 @p2 $0x1  }
0x17: {  	s4 =	simm.s32 $0x1BF5;
	[smem:$0x3FBA] =	sst s0  }
0x18: {  	s0 =	sld [smem:$0x3F9D];
	_ =	swait.ge [sflag:s4], $0x0  }
0x19: {  	s7 =	sld [smem:$0x3F9E]  }
0x1a: {  	s8 =	sadd.s32 $0xFFFFE003, lr  }
0x1b: {  	s9 =	sadd.s32 $0xFFFFFEF7, lr;
	s5 =	simm.s32 $0xFFFFFFFF;
	p2 =	slt.u32 s8, $0xFFFFF086  }
0x1c: {  	p1 =	slt.u32 s9, $0xF7A;
	s5 =	simm.s32 @!p2 $0x0  }
0x1d: {  	s5 =	simm.s32 @p1 $0x1;
	p0 =	seq.s32 s7, s2  }
0x1e: {  	s7 =	smul.u32 @!p0 $0xF7A, s2;
	p2 =	seq.s32 @!p0 s5, $0x0  }
0x1f: {  	s9 =	smul.u32 $0xF7A, s1;
	s8 =	simm.s32 @!p0 $0x1BF5;
	p2 =	por !p2, p0  }
0x20: {  	[sflag:s8] =	ssyncset.s32 @!p0 $0xFFFFF086;
	s6 =	sadd.s32 @!p0 s3, s7;
	s7 =	simm.s32 @!p0 $0x108  }
0x21: {  	s3 =	sadd.s32 s3, s9;
	s6 =	sadd.s32 @!p0 $0x88, s6;
	s7 =	simm.s32 @p2 $0x1082  }
0x22: {  	[simem:s7], [sflag:s8] =	dma.local @!p0 [hbm:s6], $0xF7A  }
0x23: {  	s9 =	sor.u32 $0xD0000000, s2;
	s6 =	simm.s32 $0x108;
	_ =	swait.ge @!p0 [sflag:s8], $0x0  }
0x24: {  	s3 =	sadd.s32 $0x88, s3;
	s6 =	simm.s32 @!p1 $0x1082;
	[sflag:s4] =	ssyncset.s32 $0xFFFFF086  }
0x25: {  	[simem:s6], [sflag:s4] =	dma.local [hbm:s3], $0xF7A  }
0x26: {  	[smem:$0x3F9E] =	sst s1;
	(tag) =	ssettag s2;
	_ =	strace s9  }
0x27: {  	s1 =	sld [smem:$0x3FAE]  }
0x28: {  	s2 =	sld [smem:$0x3FAF]  }
0x29: {  	s4 =	sld [smem:$0x3FB1]  }
0x2a: {  	p0 =	seq.s32 s5, $0x0;
	s5 =	sld [smem:$0x3FB2]  }
0x2b: {  	s6 =	sld [smem:$0x3FB3]  }
0x2c: {  	s7 =	sld [smem:$0x3FB4]  }
0x2d: {  	s3 =	simm.s32 $0x108;
	s8 =	sld [smem:$0x3FB5]  }
0x2e: {  	s3 =	simm.s32 @!p0 $0x1082;
	s9 =	sld [smem:$0x3FB6]  }
0x2f: {  	lr =	sadd.s32 s0, s3;
	s0 =	sld [smem:$0x3FAD]  }
0x30: {  	s3 =	sld [smem:$0x3FB0]  }
0x31: {  	[smem:$0x3FB9] =	sst s10  }
0x32: {  	s10 =	sld [smem:$0x3FB7];
	_ =	sdelay $0x3  }
0x33: {  	p0 =	seq.s32 s10, $0x1;
	s10 =	sld [smem:$0x3FB9];
	_ =	sdelay $0x3  }
0x34: {  	[smem:$0x3FB9] =	sst s10  }
0x35: {  	s10 =	sld [smem:$0x3FB8];
	_ =	sdelay $0x3  }
0x36: {  	p1 =	seq.s32 s10, $0x1;
	s10 =	sld [smem:$0x3FB9];
	_ =	sdelay $0x3  }
0x37: {  	[smem:$0x3FB9] =	sst s10  }
0x38: {  	s10 =	sld [smem:$0x3FBA]  }
0x39: {  	_ = 	snop;
	(pc) =	sbr.ind lr, $3  }
0x3a: {  	_ = 	snop  }
0x3b: {  	_ = 	snop  }
0x3c: {  	p2 =	seq.s32 s10, $0x1;
	s10 =	sld [smem:$0x3FB9]  }
0x3d: {  	_ =	shalt  }
0x3e: {  	_ =	shalt  }
0x3f: {  	_ =	shalt  }
0x40: {  	_ =	shalt  }
0x41: {  	_ =	shalt  }
0x42: {  	_ =	shalt  }
0x43: {  	_ =	shalt  }
0x44: {  	_ =	shalt  }
0x45: {  	_ =	shalt  }
0x46: {  	_ =	shalt  }
0x47: {  	_ =	shalt  }
0x48: {  	_ =	shalt  }
0x49: {  	_ =	shalt  }
0x4a: {  	_ =	shalt  }
0x4b: {  	_ =	shalt  }
0x4c: {  	_ =	shalt  }
0x4d: {  	_ =	shalt  }
0x4e: {  	_ =	shalt  }
0x4f: {  	_ =	shalt  }
0x50: {  	_ =	shalt  }
0x51: {  	_ =	shalt  }
0x52: {  	_ =	shalt  }
0x53: {  	_ =	shalt  }
0x54: {  	_ =	shalt  }
0x55: {  	_ =	shalt  }
0x56: {  	_ =	shalt  }
0x57: {  	_ =	shalt  }
0x58: {  	_ =	shalt  }
0x59: {  	_ =	shalt  }
0x5a: {  	_ =	shalt  }
0x5b: {  	_ =	shalt  }
0x5c: {  	_ =	shalt  }
0x5d: {  	_ =	shalt  }
0x5e: {  	_ =	shalt  }
0x5f: {  	_ =	shalt  }
0x60: {  	_ =	shalt  }
0x61: {  	_ =	shalt  }
0x62: {  	_ =	shalt  }
0x63: {  	_ =	shalt  }
0x64: {  	_ =	shalt  }
0x65: {  	_ =	shalt  }
0x66: {  	_ =	shalt  }
0x67: {  	_ =	shalt  }
0x68: {  	_ =	shalt  }
0x69: {  	_ =	shalt  }
0x6a: {  	_ =	shalt  }
0x6b: {  	_ =	shalt  }
0x6c: {  	_ =	shalt  }
0x6d: {  	_ =	shalt  }
0x6e: {  	_ =	shalt  }
0x6f: {  	_ =	shalt  }
0x70: {  	_ =	shalt  }
0x71: {  	_ =	shalt  }
0x72: {  	_ =	shalt  }
0x73: {  	_ =	shalt  }
0x74: {  	_ =	shalt  }
0x75: {  	_ =	shalt  }
0x76: {  	_ =	shalt  }
0x77: {  	_ =	shalt  }
0x78: {  	_ =	shalt  }
0x79: {  	_ =	shalt  }
0x7a: {  	_ =	shalt  }
0x7b: {  	_ =	shalt  }
0x7c: {  	_ =	shalt  }
0x7d: {  	_ =	shalt  }
0x7e: {  	_ =	shalt  }
0x7f: {  	_ =	shalt  }
0x80: {  	_ =	shalt  }
0x81: {  	_ =	shalt  }
0x82: {  	_ =	shalt  }
0x83: {  	_ =	shalt  }
0x84: {  	_ =	shalt  }
0x85: {  	_ =	shalt  }
0x86: {  	_ =	shalt  }
0x87: {  	_ =	shalt  }
.Lfunc_end0:
.L_simem_size_0:
called_computation_lowered:
.L_overlay_start_0:
0x88: {  	s2 =	sld [smem:$0x3FD9]  }
0x89: {  	s3 =	sld [smem:$0x3FFE];
	_ =	sdelay $0x1  }
0x8a: {  	s1 =	srdreg.scid  }
0x8b: {  	s0 =	sand.u32 $0x1, s1  }
0x8c: {  	s17 =	sshll.u32 s0, $0xA;
	s2 =	sadd.s32 s3, s2  }
0x8d: {  	s2 =	sadd.s32 s2, s17  }
0x8e: {  	[smem:$0x3FC5] =	sst s2  }
0x8f: {  	_ = 	snop  }
0x90: {  	s2 =	sld [smem:$0x3FC8]  }
0x91: {  	s18 =	sld [smem:$0x3FC7]  }
0x92: {  	s4 =	sld [smem:$0x3FD0];
	(tm) =	ssettm $0x1  }
0x93: {  	s5 =	sld [smem:$0x3FFB];
	_ =	sdelay $0x3  }
0x94: {  	_ =	strace s5  }
0x95: {  	s5 =	sld [smem:$0x3FFC];
	_ =	sdelay $0x3  }
0x96: {  	_ =	strace s5  }
0x97: {  	s5 =	sld [smem:$0x3FFD];
	_ =	sdelay $0x3  }
0x98: {  	_ =	strace s5  }
0x99: {  	_ =	strace $0x8FFFFFFF  }
0x9a: {  	s19 =	sld [smem:$0x3FDB];
	_ =	sdelay $0x1  }
0x9b: {  	s6 =	simm.s32 $_scs_section_size  }
0x9c: {  	s7 =	simm.s32 $_size__tile_overlayer_lowered;
	s8 =	simm.s32 $_tile_overlayer_lowered  }
0x9d: {  	s22 =	simm.s32 $0x1BFF;
	s21 =	sshll.u32 s8, $0x1;
	s5 =	sadd.s32 s6, s19  }
0x9e: {  	s9 =	simm.s32 $0x0;
	s20 =	sshll.u32 s7, $0x1;
	s7 =	sadd.s32 s21, s5  }
0x9f: {  	[timem:s9], [sflag:s22] =	dma.local [hbm:s7], s20  }
0xa0: {  	_ =	swait.ge [sflag:s22], s20  }
0xa1: {  	s6 =	ssub.s32 $0x0, s20;
	[sflag:s22] =	ssyncset.done $0x0  }
0xa2: {  	[sflag:s22] =	ssyncadd.s32 s6;
	_ =	sdelay $0x1  }
0xa3: {  	s23 =	simm.s32 $0x1B8B  }
0xa4: {  	_ =	swait.ge [sflag:s23], $0x1  }
0xa5: {  	[sflag:s23] =	ssyncset.done $0x0  }
0xa6: {  	s25 =	simm.s32 $0x1B8E;
	s24 =	sld [smem:$0x3FFE];
	[sflag:s23] =	ssyncadd.s32 $0xFFFFFFFF  }
0xa7: {  	s26 =	simm.s32 $execute0_lowered;
	[smem:$0x3FD2] =	sst s25  }
0xa8: {  	s7 =	sshll.u32 s26, $0x1;
	_ =	strace $0x80000046;
	[dreg:$0x1] =	wrdreg $0xFFFFFFFF  }
0xa9: {  	s28 =	simm.s32 $_size_execute0_lowered;
	s5 =	sadd.s32 s5, s7;
	[dreg:$0x0] =	wrdreg $0x0  }
0xaa: {  	s7 =	sshll.u32 s28, $0x1;
	[dreg:$0x2] =	wrdreg s5  }
0xab: {  	[dreg:$0x3] =	wrdreg s7  }
0xac: {  	[dreg:$0x4] =	wrdreg $0xC0  }
0xad: {  	_ =	task [dreg:s9], $0x5FFFF  }
0xae: {  	[dreg:$0x1] =	wrdreg $0xFFFFFFFF  }
0xaf: {  	[dreg:$0x0] =	wrdreg $0x60  }
0xb0: {  	[dreg:$0x2] =	wrdreg s24  }
0xb1: {  	[dreg:$0x3] =	wrdreg s2  }
0xb2: {  	[dreg:$0x4] =	wrdreg s18  }
0xb3: {  	[dreg:$0x5] =	wrdreg s4  }
0xb4: {  	[dreg:$0x6] =	wrdreg $0x9  }
0xb5: {  	_ =	task.clear_ibuf [dreg:s9], $0x7FFFF;
	_ =	strace $0x90000046  }
0xb6: {  	s29 =	simm.s32 $0x9;
	_ =	strace $0x80000048  }
0xb7: {  	_ =	swait.ge [sflag:s29], $0x1  }
0xb8: {  	[sflag:s29] =	ssyncadd.s32 $0xFFFFFFFF  }
0xb9: {  	_ =	strace $0x90000048  }
0xba: {  	_ =	sfence  }
0xbb: {  	s30 =	sld [smem:$0x0];
	_ =	sdelay $0x2  }
0xbc: {  	s31 =	sshll.u32 s1, $0xD;
	s1 =	sshrl.u32 s1, $0x2  }
0xbd: {  	s3 =	sand.u32 $0x4000, s31;
	s1 =	sadd.s32 s1, s30  }
0xbe: {  	s0 =	sor.u32 s3, s0;
	s1 =	sshll.u32 s1, $0x11  }
0xbf: {  	s0 =	sor.u32 s1, s0  }
0xc0: {  	s0 =	sadd.s32 $0x8F2B, s0  }
0xc1: {  	[sflag:s0] =	ssyncadd.remote.s32 $0x1  }
0xc2: {  	_ =	sfence.sel $0xFFFF  }
0xc3: {  	[dreg:$0x0] =	wrdreg $0xFFFFFFFF;
	(pc) =	sbr.abs _section_cstart, $3  }
0xc4: {  	[dreg:$0x1] =	wrdreg $0xFFFFFFFF  }
0xc5: {  	_ =	task.clear_ibuf [dreg:s9], $0x2FFFF;
	_ =	strace $0x9FFFFFFF  }
0xc6: {  	(tm) =	ssettm $0x7FFFFFFF  }
0xc7: {  	_ =	shalt  }
tec
execute0_lowered:
.L_overlay_start_1:
0x0: {  	(tag) =	ssettag $0x1  }
0x1: {  	s0 =	rddreg [dreg:$0x0]  }
0x2: {  	s1 =	rddreg [dreg:$0x1];
	s2 =	srdreg.scid  }
0x3: {  	s3 =	stileid.u32;
	s4 =	rddreg [dreg:$0x3];
	s5 =	simm.s32 $0x0  }
0x4: {  	s14 =	simm.s32 $0x50;
	s15 =	simm.s32 $0x11800;
	s17 =	simm.s32 $0x14000  }
0x5: {  	s19 =	simm.s32 $0x16800;
	s20 =	simm.s32 $0x1;
	s21 =	simm.s32 $0x19000  }
0x6: {  	s22 =	simm.s32 $0x2;
	s23 =	simm.s32 $0x1B800;
	s24 =	simm.s32 $0x3  }
0x7: {  	s25 =	simm.s32 $0x6;
	s2 =	sand.u32 $0x1, s2;
	s3 =	sshll.u32 s3, $0x1  }
0x8: {  	s28 =	simm.s32 $0x7;
	s29 =	simm.s32 $0x5;
	s3 =	sor.u32 s2, s3  }
0x9: {  	s30 =	simm.s32 $0x8;
	s2 =	ssub.s32 $0x2, s2;
	s7 =	smul.u32 $0x1400, s3  }
.Ltmp0:
0xa: {  	[smem:$0x7FF] =	sst s5;
	s26 =	sshrl.u32 s2, $0x1;
	(pc) =	sbr.rel .LBB2_1-.Ltmp0, $4  }
0xb: {  	_ =	strace $0x80000047;
	s6 =	smul.u32 $0x6400, s3;
	s2 =	ssub.s32 s2, s26  }
0xc: {  	s26 =	simm.s32 $0x4;
	s0 =	sadd.s32 s7, s0;
	s31 =	smax.u32 s2, $0x1  }
0xd: {  	s8 =	sor.u32 $0x50, s6;
	s0 =	sadd.s32 $0x400, s0;
	[dreg:$0x6] =	wrdreg s31  }
0xe: {  	s9 =	sor.u32 $0xA0, s6;
	[dreg:$0x5] =	wrdreg s0;
	s0 =	simm.s32 $0x0  }
.LBB2_25:
0xf: {  	s2 =	simm.s32 $0x9  }
0x10: {  	_ =	swait.ge [sflag:s2], $0x2800  }
0x11: {  	[sflag:s2] =	ssyncset.done $0x0  }
0x12: {  	s3 =	simm.s32 $0xA;
	[sflag:s2] =	ssyncadd.s32 $0xFFFFD800  }
0x13: {  	_ =	swait.ge [sflag:s3], $0x2800  }
0x14: {  	s0 =	sadd.s32 $0x1, s0;
	s31 =	rddreg [dreg:$0x6]  }
0x15: {  	p0 =	sne.s32 s0, s31  }
.Ltmp1:
0x16: {  	_ = 	snop;
	(pc) =	sbr.rel @!p0 .LBB2_26-.Ltmp1, $3  }
0x17: {  	_ =	sdelay $0x1  }
0x18: {  	[sflag:s3] =	ssyncset.done $0x0  }
0x19: {  	[sflag:s3] =	ssyncadd.s32 $0xFFFFD800  }
.LBB2_1:
0x1a: {  	s2 =	rddreg [dreg:$0x2];
	s3 =	simm.s32 $0xA000;
	s16 =	simm.s32 $0xB  }
0x1b: {  	[tilespmem:s3], [sflag:$0xB] =	stream.linear.gather [hbm4b:s2+s5], $0x6400, $0x38;
	[tilespmem:$0x1E000] =	vst v63  }
0x1c: {  	_ =	swait.ge [sflag:s16], $0x6400  }
0x1d: {  	[sflag:s16] =	ssyncset.done $0x0  }
0x1e: {  	s7 =	simm.s32 $0x10400;
	[sflag:s16] =	ssyncadd.s32 $0xFFFF9C00  }
0x1f: {  	[tilespmem:s7], [sflag:$0xB] =	stream.linear.gather [hbm4b:s2+s5], $0x1400, $0x38;
	[tilespmem:$0x1E000] =	vst v63  }
0x20: {  	_ =	swait.ge [sflag:s16], $0x1400  }
0x21: {  	[sflag:s16] =	ssyncset.done $0x0  }
0x22: {  	s18 =	rddreg [dreg:$0x5];
	[sflag:s16] =	ssyncadd.s32 $0xFFFFEC00  }
0x23: {  	[tilespmem:s5], [sflag:$0xB] =	stream.linear.gather [hbm4b:s18+s5], $0xA000, $0x38;
	[tilespmem:$0x1E000] =	vst v63  }
0x24: {  	_ =	swait.ge [sflag:s16], $0xA000  }
0x25: {  	[sflag:s16] =	ssyncset.done $0x0  }
0x26: {  	s31 =	simm.s32 $0xA100;
	[sflag:s16] =	ssyncadd.s32 $0xFFFF6000  }
0x27: {  	v0 =	vld [tilespmem:s31+$0x80]  }
0x28: {  	v2 =	vld [tilespmem:s31+$0x0]  }
0x29: {  	v1 =	vld [tilespmem:s31+$0xFFFFFF80]  }
0x2a: {  	v3 =	vld [tilespmem:s31+$0xFFFFFF00]  }
0x2b: {  	s3 =	simm.s32 $0x11900  }
0x2c: {  	[tilespmem:s3+$0x80] =	vst v0  }
0x2d: {  	[tilespmem:s3+$0x0] =	vst v2;
	v0 =	vld [tilespmem:s31+$0x90]  }
0x2e: {  	[tilespmem:s3+$0xFFFFFF80] =	vst v1;
	v2 =	vld [tilespmem:s31+$0x10]  }
0x2f: {  	[tilespmem:s3+$0xFFFFFF00] =	vst v3;
	v1 =	vld [tilespmem:s31+$0xFFFFFF90]  }
0x30: {  	v3 =	vld [tilespmem:s31+$0xFFFFFF10];
	_ =	sdelay $0x1  }
0x31: {  	[tilespmem:s3+$0x90] =	vst v0  }
0x32: {  	[tilespmem:s3+$0x10] =	vst v2;
	v0 =	vld [tilespmem:s31+$0xA0]  }
0x33: {  	[tilespmem:s3+$0xFFFFFF90] =	vst v1;
	v2 =	vld [tilespmem:s31+$0x20]  }
0x34: {  	[tilespmem:s3+$0xFFFFFF10] =	vst v3;
	v1 =	vld [tilespmem:s31+$0xFFFFFFA0]  }
0x35: {  	v3 =	vld [tilespmem:s31+$0xFFFFFF20];
	_ =	sdelay $0x1  }
0x36: {  	[tilespmem:s3+$0xA0] =	vst v0  }
0x37: {  	[tilespmem:s3+$0x20] =	vst v2;
	v0 =	vld [tilespmem:s31+$0xB0]  }
0x38: {  	[tilespmem:s3+$0xFFFFFFA0] =	vst v1;
	v2 =	vld [tilespmem:s31+$0x30]  }
0x39: {  	[tilespmem:s3+$0xFFFFFF20] =	vst v3;
	v1 =	vld [tilespmem:s31+$0xFFFFFFB0]  }
0x3a: {  	v3 =	vld [tilespmem:s31+$0xFFFFFF30];
	_ =	sdelay $0x1  }
0x3b: {  	[tilespmem:s3+$0xB0] =	vst v0  }
0x3c: {  	[tilespmem:s3+$0x30] =	vst v2;
	v0 =	vld [tilespmem:s31+$0xC0]  }
0x3d: {  	[tilespmem:s3+$0xFFFFFFB0] =	vst v1;
	v2 =	vld [tilespmem:s31+$0x40]  }
0x3e: {  	[tilespmem:s3+$0xFFFFFF30] =	vst v3;
	v1 =	vld [tilespmem:s31+$0xFFFFFFC0]  }
0x3f: {  	v3 =	vld [tilespmem:s31+$0xFFFFFF40]  }
0x40: {  	s7 =	simm.s32 $0xA300  }
0x41: {  	v4 =	vld [tilespmem:s7+$0x80];
	[tilespmem:s3+$0xC0] =	vst v0  }
0x42: {  	[tilespmem:s3+$0x40] =	vst v2;
	v2 =	vld [tilespmem:s7+$0xFFFFFF80]  }
0x43: {  	[tilespmem:s3+$0xFFFFFFC0] =	vst v1;
	v0 =	vld [tilespmem:s31+$0xD0]  }
0x44: {  	[tilespmem:s3+$0xFFFFFF40] =	vst v3;
	v3 =	vld [tilespmem:s7+$0x0]  }
0x45: {  	s10 =	simm.s32 $0x11B00;
	v1 =	vld [tilespmem:s31+$0xFFFFFFD0]  }
0x46: {  	v5 =	vld [tilespmem:s7+$0xFFFFFF00];
	[tilespmem:s10+$0x80] =	vst v4  }
0x47: {  	[tilespmem:s10+$0xFFFFFF80] =	vst v2;
	v2 =	vld [tilespmem:s7+$0x90]  }
0x48: {  	[tilespmem:s3+$0xD0] =	vst v0;
	v4 =	vld [tilespmem:s7+$0xFFFFFF90]  }
0x49: {  	[tilespmem:s10+$0x0] =	vst v3;
	v0 =	vld [tilespmem:s31+$0xE0]  }
0x4a: {  	[tilespmem:s3+$0xFFFFFFD0] =	vst v1;
	v1 =	vld [tilespmem:s31+$0xFFFFFF50]  }
0x4b: {  	[tilespmem:s10+$0xFFFFFF00] =	vst v5;
	v3 =	vld [tilespmem:s7+$0x10]  }
0x4c: {  	v5 =	vld [tilespmem:s7+$0xFFFFFF10];
	[tilespmem:s10+$0x90] =	vst v2  }
0x4d: {  	[tilespmem:s10+$0xFFFFFF90] =	vst v4;
	v2 =	vld [tilespmem:s7+$0xA0]  }
0x4e: {  	[tilespmem:s3+$0xE0] =	vst v0;
	v4 =	vld [tilespmem:s7+$0xFFFFFFA0]  }
0x4f: {  	[tilespmem:s3+$0xFFFFFF50] =	vst v1;
	v0 =	vld [tilespmem:s31+$0xF0]  }
0x50: {  	v1 =	vld [tilespmem:s31+$0x50];
	[tilespmem:s10+$0x10] =	vst v3  }
0x51: {  	[tilespmem:s10+$0xFFFFFF10] =	vst v5;
	v3 =	vld [tilespmem:s7+$0x20]  }
0x52: {  	v5 =	vld [tilespmem:s7+$0xFFFFFF20];
	[tilespmem:s10+$0xA0] =	vst v2  }
0x53: {  	[tilespmem:s10+$0xFFFFFFA0] =	vst v4;
	v2 =	vld [tilespmem:s7+$0xB0]  }
0x54: {  	[tilespmem:s3+$0xF0] =	vst v0;
	v0 =	vld [tilespmem:s31+$0xFFFFFF60]  }
0x55: {  	[tilespmem:s3+$0x50] =	vst v1;
	v4 =	vld [tilespmem:s7+$0xFFFFFFB0]  }
0x56: {  	v1 =	vld [tilespmem:s31+$0xFFFFFFE0];
	[tilespmem:s10+$0x20] =	vst v3  }
0x57: {  	[tilespmem:s10+$0xFFFFFF20] =	vst v5;
	v3 =	vld [tilespmem:s7+$0x30]  }
0x58: {  	v5 =	vld [tilespmem:s7+$0xFFFFFF30];
	[tilespmem:s10+$0xB0] =	vst v2  }
0x59: {  	[tilespmem:s3+$0xFFFFFF60] =	vst v0;
	v0 =	vld [tilespmem:s31+$0x60]  }
0x5a: {  	[tilespmem:s10+$0xFFFFFFB0] =	vst v4;
	v4 =	vld [tilespmem:s7+$0xC0]  }
0x5b: {  	[tilespmem:s3+$0xFFFFFFE0] =	vst v1;
	v1 =	vld [tilespmem:s31+$0xFFFFFF70]  }
0x5c: {  	[tilespmem:s10+$0x30] =	vst v3;
	v6 =	vld [tilespmem:s7+$0xFFFFFFC0]  }
0x5d: {  	[tilespmem:s10+$0xFFFFFF30] =	vst v5;
	v5 =	vld [tilespmem:s7+$0x40]  }
0x5e: {  	v2 =	vld [tilespmem:s7+$0xFFFFFF40];
	[tilespmem:s3+$0x60] =	vst v0  }
0x5f: {  	v0 =	vld [tilespmem:s31+$0xFFFFFFF0];
	[tilespmem:s10+$0xC0] =	vst v4  }
0x60: {  	[tilespmem:s3+$0xFFFFFF70] =	vst v1;
	v1 =	vld [tilespmem:s31+$0x70]  }
0x61: {  	[tilespmem:s10+$0xFFFFFFC0] =	vst v6;
	v4 =	vld [tilespmem:s7+$0xD0]  }
0x62: {  	s11 =	simm.s32 $0x4;
	s2 =	simm.s32 $0xA500;
	[tilespmem:s10+$0x40] =	vst v5;
	v3 =	vld [tilespmem:s7+$0xFFFFFFD0]  }
.LBB2_2:
0x63: {  	v5 =	vld [tilespmem:s2+$0x80];
	s11 =	sadd.s32 $0x4, s11;
	[tilespmem:s10+$0xFFFFFF40] =	vst v2  }
0x64: {  	v2 =	vld [tilespmem:s2+$0xFFFFFF80];
	p0 =	slt.u32 s11, $0x4C;
	[tilespmem:s3+$0xFFFFFFF0] =	vst v0  }
0x65: {  	v0 =	vld [tilespmem:s2+$0x0];
	[tilespmem:s3+$0x70] =	vst v1;
	s3 =	smov.u32 s10  }
0x66: {  	v1 =	vld [tilespmem:s2+$0xFFFFFF00];
	[tilespmem:s10+$0xD0] =	vst v4  }
0x67: {  	s10 =	sadd.s32 $0x200, s10;
	[tilespmem:s3+$0xFFFFFFD0] =	vst v3;
	v3 =	vld [tilespmem:s7+$0xE0]  }
0x68: {  	[tilespmem:s10+$0x80] =	vst v5;
	v4 =	vld [tilespmem:s7+$0xFFFFFF50]  }
0x69: {  	[tilespmem:s10+$0xFFFFFF80] =	vst v2;
	v2 =	vld [tilespmem:s2+$0x90]  }
0x6a: {  	v5 =	vld [tilespmem:s2+$0xFFFFFF90];
	[tilespmem:s10+$0x0] =	vst v0  }
0x6b: {  	[tilespmem:s10+$0xFFFFFF00] =	vst v1;
	v0 =	vld [tilespmem:s2+$0x10]  }
0x6c: {  	v1 =	vld [tilespmem:s2+$0xFFFFFF10];
	[tilespmem:s3+$0xE0] =	vst v3  }
0x6d: {  	[tilespmem:s3+$0xFFFFFF50] =	vst v4;
	v3 =	vld [tilespmem:s7+$0xF0]  }
0x6e: {  	[tilespmem:s10+$0x90] =	vst v2;
	v2 =	vld [tilespmem:s7+$0x50]  }
0x6f: {  	[tilespmem:s10+$0xFFFFFF90] =	vst v5;
	v4 =	vld [tilespmem:s2+$0xA0]  }
0x70: {  	v5 =	vld [tilespmem:s2+$0xFFFFFFA0];
	[tilespmem:s10+$0x10] =	vst v0  }
0x71: {  	[tilespmem:s10+$0xFFFFFF10] =	vst v1;
	v0 =	vld [tilespmem:s2+$0x20]  }
0x72: {  	v1 =	vld [tilespmem:s2+$0xFFFFFF20];
	[tilespmem:s3+$0xF0] =	vst v3  }
0x73: {  	v3 =	vld [tilespmem:s7+$0xFFFFFF60];
	[tilespmem:s3+$0x50] =	vst v2  }
0x74: {  	[tilespmem:s10+$0xA0] =	vst v4;
	v2 =	vld [tilespmem:s7+$0xFFFFFFE0]  }
0x75: {  	[tilespmem:s10+$0xFFFFFFA0] =	vst v5;
	v4 =	vld [tilespmem:s2+$0xB0]  }
0x76: {  	v5 =	vld [tilespmem:s2+$0xFFFFFFB0];
	[tilespmem:s10+$0x20] =	vst v0  }
0x77: {  	[tilespmem:s10+$0xFFFFFF20] =	vst v1;
	v0 =	vld [tilespmem:s2+$0x30]  }
0x78: {  	v1 =	vld [tilespmem:s2+$0xFFFFFF30];
	[tilespmem:s3+$0xFFFFFF60] =	vst v3  }
0x79: {  	[tilespmem:s3+$0xFFFFFFE0] =	vst v2;
	v3 =	vld [tilespmem:s7+$0x60]  }
0x7a: {  	[tilespmem:s10+$0xB0] =	vst v4;
	v4 =	vld [tilespmem:s7+$0xFFFFFF70]  }
0x7b: {  	[tilespmem:s10+$0xFFFFFFB0] =	vst v5;
	v5 =	vld [tilespmem:s2+$0xC0]  }
0x7c: {  	v6 =	vld [tilespmem:s2+$0xFFFFFFC0];
	[tilespmem:s10+$0x30] =	vst v0  }
0x7d: {  	[tilespmem:s10+$0xFFFFFF30] =	vst v1;
	v7 =	vld [tilespmem:s2+$0x40]  }
.Ltmp2:
0x7e: {  	v2 =	vld [tilespmem:s2+$0xFFFFFF40];
	[tilespmem:s3+$0x60] =	vst v3;
	(pc) =	sbr.rel @p0 .LBB2_2-.Ltmp2, $4  }
0x7f: {  	[tilespmem:s3+$0xFFFFFF70] =	vst v4;
	v0 =	vld [tilespmem:s7+$0xFFFFFFF0]  }
0x80: {  	[tilespmem:s10+$0xC0] =	vst v5;
	v1 =	vld [tilespmem:s7+$0x70];
	s7 =	smov.u32 s2  }
0x81: {  	[tilespmem:s10+$0xFFFFFFC0] =	vst v6;
	v4 =	vld [tilespmem:s2+$0xD0]  }
0x82: {  	s2 =	sadd.s32 $0x200, s2;
	v3 =	vld [tilespmem:s7+$0xFFFFFFD0];
	[tilespmem:s10+$0x40] =	vst v7  }
0x83: {  	[tilespmem:s10+$0xFFFFFF40] =	vst v2;
	v5 =	vld [tilespmem:s7+$0x50]  }
0x84: {  	v2 =	vld [tilespmem:s7+$0xFFFFFF50];
	_ =	sdelay $0x1  }
0x85: {  	[tilespmem:s10+$0xD0] =	vst v4  }
0x86: {  	v4 =	vld [tilespmem:s7+$0xE0];
	[tilespmem:s10+$0xFFFFFFD0] =	vst v3  }
0x87: {  	[tilespmem:s10+$0x50] =	vst v5;
	v3 =	vld [tilespmem:s7+$0xFFFFFFE0]  }
0x88: {  	[tilespmem:s10+$0xFFFFFF50] =	vst v2;
	v5 =	vld [tilespmem:s7+$0x60]  }
0x89: {  	v2 =	vld [tilespmem:s7+$0xFFFFFF60]  }
0x8a: {  	[tilespmem:s3+$0xFFFFFFF0] =	vst v0  }
0x8b: {  	[tilespmem:s10+$0xE0] =	vst v4  }
0x8c: {  	v4 =	vld [tilespmem:s7+$0xF0];
	[tilespmem:s10+$0xFFFFFFE0] =	vst v3  }
0x8d: {  	[tilespmem:s10+$0x60] =	vst v5;
	v3 =	vld [tilespmem:s7+$0xFFFFFFF0]  }
0x8e: {  	[tilespmem:s10+$0xFFFFFF60] =	vst v2;
	v0 =	vld [tilespmem:s7+$0x70]  }
0x8f: {  	v2 =	vld [tilespmem:s7+$0xFFFFFF70]  }
0x90: {  	[tilespmem:s3+$0x70] =	vst v1  }
0x91: {  	[tilespmem:s10+$0xF0] =	vst v4  }
0x92: {  	[tilespmem:s10+$0xFFFFFFF0] =	vst v3  }
0x93: {  	[tilespmem:s10+$0x70] =	vst v0  }
0x94: {  	s2 =	simm.s32 $0xC9F0;
	[tilespmem:s10+$0xFFFFFF70] =	vst v2  }
0x95: {  	[tilespmem:s15], [sflag:$0x1] =	stream.indirect.gather.add.f32 [hbm:s1], $0x80, s5, s14, $0xb8;
	[tilespmem:$0x1E000] =	vst v63  }
0x96: {  	v0 =	vld [tilespmem:s2+$0xFFFFFF90]  }
0x97: {  	v2 =	vld [tilespmem:s2+$0xFFFFFF10]  }
0x98: {  	v1 =	vld [tilespmem:s2+$0xFFFFFE90]  }
0x99: {  	v3 =	vld [tilespmem:s2+$0xFFFFFE10]  }
0x9a: {  	s3 =	simm.s32 $0x14100  }
0x9b: {  	[tilespmem:s3+$0x80] =	vst v0  }
0x9c: {  	[tilespmem:s3+$0x0] =	vst v2;
	v0 =	vld [tilespmem:s2+$0xFFFFFFA0]  }
0x9d: {  	[tilespmem:s3+$0xFFFFFF80] =	vst v1;
	v2 =	vld [tilespmem:s2+$0xFFFFFF20]  }
0x9e: {  	[tilespmem:s3+$0xFFFFFF00] =	vst v3;
	v1 =	vld [tilespmem:s2+$0xFFFFFEA0]  }
0x9f: {  	v3 =	vld [tilespmem:s2+$0xFFFFFE20];
	_ =	sdelay $0x1  }
0xa0: {  	[tilespmem:s3+$0x90] =	vst v0  }
0xa1: {  	[tilespmem:s3+$0x10] =	vst v2;
	v0 =	vld [tilespmem:s2+$0xFFFFFFB0]  }
0xa2: {  	[tilespmem:s3+$0xFFFFFF90] =	vst v1;
	v2 =	vld [tilespmem:s2+$0xFFFFFF30]  }
0xa3: {  	[tilespmem:s3+$0xFFFFFF10] =	vst v3;
	v1 =	vld [tilespmem:s2+$0xFFFFFEB0]  }
0xa4: {  	v3 =	vld [tilespmem:s2+$0xFFFFFE30];
	_ =	sdelay $0x1  }
0xa5: {  	[tilespmem:s3+$0xA0] =	vst v0  }
0xa6: {  	[tilespmem:s3+$0x20] =	vst v2;
	v0 =	vld [tilespmem:s2+$0xFFFFFFC0]  }
0xa7: {  	[tilespmem:s3+$0xFFFFFFA0] =	vst v1;
	v2 =	vld [tilespmem:s2+$0xFFFFFF40]  }
0xa8: {  	[tilespmem:s3+$0xFFFFFF20] =	vst v3;
	v1 =	vld [tilespmem:s2+$0xFFFFFEC0]  }
0xa9: {  	v3 =	vld [tilespmem:s2+$0xFFFFFE40];
	_ =	sdelay $0x1  }
0xaa: {  	[tilespmem:s3+$0xB0] =	vst v0  }
0xab: {  	[tilespmem:s3+$0x30] =	vst v2;
	v0 =	vld [tilespmem:s2+$0xFFFFFFD0]  }
0xac: {  	[tilespmem:s3+$0xFFFFFFB0] =	vst v1;
	v2 =	vld [tilespmem:s2+$0xFFFFFF50]  }
0xad: {  	[tilespmem:s3+$0xFFFFFF30] =	vst v3;
	v1 =	vld [tilespmem:s2+$0xFFFFFED0]  }
0xae: {  	v3 =	vld [tilespmem:s2+$0xFFFFFE50]  }
0xaf: {  	s7 =	simm.s32 $0xCBF0  }
0xb0: {  	v4 =	vld [tilespmem:s7+$0xFFFFFF90];
	[tilespmem:s3+$0xC0] =	vst v0  }
0xb1: {  	[tilespmem:s3+$0x40] =	vst v2;
	v2 =	vld [tilespmem:s7+$0xFFFFFE90]  }
0xb2: {  	[tilespmem:s3+$0xFFFFFFC0] =	vst v1;
	v0 =	vld [tilespmem:s2+$0xFFFFFFE0]  }
0xb3: {  	[tilespmem:s3+$0xFFFFFF40] =	vst v3;
	v3 =	vld [tilespmem:s7+$0xFFFFFF10]  }
0xb4: {  	s10 =	simm.s32 $0x14300;
	v1 =	vld [tilespmem:s2+$0xFFFFFEE0]  }
0xb5: {  	v5 =	vld [tilespmem:s7+$0xFFFFFE10];
	[tilespmem:s10+$0x80] =	vst v4  }
0xb6: {  	[tilespmem:s10+$0xFFFFFF80] =	vst v2;
	v2 =	vld [tilespmem:s7+$0xFFFFFFA0]  }
0xb7: {  	[tilespmem:s3+$0xD0] =	vst v0;
	v4 =	vld [tilespmem:s7+$0xFFFFFEA0]  }
0xb8: {  	[tilespmem:s10+$0x0] =	vst v3;
	v0 =	vld [tilespmem:s2+$0xFFFFFFF0]  }
0xb9: {  	[tilespmem:s3+$0xFFFFFFD0] =	vst v1;
	v1 =	vld [tilespmem:s2+$0xFFFFFE60]  }
0xba: {  	[tilespmem:s10+$0xFFFFFF00] =	vst v5;
	v3 =	vld [tilespmem:s7+$0xFFFFFF20]  }
0xbb: {  	v5 =	vld [tilespmem:s7+$0xFFFFFE20];
	[tilespmem:s10+$0x90] =	vst v2  }
0xbc: {  	[tilespmem:s10+$0xFFFFFF90] =	vst v4;
	v2 =	vld [tilespmem:s7+$0xFFFFFFB0]  }
0xbd: {  	[tilespmem:s3+$0xE0] =	vst v0;
	v4 =	vld [tilespmem:s7+$0xFFFFFEB0]  }
0xbe: {  	[tilespmem:s3+$0xFFFFFF50] =	vst v1;
	v0 =	vld [tilespmem:s2+$0x0]  }
0xbf: {  	v1 =	vld [tilespmem:s2+$0xFFFFFF60];
	[tilespmem:s10+$0x10] =	vst v3  }
0xc0: {  	[tilespmem:s10+$0xFFFFFF10] =	vst v5;
	v3 =	vld [tilespmem:s7+$0xFFFFFF30]  }
0xc1: {  	v5 =	vld [tilespmem:s7+$0xFFFFFE30];
	[tilespmem:s10+$0xA0] =	vst v2  }
0xc2: {  	[tilespmem:s10+$0xFFFFFFA0] =	vst v4;
	v2 =	vld [tilespmem:s7+$0xFFFFFFC0]  }
0xc3: {  	[tilespmem:s3+$0xF0] =	vst v0;
	v0 =	vld [tilespmem:s2+$0xFFFFFE70]  }
0xc4: {  	[tilespmem:s3+$0x50] =	vst v1;
	v4 =	vld [tilespmem:s7+$0xFFFFFEC0]  }
0xc5: {  	v1 =	vld [tilespmem:s2+$0xFFFFFEF0];
	[tilespmem:s10+$0x20] =	vst v3  }
0xc6: {  	[tilespmem:s10+$0xFFFFFF20] =	vst v5;
	v3 =	vld [tilespmem:s7+$0xFFFFFF40]  }
0xc7: {  	v5 =	vld [tilespmem:s7+$0xFFFFFE40];
	[tilespmem:s10+$0xB0] =	vst v2  }
0xc8: {  	[tilespmem:s3+$0xFFFFFF60] =	vst v0;
	v0 =	vld [tilespmem:s2+$0xFFFFFF70]  }
0xc9: {  	[tilespmem:s10+$0xFFFFFFB0] =	vst v4;
	v4 =	vld [tilespmem:s7+$0xFFFFFFD0]  }
0xca: {  	[tilespmem:s3+$0xFFFFFFE0] =	vst v1;
	v1 =	vld [tilespmem:s2+$0xFFFFFE80]  }
0xcb: {  	[tilespmem:s10+$0x30] =	vst v3;
	v6 =	vld [tilespmem:s7+$0xFFFFFED0]  }
0xcc: {  	[tilespmem:s10+$0xFFFFFF30] =	vst v5;
	v5 =	vld [tilespmem:s7+$0xFFFFFF50]  }
0xcd: {  	v2 =	vld [tilespmem:s7+$0xFFFFFE50];
	[tilespmem:s3+$0x60] =	vst v0  }
0xce: {  	v0 =	vld [tilespmem:s2+$0xFFFFFF00];
	[tilespmem:s10+$0xC0] =	vst v4  }
0xcf: {  	[tilespmem:s3+$0xFFFFFF70] =	vst v1;
	v1 =	vld [tilespmem:s2+$0xFFFFFF80]  }
0xd0: {  	[tilespmem:s10+$0xFFFFFFC0] =	vst v6;
	v4 =	vld [tilespmem:s7+$0xFFFFFFE0]  }
0xd1: {  	s11 =	simm.s32 $0x4;
	[tilespmem:s10+$0x40] =	vst v5;
	s2 =	simm.s32 $0xCDF0;
	v3 =	vld [tilespmem:s7+$0xFFFFFEE0]  }
.LBB2_4:
0xd2: {  	v5 =	vld [tilespmem:s2+$0xFFFFFF90];
	s11 =	sadd.s32 $0x4, s11;
	[tilespmem:s10+$0xFFFFFF40] =	vst v2  }
0xd3: {  	v2 =	vld [tilespmem:s2+$0xFFFFFE90];
	p0 =	slt.u32 s11, $0x4C;
	[tilespmem:s3+$0xFFFFFFF0] =	vst v0  }
0xd4: {  	v0 =	vld [tilespmem:s2+$0xFFFFFF10];
	[tilespmem:s3+$0x70] =	vst v1;
	s3 =	smov.u32 s10  }
0xd5: {  	v1 =	vld [tilespmem:s2+$0xFFFFFE10];
	[tilespmem:s10+$0xD0] =	vst v4  }
0xd6: {  	s10 =	sadd.s32 $0x200, s10;
	[tilespmem:s3+$0xFFFFFFD0] =	vst v3;
	v3 =	vld [tilespmem:s7+$0xFFFFFFF0]  }
0xd7: {  	[tilespmem:s10+$0x80] =	vst v5;
	v4 =	vld [tilespmem:s7+$0xFFFFFE60]  }
0xd8: {  	[tilespmem:s10+$0xFFFFFF80] =	vst v2;
	v2 =	vld [tilespmem:s2+$0xFFFFFFA0]  }
0xd9: {  	v5 =	vld [tilespmem:s2+$0xFFFFFEA0];
	[tilespmem:s10+$0x0] =	vst v0  }
0xda: {  	[tilespmem:s10+$0xFFFFFF00] =	vst v1;
	v0 =	vld [tilespmem:s2+$0xFFFFFF20]  }
0xdb: {  	v1 =	vld [tilespmem:s2+$0xFFFFFE20];
	[tilespmem:s3+$0xE0] =	vst v3  }
0xdc: {  	[tilespmem:s3+$0xFFFFFF50] =	vst v4;
	v3 =	vld [tilespmem:s7+$0x0]  }
0xdd: {  	[tilespmem:s10+$0x90] =	vst v2;
	v2 =	vld [tilespmem:s7+$0xFFFFFF60]  }
0xde: {  	[tilespmem:s10+$0xFFFFFF90] =	vst v5;
	v4 =	vld [tilespmem:s2+$0xFFFFFFB0]  }
0xdf: {  	v5 =	vld [tilespmem:s2+$0xFFFFFEB0];
	[tilespmem:s10+$0x10] =	vst v0  }
0xe0: {  	[tilespmem:s10+$0xFFFFFF10] =	vst v1;
	v0 =	vld [tilespmem:s2+$0xFFFFFF30]  }
0xe1: {  	v1 =	vld [tilespmem:s2+$0xFFFFFE30];
	[tilespmem:s3+$0xF0] =	vst v3  }
0xe2: {  	v3 =	vld [tilespmem:s7+$0xFFFFFE70];
	[tilespmem:s3+$0x50] =	vst v2  }
0xe3: {  	[tilespmem:s10+$0xA0] =	vst v4;
	v2 =	vld [tilespmem:s7+$0xFFFFFEF0]  }
0xe4: {  	[tilespmem:s10+$0xFFFFFFA0] =	vst v5;
	v4 =	vld [tilespmem:s2+$0xFFFFFFC0]  }
0xe5: {  	v5 =	vld [tilespmem:s2+$0xFFFFFEC0];
	[tilespmem:s10+$0x20] =	vst v0  }
0xe6: {  	[tilespmem:s10+$0xFFFFFF20] =	vst v1;
	v0 =	vld [tilespmem:s2+$0xFFFFFF40]  }
0xe7: {  	v1 =	vld [tilespmem:s2+$0xFFFFFE40];
	[tilespmem:s3+$0xFFFFFF60] =	vst v3  }
0xe8: {  	[tilespmem:s3+$0xFFFFFFE0] =	vst v2;
	v3 =	vld [tilespmem:s7+$0xFFFFFF70]  }
0xe9: {  	[tilespmem:s10+$0xB0] =	vst v4;
	v4 =	vld [tilespmem:s7+$0xFFFFFE80]  }
0xea: {  	[tilespmem:s10+$0xFFFFFFB0] =	vst v5;
	v5 =	vld [tilespmem:s2+$0xFFFFFFD0]  }
0xeb: {  	v6 =	vld [tilespmem:s2+$0xFFFFFED0];
	[tilespmem:s10+$0x30] =	vst v0  }
0xec: {  	[tilespmem:s10+$0xFFFFFF30] =	vst v1;
	v7 =	vld [tilespmem:s2+$0xFFFFFF50]  }
.Ltmp3:
0xed: {  	v2 =	vld [tilespmem:s2+$0xFFFFFE50];
	[tilespmem:s3+$0x60] =	vst v3;
	(pc) =	sbr.rel @p0 .LBB2_4-.Ltmp3, $4  }
0xee: {  	[tilespmem:s3+$0xFFFFFF70] =	vst v4;
	v0 =	vld [tilespmem:s7+$0xFFFFFF00]  }
0xef: {  	[tilespmem:s10+$0xC0] =	vst v5;
	v1 =	vld [tilespmem:s7+$0xFFFFFF80];
	s7 =	smov.u32 s2  }
0xf0: {  	[tilespmem:s10+$0xFFFFFFC0] =	vst v6;
	v4 =	vld [tilespmem:s2+$0xFFFFFFE0]  }
0xf1: {  	s2 =	sadd.s32 $0x200, s2;
	v3 =	vld [tilespmem:s7+$0xFFFFFEE0];
	[tilespmem:s10+$0x40] =	vst v7  }
0xf2: {  	[tilespmem:s10+$0xFFFFFF40] =	vst v2;
	v5 =	vld [tilespmem:s7+$0xFFFFFF60]  }
0xf3: {  	v2 =	vld [tilespmem:s7+$0xFFFFFE60];
	_ =	sdelay $0x1  }
0xf4: {  	[tilespmem:s10+$0xD0] =	vst v4  }
0xf5: {  	v4 =	vld [tilespmem:s7+$0xFFFFFFF0];
	[tilespmem:s10+$0xFFFFFFD0] =	vst v3  }
0xf6: {  	[tilespmem:s10+$0x50] =	vst v5;
	v3 =	vld [tilespmem:s7+$0xFFFFFEF0]  }
0xf7: {  	[tilespmem:s10+$0xFFFFFF50] =	vst v2;
	v5 =	vld [tilespmem:s7+$0xFFFFFF70]  }
0xf8: {  	v2 =	vld [tilespmem:s7+$0xFFFFFE70]  }
0xf9: {  	[tilespmem:s3+$0xFFFFFFF0] =	vst v0  }
0xfa: {  	[tilespmem:s10+$0xE0] =	vst v4  }
0xfb: {  	v4 =	vld [tilespmem:s7+$0x0];
	[tilespmem:s10+$0xFFFFFFE0] =	vst v3  }
0xfc: {  	[tilespmem:s10+$0x60] =	vst v5;
	v3 =	vld [tilespmem:s7+$0xFFFFFF00]  }
0xfd: {  	[tilespmem:s10+$0xFFFFFF60] =	vst v2;
	v0 =	vld [tilespmem:s7+$0xFFFFFF80]  }
0xfe: {  	v2 =	vld [tilespmem:s7+$0xFFFFFE80]  }
0xff: {  	[tilespmem:s3+$0x70] =	vst v1  }
0x100: {  	[tilespmem:s10+$0xF0] =	vst v4  }
0x101: {  	[tilespmem:s10+$0xFFFFFFF0] =	vst v3  }
0x102: {  	[tilespmem:s10+$0x70] =	vst v0  }
0x103: {  	s2 =	simm.s32 $0x80;
	s3 =	simm.s32 $0x0;
	[tilespmem:s10+$0xFFFFFF70] =	vst v2  }
0x104: {  	[tilespmem:s17], [sflag:$0x2] =	stream.indirect.gather.add.f32 [hbm:s1], $0x80, s2, s14, $0xb8;
	[tilespmem:$0x1E000] =	vst v63  }
0x105: {  	v0 =	vld [tilespmem:s3+$0xF1F0]  }
0x106: {  	v1 =	vld [tilespmem:s3+$0xF000]  }
0x107: {  	v6 =	vld [tilespmem:s3+$0xF080]  }
0x108: {  	v2 =	vld [tilespmem:s3+$0xF010]  }
0x109: {  	v7 =	vld [tilespmem:s3+$0xF090]  }
0x10a: {  	v3 =	vld [tilespmem:s3+$0xF020];
	[tilespmem:s3+$0x169F0] =	vst v0  }
0x10b: {  	v8 =	vld [tilespmem:s3+$0xF0A0];
	[tilespmem:s3+$0x16800] =	vst v1  }
0x10c: {  	v4 =	vld [tilespmem:s3+$0xF030];
	[tilespmem:s3+$0x16880] =	vst v6  }
0x10d: {  	v5 =	vld [tilespmem:s3+$0xF040];
	[tilespmem:s3+$0x16810] =	vst v2  }
0x10e: {  	v62 =	vld [tilespmem:s3+$0xF070];
	[tilespmem:s3+$0x16890] =	vst v7  }
0x10f: {  	v63 =	vld [tilespmem:s3+$0xF130];
	[tilespmem:s3+$0x16820] =	vst v3  }
0x110: {  	v6 =	vld [tilespmem:s3+$0xF050];
	[tilespmem:s3+$0x168A0] =	vst v8  }
0x111: {  	v7 =	vld [tilespmem:s3+$0xF060];
	[tilespmem:s3+$0x16830] =	vst v4  }
0x112: {  	v0 =	vld [tilespmem:s3+$0xF0B0];
	[tilespmem:s3+$0x16840] =	vst v5  }
0x113: {  	v5 =	vld [tilespmem:s3+$0xF100];
	[tilespmem:s3+$0x16870] =	vst v62  }
0x114: {  	v1 =	vld [tilespmem:s3+$0xF0C0];
	[tilespmem:s3+$0x16930] =	vst v63  }
0x115: {  	v2 =	vld [tilespmem:s3+$0xF0D0];
	[tilespmem:s3+$0x16850] =	vst v6  }
0x116: {  	v3 =	vld [tilespmem:s3+$0xF0E0];
	[tilespmem:s3+$0x16860] =	vst v7  }
0x117: {  	v4 =	vld [tilespmem:s3+$0xF0F0];
	[tilespmem:s3+$0x168B0] =	vst v0  }
0x118: {  	v6 =	vld [tilespmem:s3+$0xF110];
	[tilespmem:s3+$0x16900] =	vst v5  }
0x119: {  	v7 =	vld [tilespmem:s3+$0xF120];
	[tilespmem:s3+$0x168C0] =	vst v1  }
0x11a: {  	v0 =	vld [tilespmem:s3+$0xF140];
	[tilespmem:s3+$0x168D0] =	vst v2  }
0x11b: {  	v1 =	vld [tilespmem:s3+$0xF150];
	[tilespmem:s3+$0x168E0] =	vst v3  }
0x11c: {  	v5 =	vld [tilespmem:s3+$0xF160];
	[tilespmem:s3+$0x168F0] =	vst v4  }
0x11d: {  	v4 =	vld [tilespmem:s3+$0xF180];
	[tilespmem:s3+$0x16910] =	vst v6  }
0x11e: {  	[tilespmem:s3+$0x16920] =	vst v7;
	v6 =	vld [tilespmem:s3+$0xF170]  }
0x11f: {  	v2 =	vld [tilespmem:s3+$0xF190];
	[tilespmem:s3+$0x16940] =	vst v0  }
0x120: {  	v0 =	vld [tilespmem:s3+$0xF1A0];
	[tilespmem:s3+$0x16950] =	vst v1  }
0x121: {  	v1 =	vld [tilespmem:s3+$0xF1B0];
	[tilespmem:s3+$0x16960] =	vst v5  }
0x122: {  	v3 =	vld [tilespmem:s3+$0xF1C0];
	[tilespmem:s3+$0x16980] =	vst v4  }
0x123: {  	s7 =	simm.s32 $0x800;
	s2 =	simm.s32 $0x0;
	v4 =	vld [tilespmem:s3+$0xF1D0];
	[tilespmem:s3+$0x16970] =	vst v6  }
.LBB2_6:
0x124: {  	s10 =	sshra.s32 s7, $0x2;
	s2 =	sadd.s32 $0x4, s2;
	[tilespmem:s3+$0x16990] =	vst v2;
	v2 =	vld [tilespmem:s3+$0xF1E0]  }
0x125: {  	v5 =	vld [tilespmem:s10+$0xF1F0];
	p0 =	slt.u32 s2, $0x4C;
	[tilespmem:s3+$0x169A0] =	vst v0  }
0x126: {  	v0 =	vld [tilespmem:s10+$0xF000];
	[tilespmem:s3+$0x169B0] =	vst v1  }
0x127: {  	v1 =	vld [tilespmem:s10+$0xF010];
	[tilespmem:s3+$0x169C0] =	vst v3  }
0x128: {  	v3 =	vld [tilespmem:s10+$0xF020];
	[tilespmem:s3+$0x169D0] =	vst v4  }
0x129: {  	v4 =	vld [tilespmem:s10+$0xF030];
	[tilespmem:s3+$0x169E0] =	vst v2;
	s3 =	smov.u32 s10  }
0x12a: {  	v2 =	vld [tilespmem:s3+$0xF040];
	[tilespmem:s3+$0x169F0] =	vst v5  }
0x12b: {  	[tilespmem:s3+$0x16800] =	vst v0;
	v0 =	vld [tilespmem:s3+$0xF050]  }
0x12c: {  	[tilespmem:s3+$0x16810] =	vst v1;
	v1 =	vld [tilespmem:s3+$0xF060]  }
0x12d: {  	[tilespmem:s3+$0x16820] =	vst v3;
	v3 =	vld [tilespmem:s3+$0xF070]  }
0x12e: {  	[tilespmem:s3+$0x16830] =	vst v4;
	v4 =	vld [tilespmem:s3+$0xF080]  }
0x12f: {  	[tilespmem:s3+$0x16840] =	vst v2;
	v2 =	vld [tilespmem:s3+$0xF090]  }
0x130: {  	[tilespmem:s3+$0x16850] =	vst v0;
	v0 =	vld [tilespmem:s3+$0xF0A0]  }
0x131: {  	[tilespmem:s3+$0x16860] =	vst v1;
	v1 =	vld [tilespmem:s3+$0xF0B0]  }
0x132: {  	[tilespmem:s3+$0x16870] =	vst v3;
	v3 =	vld [tilespmem:s3+$0xF0C0]  }
0x133: {  	[tilespmem:s3+$0x16880] =	vst v4;
	v4 =	vld [tilespmem:s3+$0xF0D0]  }
0x134: {  	[tilespmem:s3+$0x16890] =	vst v2;
	v2 =	vld [tilespmem:s3+$0xF0E0]  }
0x135: {  	[tilespmem:s3+$0x168A0] =	vst v0;
	v0 =	vld [tilespmem:s3+$0xF0F0]  }
0x136: {  	[tilespmem:s3+$0x168B0] =	vst v1;
	v1 =	vld [tilespmem:s3+$0xF100]  }
0x137: {  	[tilespmem:s3+$0x168C0] =	vst v3;
	v3 =	vld [tilespmem:s3+$0xF110]  }
0x138: {  	[tilespmem:s3+$0x168D0] =	vst v4;
	v4 =	vld [tilespmem:s3+$0xF120]  }
0x139: {  	[tilespmem:s3+$0x168E0] =	vst v2;
	v2 =	vld [tilespmem:s3+$0xF130]  }
0x13a: {  	[tilespmem:s3+$0x168F0] =	vst v0;
	v0 =	vld [tilespmem:s3+$0xF140]  }
0x13b: {  	[tilespmem:s3+$0x16900] =	vst v1;
	v1 =	vld [tilespmem:s3+$0xF150]  }
0x13c: {  	[tilespmem:s3+$0x16910] =	vst v3;
	v3 =	vld [tilespmem:s3+$0xF160]  }
0x13d: {  	[tilespmem:s3+$0x16920] =	vst v4;
	v4 =	vld [tilespmem:s3+$0xF170]  }
0x13e: {  	[tilespmem:s3+$0x16930] =	vst v2;
	v5 =	vld [tilespmem:s3+$0xF180]  }
.Ltmp4:
0x13f: {  	[tilespmem:s3+$0x16940] =	vst v0;
	v2 =	vld [tilespmem:s3+$0xF190];
	(pc) =	sbr.rel @p0 .LBB2_6-.Ltmp4, $4  }
0x140: {  	[tilespmem:s3+$0x16950] =	vst v1;
	v0 =	vld [tilespmem:s3+$0xF1A0]  }
0x141: {  	[tilespmem:s3+$0x16960] =	vst v3;
	v1 =	vld [tilespmem:s3+$0xF1B0]  }
0x142: {  	[tilespmem:s3+$0x16970] =	vst v4;
	v3 =	vld [tilespmem:s3+$0xF1C0]  }
0x143: {  	s7 =	sadd.s32 $0x800, s7;
	[tilespmem:s3+$0x16980] =	vst v5;
	v4 =	vld [tilespmem:s3+$0xF1D0]  }
0x144: {  	[tilespmem:s3+$0x16990] =	vst v2;
	v63 =	vld [tilespmem:s3+$0xF1E0]  }
0x145: {  	[tilespmem:s3+$0x169A0] =	vst v0  }
.Ltmp5:
0x146: {  	[tilespmem:s3+$0x169B0] =	vst v1;
	(pc) =	sbr.rel .LBB2_8-.Ltmp5, $4  }
0x147: {  	[tilespmem:s3+$0x169C0] =	vst v3  }
0x148: {  	[tilespmem:s3+$0x169D0] =	vst v4  }
0x149: {  	s2 =	simm.s32 $0x100;
	s11 =	simm.s32 $0x0;
	[tilespmem:s3+$0x169E0] =	vst v63  }
0x14a: {  	[tilespmem:s19], [sflag:$0x3] =	stream.indirect.gather.add.f32 [hbm:s1], $0x80, s2, s14, $0xb8;
	[tilespmem:$0x1E000] =	vst v63  }
.LBB2_24:
0x14b: {  	s11 =	sadd.s32 $0x1, s11  }
0x14c: {  	p0 =	sne.s32 s11, $0x40  }
.Ltmp6:
0x14d: {  	_ = 	snop;
	(pc) =	sbr.rel @!p0 .LBB2_25-.Ltmp6, $4  }
0x14e: {  	s2 =	sadd.s32 s6, s16  }
0x14f: {  	s2 =	sshll.u32 s2, $0x4  }
0x150: {  	s2 =	sadd.s32 s4, s2  }
0x151: {  	[hbm4b:s2+s5] =	stream.linear.scatter [tilespmem:s23], [sflag:$0xA], $0x2800, $0x38;
	[tilespmem:$0x1E000] =	vst v63  }
.LBB2_8:
0x152: {  	_ =	swait.ge [sflag:s20], $0x2800  }
0x153: {  	p0 =	seq.s32 s11, $0x0;
	[sflag:s20] =	ssyncset.done $0x0  }
0x154: {  	s2 =	simm.s32 @!p0 $0x9;
	[sflag:s20] =	ssyncadd.s32 $0xFFFFD800  }
0x155: {  	_ =	swait.ge @!p0 [sflag:s2], $0x2800  }
0x156: {  	[sflag:s2] =	ssyncset.done @!p0 $0x0  }
0x157: {  	s13 =	simm.s32 $0xB5F0;
	[sflag:s2] =	ssyncadd.s32 @!p0 $0xFFFFD800  }
0x158: {  	v0 =	vld [tilespmem:s13+$0xFFFFFF90]  }
0x159: {  	v2 =	vld [tilespmem:s13+$0xFFFFFF10]  }
0x15a: {  	v1 =	vld [tilespmem:s13+$0xFFFFFE90]  }
0x15b: {  	v3 =	vld [tilespmem:s13+$0xFFFFFE10]  }
0x15c: {  	s18 =	simm.s32 $0x19100  }
0x15d: {  	[tilespmem:s18+$0x80] =	vst v0  }
0x15e: {  	[tilespmem:s18+$0x0] =	vst v2;
	v0 =	vld [tilespmem:s13+$0xFFFFFFA0]  }
0x15f: {  	[tilespmem:s18+$0xFFFFFF80] =	vst v1;
	v2 =	vld [tilespmem:s13+$0xFFFFFF20]  }
0x160: {  	[tilespmem:s18+$0xFFFFFF00] =	vst v3;
	v1 =	vld [tilespmem:s13+$0xFFFFFEA0]  }
0x161: {  	v3 =	vld [tilespmem:s13+$0xFFFFFE20];
	_ =	sdelay $0x1  }
0x162: {  	[tilespmem:s18+$0x90] =	vst v0  }
0x163: {  	[tilespmem:s18+$0x10] =	vst v2;
	v0 =	vld [tilespmem:s13+$0xFFFFFFB0]  }
0x164: {  	[tilespmem:s18+$0xFFFFFF90] =	vst v1;
	v2 =	vld [tilespmem:s13+$0xFFFFFF30]  }
0x165: {  	[tilespmem:s18+$0xFFFFFF10] =	vst v3;
	v1 =	vld [tilespmem:s13+$0xFFFFFEB0]  }
0x166: {  	v3 =	vld [tilespmem:s13+$0xFFFFFE30];
	_ =	sdelay $0x1  }
0x167: {  	[tilespmem:s18+$0xA0] =	vst v0  }
0x168: {  	[tilespmem:s18+$0x20] =	vst v2;
	v0 =	vld [tilespmem:s13+$0xFFFFFFC0]  }
0x169: {  	[tilespmem:s18+$0xFFFFFFA0] =	vst v1;
	v2 =	vld [tilespmem:s13+$0xFFFFFF40]  }
0x16a: {  	[tilespmem:s18+$0xFFFFFF20] =	vst v3;
	v1 =	vld [tilespmem:s13+$0xFFFFFEC0]  }
0x16b: {  	v3 =	vld [tilespmem:s13+$0xFFFFFE40];
	_ =	sdelay $0x1  }
0x16c: {  	[tilespmem:s18+$0xB0] =	vst v0  }
0x16d: {  	[tilespmem:s18+$0x30] =	vst v2;
	v0 =	vld [tilespmem:s13+$0xFFFFFFD0]  }
0x16e: {  	[tilespmem:s18+$0xFFFFFFB0] =	vst v1;
	v2 =	vld [tilespmem:s13+$0xFFFFFF50]  }
0x16f: {  	[tilespmem:s18+$0xFFFFFF30] =	vst v3;
	v1 =	vld [tilespmem:s13+$0xFFFFFED0]  }
0x170: {  	v3 =	vld [tilespmem:s13+$0xFFFFFE50]  }
0x171: {  	s3 =	simm.s32 $0xB7F0  }
0x172: {  	v4 =	vld [tilespmem:s3+$0xFFFFFF90];
	[tilespmem:s18+$0xC0] =	vst v0  }
0x173: {  	[tilespmem:s18+$0x40] =	vst v2;
	v2 =	vld [tilespmem:s3+$0xFFFFFE90]  }
0x174: {  	[tilespmem:s18+$0xFFFFFFC0] =	vst v1;
	v0 =	vld [tilespmem:s13+$0xFFFFFFE0]  }
0x175: {  	[tilespmem:s18+$0xFFFFFF40] =	vst v3;
	v3 =	vld [tilespmem:s3+$0xFFFFFF10]  }
0x176: {  	s7 =	simm.s32 $0x19300;
	v1 =	vld [tilespmem:s13+$0xFFFFFEE0]  }
0x177: {  	v5 =	vld [tilespmem:s3+$0xFFFFFE10];
	[tilespmem:s7+$0x80] =	vst v4  }
0x178: {  	[tilespmem:s7+$0xFFFFFF80] =	vst v2;
	v2 =	vld [tilespmem:s3+$0xFFFFFFA0]  }
0x179: {  	[tilespmem:s18+$0xD0] =	vst v0;
	v4 =	vld [tilespmem:s3+$0xFFFFFEA0]  }
0x17a: {  	[tilespmem:s7+$0x0] =	vst v3;
	v0 =	vld [tilespmem:s13+$0xFFFFFFF0]  }
0x17b: {  	[tilespmem:s18+$0xFFFFFFD0] =	vst v1;
	v1 =	vld [tilespmem:s13+$0xFFFFFE60]  }
0x17c: {  	[tilespmem:s7+$0xFFFFFF00] =	vst v5;
	v3 =	vld [tilespmem:s3+$0xFFFFFF20]  }
0x17d: {  	v5 =	vld [tilespmem:s3+$0xFFFFFE20];
	[tilespmem:s7+$0x90] =	vst v2  }
0x17e: {  	[tilespmem:s7+$0xFFFFFF90] =	vst v4;
	v2 =	vld [tilespmem:s3+$0xFFFFFFB0]  }
0x17f: {  	[tilespmem:s18+$0xE0] =	vst v0;
	v4 =	vld [tilespmem:s3+$0xFFFFFEB0]  }
0x180: {  	[tilespmem:s18+$0xFFFFFF50] =	vst v1;
	v0 =	vld [tilespmem:s13+$0x0]  }
0x181: {  	v1 =	vld [tilespmem:s13+$0xFFFFFF60];
	[tilespmem:s7+$0x10] =	vst v3  }
0x182: {  	[tilespmem:s7+$0xFFFFFF10] =	vst v5;
	v3 =	vld [tilespmem:s3+$0xFFFFFF30]  }
0x183: {  	v5 =	vld [tilespmem:s3+$0xFFFFFE30];
	[tilespmem:s7+$0xA0] =	vst v2  }
0x184: {  	[tilespmem:s7+$0xFFFFFFA0] =	vst v4;
	v2 =	vld [tilespmem:s3+$0xFFFFFFC0]  }
0x185: {  	[tilespmem:s18+$0xF0] =	vst v0;
	v0 =	vld [tilespmem:s13+$0xFFFFFE70]  }
0x186: {  	[tilespmem:s18+$0x50] =	vst v1;
	v4 =	vld [tilespmem:s3+$0xFFFFFEC0]  }
0x187: {  	v1 =	vld [tilespmem:s13+$0xFFFFFEF0];
	[tilespmem:s7+$0x20] =	vst v3  }
0x188: {  	[tilespmem:s7+$0xFFFFFF20] =	vst v5;
	v3 =	vld [tilespmem:s3+$0xFFFFFF40]  }
0x189: {  	v5 =	vld [tilespmem:s3+$0xFFFFFE40];
	[tilespmem:s7+$0xB0] =	vst v2  }
0x18a: {  	[tilespmem:s18+$0xFFFFFF60] =	vst v0;
	v0 =	vld [tilespmem:s13+$0xFFFFFF70]  }
0x18b: {  	[tilespmem:s7+$0xFFFFFFB0] =	vst v4;
	v4 =	vld [tilespmem:s3+$0xFFFFFFD0]  }
0x18c: {  	[tilespmem:s18+$0xFFFFFFE0] =	vst v1;
	v1 =	vld [tilespmem:s13+$0xFFFFFE80]  }
0x18d: {  	[tilespmem:s7+$0x30] =	vst v3;
	v6 =	vld [tilespmem:s3+$0xFFFFFED0]  }
0x18e: {  	[tilespmem:s7+$0xFFFFFF30] =	vst v5;
	v5 =	vld [tilespmem:s3+$0xFFFFFF50]  }
0x18f: {  	v2 =	vld [tilespmem:s3+$0xFFFFFE50];
	[tilespmem:s18+$0x60] =	vst v0  }
0x190: {  	s16 =	smul.u32 $0x5, s11;
	v0 =	vld [tilespmem:s13+$0xFFFFFF00];
	[tilespmem:s7+$0xC0] =	vst v4  }
0x191: {  	[tilespmem:s18+$0xFFFFFF70] =	vst v1;
	v1 =	vld [tilespmem:s13+$0xFFFFFF80]  }
0x192: {  	s10 =	sadd.s32 $0x3, s16;
	[tilespmem:s7+$0xFFFFFFC0] =	vst v6;
	v3 =	vld [tilespmem:s3+$0xFFFFFFE0]  }
0x193: {  	s31 =	simm.s32 $0x4;
	s2 =	simm.s32 $0xB9F0;
	s13 =	smul.u32 $0x50, s10;
	[tilespmem:s7+$0x40] =	vst v5;
	v4 =	vld [tilespmem:s3+$0xFFFFFEE0]  }
.LBB2_9:
0x194: {  	v5 =	vld [tilespmem:s2+$0xFFFFFF90];
	s31 =	sadd.s32 $0x4, s31;
	[tilespmem:s7+$0xFFFFFF40] =	vst v2  }
0x195: {  	v2 =	vld [tilespmem:s2+$0xFFFFFE90];
	p1 =	slt.u32 s31, $0x4C;
	[tilespmem:s18+$0xFFFFFFF0] =	vst v0  }
0x196: {  	v0 =	vld [tilespmem:s2+$0xFFFFFF10];
	[tilespmem:s18+$0x70] =	vst v1;
	s18 =	smov.u32 s7  }
0x197: {  	v1 =	vld [tilespmem:s2+$0xFFFFFE10];
	[tilespmem:s7+$0xD0] =	vst v3  }
0x198: {  	s7 =	sadd.s32 $0x200, s7;
	[tilespmem:s18+$0xFFFFFFD0] =	vst v4;
	v3 =	vld [tilespmem:s3+$0xFFFFFFF0]  }
0x199: {  	[tilespmem:s7+$0x80] =	vst v5;
	v4 =	vld [tilespmem:s3+$0xFFFFFE60]  }
0x19a: {  	[tilespmem:s7+$0xFFFFFF80] =	vst v2;
	v2 =	vld [tilespmem:s2+$0xFFFFFFA0]  }
0x19b: {  	v5 =	vld [tilespmem:s2+$0xFFFFFEA0];
	[tilespmem:s7+$0x0] =	vst v0  }
0x19c: {  	[tilespmem:s7+$0xFFFFFF00] =	vst v1;
	v0 =	vld [tilespmem:s2+$0xFFFFFF20]  }
0x19d: {  	v1 =	vld [tilespmem:s2+$0xFFFFFE20];
	[tilespmem:s18+$0xE0] =	vst v3  }
0x19e: {  	[tilespmem:s18+$0xFFFFFF50] =	vst v4;
	v3 =	vld [tilespmem:s3+$0x0]  }
0x19f: {  	[tilespmem:s7+$0x90] =	vst v2;
	v2 =	vld [tilespmem:s3+$0xFFFFFF60]  }
0x1a0: {  	[tilespmem:s7+$0xFFFFFF90] =	vst v5;
	v4 =	vld [tilespmem:s2+$0xFFFFFFB0]  }
0x1a1: {  	v5 =	vld [tilespmem:s2+$0xFFFFFEB0];
	[tilespmem:s7+$0x10] =	vst v0  }
0x1a2: {  	[tilespmem:s7+$0xFFFFFF10] =	vst v1;
	v0 =	vld [tilespmem:s2+$0xFFFFFF30]  }
0x1a3: {  	v1 =	vld [tilespmem:s2+$0xFFFFFE30];
	[tilespmem:s18+$0xF0] =	vst v3  }
0x1a4: {  	v3 =	vld [tilespmem:s3+$0xFFFFFE70];
	[tilespmem:s18+$0x50] =	vst v2  }
0x1a5: {  	[tilespmem:s7+$0xA0] =	vst v4;
	v2 =	vld [tilespmem:s3+$0xFFFFFEF0]  }
0x1a6: {  	[tilespmem:s7+$0xFFFFFFA0] =	vst v5;
	v4 =	vld [tilespmem:s2+$0xFFFFFFC0]  }
0x1a7: {  	v5 =	vld [tilespmem:s2+$0xFFFFFEC0];
	[tilespmem:s7+$0x20] =	vst v0  }
0x1a8: {  	[tilespmem:s7+$0xFFFFFF20] =	vst v1;
	v0 =	vld [tilespmem:s2+$0xFFFFFF40]  }
0x1a9: {  	v1 =	vld [tilespmem:s2+$0xFFFFFE40];
	[tilespmem:s18+$0xFFFFFF60] =	vst v3  }
0x1aa: {  	[tilespmem:s18+$0xFFFFFFE0] =	vst v2;
	v3 =	vld [tilespmem:s3+$0xFFFFFF70]  }
0x1ab: {  	[tilespmem:s7+$0xB0] =	vst v4;
	v4 =	vld [tilespmem:s3+$0xFFFFFE80]  }
0x1ac: {  	[tilespmem:s7+$0xFFFFFFB0] =	vst v5;
	v5 =	vld [tilespmem:s2+$0xFFFFFFD0]  }
0x1ad: {  	v6 =	vld [tilespmem:s2+$0xFFFFFED0];
	[tilespmem:s7+$0x30] =	vst v0  }
0x1ae: {  	[tilespmem:s7+$0xFFFFFF30] =	vst v1;
	v7 =	vld [tilespmem:s2+$0xFFFFFF50]  }
.Ltmp7:
0x1af: {  	v2 =	vld [tilespmem:s2+$0xFFFFFE50];
	[tilespmem:s18+$0x60] =	vst v3;
	(pc) =	sbr.rel @p1 .LBB2_9-.Ltmp7, $4  }
0x1b0: {  	[tilespmem:s18+$0xFFFFFF70] =	vst v4;
	v0 =	vld [tilespmem:s3+$0xFFFFFF00]  }
0x1b1: {  	[tilespmem:s7+$0xC0] =	vst v5;
	v1 =	vld [tilespmem:s3+$0xFFFFFF80];
	s3 =	smov.u32 s2  }
0x1b2: {  	[tilespmem:s7+$0xFFFFFFC0] =	vst v6;
	v3 =	vld [tilespmem:s2+$0xFFFFFFE0]  }
0x1b3: {  	s2 =	sadd.s32 $0x200, s2;
	v4 =	vld [tilespmem:s3+$0xFFFFFEE0];
	[tilespmem:s7+$0x40] =	vst v7  }
0x1b4: {  	[tilespmem:s7+$0xFFFFFF40] =	vst v2;
	v5 =	vld [tilespmem:s3+$0xFFFFFF60]  }
0x1b5: {  	v2 =	vld [tilespmem:s3+$0xFFFFFE60];
	_ =	sdelay $0x1  }
0x1b6: {  	[tilespmem:s7+$0xD0] =	vst v3  }
0x1b7: {  	v3 =	vld [tilespmem:s3+$0xFFFFFFF0];
	[tilespmem:s7+$0xFFFFFFD0] =	vst v4  }
0x1b8: {  	[tilespmem:s7+$0x50] =	vst v5;
	v4 =	vld [tilespmem:s3+$0xFFFFFEF0]  }
0x1b9: {  	[tilespmem:s7+$0xFFFFFF50] =	vst v2;
	v5 =	vld [tilespmem:s3+$0xFFFFFF70]  }
0x1ba: {  	v2 =	vld [tilespmem:s3+$0xFFFFFE70]  }
0x1bb: {  	[tilespmem:s18+$0xFFFFFFF0] =	vst v0  }
0x1bc: {  	[tilespmem:s7+$0xE0] =	vst v3  }
0x1bd: {  	v3 =	vld [tilespmem:s3+$0x0];
	[tilespmem:s7+$0xFFFFFFE0] =	vst v4  }
0x1be: {  	[tilespmem:s7+$0x60] =	vst v5;
	v4 =	vld [tilespmem:s3+$0xFFFFFF00]  }
0x1bf: {  	[tilespmem:s7+$0xFFFFFF60] =	vst v2;
	v0 =	vld [tilespmem:s3+$0xFFFFFF80]  }
0x1c0: {  	v2 =	vld [tilespmem:s3+$0xFFFFFE80]  }
0x1c1: {  	[tilespmem:s18+$0x70] =	vst v1  }
0x1c2: {  	[tilespmem:s7+$0xF0] =	vst v3  }
0x1c3: {  	s18 =	smul.u32 $0x190, s11;
	[tilespmem:s7+$0xFFFFFFF0] =	vst v4  }
0x1c4: {  	s2 =	sshll.u32 s10, $0x7;
	[tilespmem:s7+$0x70] =	vst v0  }
0x1c5: {  	s2 =	sand.u32 $0x3FFFFF80, s2;
	s10 =	sadd.s32 s6, s18;
	[tilespmem:s7+$0xFFFFFF70] =	vst v2  }
0x1c6: {  	[tilespmem:s21], [sflag:$0x4] =	stream.indirect.gather.add.f32 [hbm:s1], $0x80, s2, s14, $0xb8;
	[tilespmem:$0x1E000] =	vst v63  }
0x1c7: {  	s2 =	sshll.u32 s10, $0x4  }
0x1c8: {  	s2 =	sadd.s32 s4, s2  }
0x1c9: {  	[hbm4b:s2+s5] =	stream.linear.scatter [tilespmem:s15], [sflag:$0x6], $0x2800, $0x38;
	[tilespmem:$0x1E000] =	vst v63  }
0x1ca: {  	_ =	swait.ge [sflag:s22], $0x2800  }
0x1cb: {  	[sflag:s22] =	ssyncset.done $0x0  }
0x1cc: {  	s2 =	simm.s32 @!p0 $0xA;
	[sflag:s22] =	ssyncadd.s32 $0xFFFFD800  }
0x1cd: {  	_ =	swait.ge @!p0 [sflag:s2], $0x2800  }
0x1ce: {  	[sflag:s2] =	ssyncset.done @!p0 $0x0  }
0x1cf: {  	s12 =	simm.s32 $0xDDF0;
	[sflag:s2] =	ssyncadd.s32 @!p0 $0xFFFFD800  }
0x1d0: {  	v0 =	vld [tilespmem:s12+$0xFFFFFF90]  }
0x1d1: {  	v2 =	vld [tilespmem:s12+$0xFFFFFF10]  }
0x1d2: {  	v1 =	vld [tilespmem:s12+$0xFFFFFE90]  }
0x1d3: {  	v3 =	vld [tilespmem:s12+$0xFFFFFE10]  }
0x1d4: {  	s3 =	simm.s32 $0x1B900  }
0x1d5: {  	[tilespmem:s3+$0x80] =	vst v0  }
0x1d6: {  	[tilespmem:s3+$0x0] =	vst v2;
	v0 =	vld [tilespmem:s12+$0xFFFFFFA0]  }
0x1d7: {  	[tilespmem:s3+$0xFFFFFF80] =	vst v1;
	v2 =	vld [tilespmem:s12+$0xFFFFFF20]  }
0x1d8: {  	[tilespmem:s3+$0xFFFFFF00] =	vst v3;
	v1 =	vld [tilespmem:s12+$0xFFFFFEA0]  }
0x1d9: {  	v3 =	vld [tilespmem:s12+$0xFFFFFE20];
	_ =	sdelay $0x1  }
0x1da: {  	[tilespmem:s3+$0x90] =	vst v0  }
0x1db: {  	[tilespmem:s3+$0x10] =	vst v2;
	v0 =	vld [tilespmem:s12+$0xFFFFFFB0]  }
0x1dc: {  	[tilespmem:s3+$0xFFFFFF90] =	vst v1;
	v2 =	vld [tilespmem:s12+$0xFFFFFF30]  }
0x1dd: {  	[tilespmem:s3+$0xFFFFFF10] =	vst v3;
	v1 =	vld [tilespmem:s12+$0xFFFFFEB0]  }
0x1de: {  	v3 =	vld [tilespmem:s12+$0xFFFFFE30];
	_ =	sdelay $0x1  }
0x1df: {  	[tilespmem:s3+$0xA0] =	vst v0  }
0x1e0: {  	[tilespmem:s3+$0x20] =	vst v2;
	v0 =	vld [tilespmem:s12+$0xFFFFFFC0]  }
0x1e1: {  	[tilespmem:s3+$0xFFFFFFA0] =	vst v1;
	v2 =	vld [tilespmem:s12+$0xFFFFFF40]  }
0x1e2: {  	[tilespmem:s3+$0xFFFFFF20] =	vst v3;
	v1 =	vld [tilespmem:s12+$0xFFFFFEC0]  }
0x1e3: {  	v3 =	vld [tilespmem:s12+$0xFFFFFE40];
	_ =	sdelay $0x1  }
0x1e4: {  	[tilespmem:s3+$0xB0] =	vst v0  }
0x1e5: {  	[tilespmem:s3+$0x30] =	vst v2;
	v0 =	vld [tilespmem:s12+$0xFFFFFFD0]  }
0x1e6: {  	[tilespmem:s3+$0xFFFFFFB0] =	vst v1;
	v2 =	vld [tilespmem:s12+$0xFFFFFF50]  }
0x1e7: {  	[tilespmem:s3+$0xFFFFFF30] =	vst v3;
	v1 =	vld [tilespmem:s12+$0xFFFFFED0]  }
0x1e8: {  	v3 =	vld [tilespmem:s12+$0xFFFFFE50]  }
0x1e9: {  	s7 =	simm.s32 $0xDFF0  }
0x1ea: {  	v4 =	vld [tilespmem:s7+$0xFFFFFF90];
	[tilespmem:s3+$0xC0] =	vst v0  }
0x1eb: {  	[tilespmem:s3+$0x40] =	vst v2;
	v2 =	vld [tilespmem:s7+$0xFFFFFE90]  }
0x1ec: {  	[tilespmem:s3+$0xFFFFFFC0] =	vst v1;
	v0 =	vld [tilespmem:s12+$0xFFFFFFE0]  }
0x1ed: {  	[tilespmem:s3+$0xFFFFFF40] =	vst v3;
	v3 =	vld [tilespmem:s7+$0xFFFFFF10]  }
0x1ee: {  	s10 =	simm.s32 $0x1BB00;
	v1 =	vld [tilespmem:s12+$0xFFFFFEE0]  }
0x1ef: {  	v5 =	vld [tilespmem:s7+$0xFFFFFE10];
	[tilespmem:s10+$0x80] =	vst v4  }
0x1f0: {  	[tilespmem:s10+$0xFFFFFF80] =	vst v2;
	v2 =	vld [tilespmem:s7+$0xFFFFFFA0]  }
0x1f1: {  	[tilespmem:s3+$0xD0] =	vst v0;
	v4 =	vld [tilespmem:s7+$0xFFFFFEA0]  }
0x1f2: {  	[tilespmem:s10+$0x0] =	vst v3;
	v0 =	vld [tilespmem:s12+$0xFFFFFFF0]  }
0x1f3: {  	[tilespmem:s3+$0xFFFFFFD0] =	vst v1;
	v1 =	vld [tilespmem:s12+$0xFFFFFE60]  }
0x1f4: {  	[tilespmem:s10+$0xFFFFFF00] =	vst v5;
	v3 =	vld [tilespmem:s7+$0xFFFFFF20]  }
0x1f5: {  	v5 =	vld [tilespmem:s7+$0xFFFFFE20];
	[tilespmem:s10+$0x90] =	vst v2  }
0x1f6: {  	[tilespmem:s10+$0xFFFFFF90] =	vst v4;
	v2 =	vld [tilespmem:s7+$0xFFFFFFB0]  }
0x1f7: {  	[tilespmem:s3+$0xE0] =	vst v0;
	v4 =	vld [tilespmem:s7+$0xFFFFFEB0]  }
0x1f8: {  	[tilespmem:s3+$0xFFFFFF50] =	vst v1;
	v0 =	vld [tilespmem:s12+$0x0]  }
0x1f9: {  	v1 =	vld [tilespmem:s12+$0xFFFFFF60];
	[tilespmem:s10+$0x10] =	vst v3  }
0x1fa: {  	[tilespmem:s10+$0xFFFFFF10] =	vst v5;
	v3 =	vld [tilespmem:s7+$0xFFFFFF30]  }
0x1fb: {  	v5 =	vld [tilespmem:s7+$0xFFFFFE30];
	[tilespmem:s10+$0xA0] =	vst v2  }
0x1fc: {  	[tilespmem:s10+$0xFFFFFFA0] =	vst v4;
	v2 =	vld [tilespmem:s7+$0xFFFFFFC0]  }
0x1fd: {  	[tilespmem:s3+$0xF0] =	vst v0;
	v0 =	vld [tilespmem:s12+$0xFFFFFE70]  }
0x1fe: {  	[tilespmem:s3+$0x50] =	vst v1;
	v4 =	vld [tilespmem:s7+$0xFFFFFEC0]  }
0x1ff: {  	v1 =	vld [tilespmem:s12+$0xFFFFFEF0];
	[tilespmem:s10+$0x20] =	vst v3  }
0x200: {  	[tilespmem:s10+$0xFFFFFF20] =	vst v5;
	v3 =	vld [tilespmem:s7+$0xFFFFFF40]  }
0x201: {  	v5 =	vld [tilespmem:s7+$0xFFFFFE40];
	[tilespmem:s10+$0xB0] =	vst v2  }
0x202: {  	[tilespmem:s3+$0xFFFFFF60] =	vst v0;
	v0 =	vld [tilespmem:s12+$0xFFFFFF70]  }
0x203: {  	[tilespmem:s10+$0xFFFFFFB0] =	vst v4;
	v4 =	vld [tilespmem:s7+$0xFFFFFFD0]  }
0x204: {  	[tilespmem:s3+$0xFFFFFFE0] =	vst v1;
	v1 =	vld [tilespmem:s12+$0xFFFFFE80]  }
0x205: {  	[tilespmem:s10+$0x30] =	vst v3;
	v6 =	vld [tilespmem:s7+$0xFFFFFED0]  }
0x206: {  	[tilespmem:s10+$0xFFFFFF30] =	vst v5;
	v5 =	vld [tilespmem:s7+$0xFFFFFF50]  }
0x207: {  	v2 =	vld [tilespmem:s7+$0xFFFFFE50];
	[tilespmem:s3+$0x60] =	vst v0  }
0x208: {  	v0 =	vld [tilespmem:s12+$0xFFFFFF00];
	[tilespmem:s10+$0xC0] =	vst v4  }
0x209: {  	[tilespmem:s3+$0xFFFFFF70] =	vst v1;
	v1 =	vld [tilespmem:s12+$0xFFFFFF80]  }
0x20a: {  	s31 =	sadd.s32 $0x4, s16;
	[tilespmem:s10+$0xFFFFFFC0] =	vst v6;
	v3 =	vld [tilespmem:s7+$0xFFFFFFE0]  }
0x20b: {  	s16 =	smul.u32 $0x50, s31;
	s2 =	simm.s32 $0x4;
	[tilespmem:s10+$0x40] =	vst v5;
	s12 =	simm.s32 $0xE1F0;
	v4 =	vld [tilespmem:s7+$0xFFFFFEE0]  }
.LBB2_11:
0x20c: {  	v5 =	vld [tilespmem:s12+$0xFFFFFF90];
	s2 =	sadd.s32 $0x4, s2;
	[tilespmem:s10+$0xFFFFFF40] =	vst v2  }
0x20d: {  	v2 =	vld [tilespmem:s12+$0xFFFFFE90];
	p0 =	slt.u32 s2, $0x4C;
	[tilespmem:s3+$0xFFFFFFF0] =	vst v0  }
0x20e: {  	v0 =	vld [tilespmem:s12+$0xFFFFFF10];
	[tilespmem:s3+$0x70] =	vst v1;
	s3 =	smov.u32 s10  }
0x20f: {  	v1 =	vld [tilespmem:s12+$0xFFFFFE10];
	[tilespmem:s10+$0xD0] =	vst v3  }
0x210: {  	s10 =	sadd.s32 $0x200, s10;
	[tilespmem:s3+$0xFFFFFFD0] =	vst v4;
	v3 =	vld [tilespmem:s7+$0xFFFFFFF0]  }
0x211: {  	[tilespmem:s10+$0x80] =	vst v5;
	v4 =	vld [tilespmem:s7+$0xFFFFFE60]  }
0x212: {  	[tilespmem:s10+$0xFFFFFF80] =	vst v2;
	v2 =	vld [tilespmem:s12+$0xFFFFFFA0]  }
0x213: {  	v5 =	vld [tilespmem:s12+$0xFFFFFEA0];
	[tilespmem:s10+$0x0] =	vst v0  }
0x214: {  	[tilespmem:s10+$0xFFFFFF00] =	vst v1;
	v0 =	vld [tilespmem:s12+$0xFFFFFF20]  }
0x215: {  	v1 =	vld [tilespmem:s12+$0xFFFFFE20];
	[tilespmem:s3+$0xE0] =	vst v3  }
0x216: {  	[tilespmem:s3+$0xFFFFFF50] =	vst v4;
	v3 =	vld [tilespmem:s7+$0x0]  }
0x217: {  	[tilespmem:s10+$0x90] =	vst v2;
	v2 =	vld [tilespmem:s7+$0xFFFFFF60]  }
0x218: {  	[tilespmem:s10+$0xFFFFFF90] =	vst v5;
	v4 =	vld [tilespmem:s12+$0xFFFFFFB0]  }
0x219: {  	v5 =	vld [tilespmem:s12+$0xFFFFFEB0];
	[tilespmem:s10+$0x10] =	vst v0  }
0x21a: {  	[tilespmem:s10+$0xFFFFFF10] =	vst v1;
	v0 =	vld [tilespmem:s12+$0xFFFFFF30]  }
0x21b: {  	v1 =	vld [tilespmem:s12+$0xFFFFFE30];
	[tilespmem:s3+$0xF0] =	vst v3  }
0x21c: {  	v3 =	vld [tilespmem:s7+$0xFFFFFE70];
	[tilespmem:s3+$0x50] =	vst v2  }
0x21d: {  	[tilespmem:s10+$0xA0] =	vst v4;
	v2 =	vld [tilespmem:s7+$0xFFFFFEF0]  }
0x21e: {  	[tilespmem:s10+$0xFFFFFFA0] =	vst v5;
	v4 =	vld [tilespmem:s12+$0xFFFFFFC0]  }
0x21f: {  	v5 =	vld [tilespmem:s12+$0xFFFFFEC0];
	[tilespmem:s10+$0x20] =	vst v0  }
0x220: {  	[tilespmem:s10+$0xFFFFFF20] =	vst v1;
	v0 =	vld [tilespmem:s12+$0xFFFFFF40]  }
0x221: {  	v1 =	vld [tilespmem:s12+$0xFFFFFE40];
	[tilespmem:s3+$0xFFFFFF60] =	vst v3  }
0x222: {  	[tilespmem:s3+$0xFFFFFFE0] =	vst v2;
	v3 =	vld [tilespmem:s7+$0xFFFFFF70]  }
0x223: {  	[tilespmem:s10+$0xB0] =	vst v4;
	v4 =	vld [tilespmem:s7+$0xFFFFFE80]  }
0x224: {  	[tilespmem:s10+$0xFFFFFFB0] =	vst v5;
	v5 =	vld [tilespmem:s12+$0xFFFFFFD0]  }
0x225: {  	v6 =	vld [tilespmem:s12+$0xFFFFFED0];
	[tilespmem:s10+$0x30] =	vst v0  }
0x226: {  	[tilespmem:s10+$0xFFFFFF30] =	vst v1;
	v7 =	vld [tilespmem:s12+$0xFFFFFF50]  }
.Ltmp8:
0x227: {  	v2 =	vld [tilespmem:s12+$0xFFFFFE50];
	[tilespmem:s3+$0x60] =	vst v3;
	(pc) =	sbr.rel @p0 .LBB2_11-.Ltmp8, $4  }
0x228: {  	[tilespmem:s3+$0xFFFFFF70] =	vst v4;
	v0 =	vld [tilespmem:s7+$0xFFFFFF00]  }
0x229: {  	[tilespmem:s10+$0xC0] =	vst v5;
	v1 =	vld [tilespmem:s7+$0xFFFFFF80];
	s7 =	smov.u32 s12  }
0x22a: {  	[tilespmem:s10+$0xFFFFFFC0] =	vst v6;
	v3 =	vld [tilespmem:s12+$0xFFFFFFE0]  }
0x22b: {  	s12 =	sadd.s32 $0x200, s12;
	v4 =	vld [tilespmem:s7+$0xFFFFFEE0];
	[tilespmem:s10+$0x40] =	vst v7  }
0x22c: {  	[tilespmem:s10+$0xFFFFFF40] =	vst v2;
	v5 =	vld [tilespmem:s7+$0xFFFFFF60]  }
0x22d: {  	v2 =	vld [tilespmem:s7+$0xFFFFFE60];
	_ =	sdelay $0x1  }
0x22e: {  	[tilespmem:s10+$0xD0] =	vst v3  }
0x22f: {  	v3 =	vld [tilespmem:s7+$0xFFFFFFF0];
	[tilespmem:s10+$0xFFFFFFD0] =	vst v4  }
0x230: {  	[tilespmem:s10+$0x50] =	vst v5;
	v4 =	vld [tilespmem:s7+$0xFFFFFEF0]  }
0x231: {  	[tilespmem:s10+$0xFFFFFF50] =	vst v2;
	v5 =	vld [tilespmem:s7+$0xFFFFFF70]  }
0x232: {  	v2 =	vld [tilespmem:s7+$0xFFFFFE70];
	_ =	sdelay $0x1  }
0x233: {  	[tilespmem:s10+$0xE0] =	vst v3  }
0x234: {  	v61 =	vld [tilespmem:s7+$0x0];
	[tilespmem:s10+$0xFFFFFFE0] =	vst v4  }
0x235: {  	[tilespmem:s10+$0x60] =	vst v5;
	v4 =	vld [tilespmem:s7+$0xFFFFFF00]  }
0x236: {  	[tilespmem:s10+$0xFFFFFF60] =	vst v2;
	v63 =	vld [tilespmem:s7+$0xFFFFFF80]  }
0x237: {  	[tilespmem:s3+$0xFFFFFFF0] =	vst v0;
	v62 =	vld [tilespmem:s7+$0xFFFFFE80]  }
0x238: {  	[tilespmem:s3+$0x70] =	vst v1  }
0x239: {  	[tilespmem:s10+$0xF0] =	vst v61  }
0x23a: {  	[tilespmem:s10+$0xFFFFFFF0] =	vst v4  }
0x23b: {  	s2 =	sshll.u32 s31, $0x7;
	[tilespmem:s10+$0x70] =	vst v63  }
0x23c: {  	s31 =	sadd.s32 s18, s8;
	s2 =	sand.u32 $0x3FFFFF80, s2;
	[tilespmem:s10+$0xFFFFFF70] =	vst v62  }
0x23d: {  	[tilespmem:s23], [sflag:$0x5] =	stream.indirect.gather.add.f32 [hbm:s1], $0x80, s2, s14, $0xb8;
	[tilespmem:$0x1E000] =	vst v63  }
0x23e: {  	s2 =	sshll.u32 s31, $0x4  }
0x23f: {  	s2 =	sadd.s32 s4, s2  }
0x240: {  	[hbm4b:s2+s5] =	stream.linear.scatter [tilespmem:s17], [sflag:$0x7], $0x2800, $0x38;
	[tilespmem:$0x1E000] =	vst v63  }
0x241: {  	p0 =	seq.s32 s11, $0x3F;
	_ =	swait.ge [sflag:s24], $0x2800  }
.Ltmp9:
0x242: {  	[sflag:s24] =	ssyncset.done $0x0;
	(pc) =	sbr.rel @p0 .LBB2_16-.Ltmp9, $4  }
0x243: {  	[sflag:s24] =	ssyncadd.s32 $0xFFFFD800  }
0x244: {  	_ =	swait.ge [sflag:s25], $0x2800  }
0x245: {  	[sflag:s25] =	ssyncset.done $0x0  }
0x246: {  	[sflag:s25] =	ssyncadd.s32 $0xFFFFD800  }
0x247: {  	s2 =	simm.s32 $0xA100  }
0x248: {  	v0 =	vld [tilespmem:s2+$0x80]  }
0x249: {  	v2 =	vld [tilespmem:s2+$0x0]  }
0x24a: {  	v1 =	vld [tilespmem:s2+$0xFFFFFF80]  }
0x24b: {  	v3 =	vld [tilespmem:s2+$0xFFFFFF00]  }
0x24c: {  	s3 =	simm.s32 $0x11900  }
0x24d: {  	[tilespmem:s3+$0x80] =	vst v0  }
0x24e: {  	[tilespmem:s3+$0x0] =	vst v2;
	v0 =	vld [tilespmem:s2+$0x90]  }
0x24f: {  	[tilespmem:s3+$0xFFFFFF80] =	vst v1;
	v2 =	vld [tilespmem:s2+$0x10]  }
0x250: {  	[tilespmem:s3+$0xFFFFFF00] =	vst v3;
	v1 =	vld [tilespmem:s2+$0xFFFFFF90]  }
0x251: {  	v3 =	vld [tilespmem:s2+$0xFFFFFF10];
	_ =	sdelay $0x1  }
0x252: {  	[tilespmem:s3+$0x90] =	vst v0  }
0x253: {  	[tilespmem:s3+$0x10] =	vst v2;
	v0 =	vld [tilespmem:s2+$0xA0]  }
0x254: {  	[tilespmem:s3+$0xFFFFFF90] =	vst v1;
	v2 =	vld [tilespmem:s2+$0x20]  }
0x255: {  	[tilespmem:s3+$0xFFFFFF10] =	vst v3;
	v1 =	vld [tilespmem:s2+$0xFFFFFFA0]  }
0x256: {  	v3 =	vld [tilespmem:s2+$0xFFFFFF20];
	_ =	sdelay $0x1  }
0x257: {  	[tilespmem:s3+$0xA0] =	vst v0  }
0x258: {  	[tilespmem:s3+$0x20] =	vst v2;
	v0 =	vld [tilespmem:s2+$0xB0]  }
0x259: {  	[tilespmem:s3+$0xFFFFFFA0] =	vst v1;
	v2 =	vld [tilespmem:s2+$0x30]  }
0x25a: {  	[tilespmem:s3+$0xFFFFFF20] =	vst v3;
	v1 =	vld [tilespmem:s2+$0xFFFFFFB0]  }
0x25b: {  	v3 =	vld [tilespmem:s2+$0xFFFFFF30];
	_ =	sdelay $0x1  }
0x25c: {  	[tilespmem:s3+$0xB0] =	vst v0  }
0x25d: {  	[tilespmem:s3+$0x30] =	vst v2;
	v0 =	vld [tilespmem:s2+$0xC0]  }
0x25e: {  	[tilespmem:s3+$0xFFFFFFB0] =	vst v1;
	v2 =	vld [tilespmem:s2+$0x40]  }
0x25f: {  	[tilespmem:s3+$0xFFFFFF30] =	vst v3;
	v1 =	vld [tilespmem:s2+$0xFFFFFFC0]  }
0x260: {  	v3 =	vld [tilespmem:s2+$0xFFFFFF40]  }
0x261: {  	s7 =	simm.s32 $0xA300  }
0x262: {  	v4 =	vld [tilespmem:s7+$0x80];
	[tilespmem:s3+$0xC0] =	vst v0  }
0x263: {  	[tilespmem:s3+$0x40] =	vst v2;
	v2 =	vld [tilespmem:s7+$0xFFFFFF80]  }
0x264: {  	[tilespmem:s3+$0xFFFFFFC0] =	vst v1;
	v0 =	vld [tilespmem:s2+$0xD0]  }
0x265: {  	[tilespmem:s3+$0xFFFFFF40] =	vst v3;
	v3 =	vld [tilespmem:s7+$0x0]  }
0x266: {  	s10 =	simm.s32 $0x11B00;
	v1 =	vld [tilespmem:s2+$0xFFFFFFD0]  }
0x267: {  	v5 =	vld [tilespmem:s7+$0xFFFFFF00];
	[tilespmem:s10+$0x80] =	vst v4  }
0x268: {  	[tilespmem:s10+$0xFFFFFF80] =	vst v2;
	v2 =	vld [tilespmem:s7+$0x90]  }
0x269: {  	[tilespmem:s3+$0xD0] =	vst v0;
	v4 =	vld [tilespmem:s7+$0xFFFFFF90]  }
0x26a: {  	[tilespmem:s10+$0x0] =	vst v3;
	v0 =	vld [tilespmem:s2+$0xE0]  }
0x26b: {  	[tilespmem:s3+$0xFFFFFFD0] =	vst v1;
	v1 =	vld [tilespmem:s2+$0xFFFFFF50]  }
0x26c: {  	[tilespmem:s10+$0xFFFFFF00] =	vst v5;
	v3 =	vld [tilespmem:s7+$0x10]  }
0x26d: {  	v5 =	vld [tilespmem:s7+$0xFFFFFF10];
	[tilespmem:s10+$0x90] =	vst v2  }
0x26e: {  	[tilespmem:s10+$0xFFFFFF90] =	vst v4;
	v2 =	vld [tilespmem:s7+$0xA0]  }
0x26f: {  	[tilespmem:s3+$0xE0] =	vst v0;
	v4 =	vld [tilespmem:s7+$0xFFFFFFA0]  }
0x270: {  	[tilespmem:s3+$0xFFFFFF50] =	vst v1;
	v0 =	vld [tilespmem:s2+$0xF0]  }
0x271: {  	v1 =	vld [tilespmem:s2+$0x50];
	[tilespmem:s10+$0x10] =	vst v3  }
0x272: {  	[tilespmem:s10+$0xFFFFFF10] =	vst v5;
	v3 =	vld [tilespmem:s7+$0x20]  }
0x273: {  	v5 =	vld [tilespmem:s7+$0xFFFFFF20];
	[tilespmem:s10+$0xA0] =	vst v2  }
0x274: {  	[tilespmem:s10+$0xFFFFFFA0] =	vst v4;
	v2 =	vld [tilespmem:s7+$0xB0]  }
0x275: {  	[tilespmem:s3+$0xF0] =	vst v0;
	v0 =	vld [tilespmem:s2+$0xFFFFFF60]  }
0x276: {  	[tilespmem:s3+$0x50] =	vst v1;
	v4 =	vld [tilespmem:s7+$0xFFFFFFB0]  }
0x277: {  	v1 =	vld [tilespmem:s2+$0xFFFFFFE0];
	[tilespmem:s10+$0x20] =	vst v3  }
0x278: {  	[tilespmem:s10+$0xFFFFFF20] =	vst v5;
	v3 =	vld [tilespmem:s7+$0x30]  }
0x279: {  	v5 =	vld [tilespmem:s7+$0xFFFFFF30];
	[tilespmem:s10+$0xB0] =	vst v2  }
0x27a: {  	[tilespmem:s3+$0xFFFFFF60] =	vst v0;
	v0 =	vld [tilespmem:s2+$0x60]  }
0x27b: {  	[tilespmem:s10+$0xFFFFFFB0] =	vst v4;
	v4 =	vld [tilespmem:s7+$0xC0]  }
0x27c: {  	[tilespmem:s3+$0xFFFFFFE0] =	vst v1;
	v1 =	vld [tilespmem:s2+$0xFFFFFF70]  }
0x27d: {  	[tilespmem:s10+$0x30] =	vst v3;
	v6 =	vld [tilespmem:s7+$0xFFFFFFC0]  }
0x27e: {  	[tilespmem:s10+$0xFFFFFF30] =	vst v5;
	v5 =	vld [tilespmem:s7+$0x40]  }
0x27f: {  	v2 =	vld [tilespmem:s7+$0xFFFFFF40];
	[tilespmem:s3+$0x60] =	vst v0  }
0x280: {  	v0 =	vld [tilespmem:s2+$0xFFFFFFF0];
	[tilespmem:s10+$0xC0] =	vst v4  }
0x281: {  	[tilespmem:s3+$0xFFFFFF70] =	vst v1;
	v1 =	vld [tilespmem:s2+$0x70]  }
0x282: {  	[tilespmem:s10+$0xFFFFFFC0] =	vst v6;
	v4 =	vld [tilespmem:s7+$0xD0]  }
0x283: {  	s12 =	simm.s32 $0xA500;
	s2 =	simm.s32 $0x4;
	[tilespmem:s10+$0x40] =	vst v5;
	v3 =	vld [tilespmem:s7+$0xFFFFFFD0]  }
.LBB2_14:
0x284: {  	v5 =	vld [tilespmem:s12+$0x80];
	s2 =	sadd.s32 $0x4, s2;
	[tilespmem:s10+$0xFFFFFF40] =	vst v2  }
0x285: {  	v2 =	vld [tilespmem:s12+$0xFFFFFF80];
	p1 =	slt.u32 s2, $0x4C;
	[tilespmem:s3+$0xFFFFFFF0] =	vst v0  }
0x286: {  	v0 =	vld [tilespmem:s12+$0x0];
	[tilespmem:s3+$0x70] =	vst v1;
	s3 =	smov.u32 s10  }
0x287: {  	v1 =	vld [tilespmem:s12+$0xFFFFFF00];
	[tilespmem:s10+$0xD0] =	vst v4  }
0x288: {  	s10 =	sadd.s32 $0x200, s10;
	[tilespmem:s3+$0xFFFFFFD0] =	vst v3;
	v3 =	vld [tilespmem:s7+$0xE0]  }
0x289: {  	[tilespmem:s10+$0x80] =	vst v5;
	v4 =	vld [tilespmem:s7+$0xFFFFFF50]  }
0x28a: {  	[tilespmem:s10+$0xFFFFFF80] =	vst v2;
	v2 =	vld [tilespmem:s12+$0x90]  }
0x28b: {  	v5 =	vld [tilespmem:s12+$0xFFFFFF90];
	[tilespmem:s10+$0x0] =	vst v0  }
0x28c: {  	[tilespmem:s10+$0xFFFFFF00] =	vst v1;
	v0 =	vld [tilespmem:s12+$0x10]  }
0x28d: {  	v1 =	vld [tilespmem:s12+$0xFFFFFF10];
	[tilespmem:s3+$0xE0] =	vst v3  }
0x28e: {  	[tilespmem:s3+$0xFFFFFF50] =	vst v4;
	v3 =	vld [tilespmem:s7+$0xF0]  }
0x28f: {  	[tilespmem:s10+$0x90] =	vst v2;
	v2 =	vld [tilespmem:s7+$0x50]  }
0x290: {  	[tilespmem:s10+$0xFFFFFF90] =	vst v5;
	v4 =	vld [tilespmem:s12+$0xA0]  }
0x291: {  	v5 =	vld [tilespmem:s12+$0xFFFFFFA0];
	[tilespmem:s10+$0x10] =	vst v0  }
0x292: {  	[tilespmem:s10+$0xFFFFFF10] =	vst v1;
	v0 =	vld [tilespmem:s12+$0x20]  }
0x293: {  	v1 =	vld [tilespmem:s12+$0xFFFFFF20];
	[tilespmem:s3+$0xF0] =	vst v3  }
0x294: {  	v3 =	vld [tilespmem:s7+$0xFFFFFF60];
	[tilespmem:s3+$0x50] =	vst v2  }
0x295: {  	[tilespmem:s10+$0xA0] =	vst v4;
	v2 =	vld [tilespmem:s7+$0xFFFFFFE0]  }
0x296: {  	[tilespmem:s10+$0xFFFFFFA0] =	vst v5;
	v4 =	vld [tilespmem:s12+$0xB0]  }
0x297: {  	v5 =	vld [tilespmem:s12+$0xFFFFFFB0];
	[tilespmem:s10+$0x20] =	vst v0  }
0x298: {  	[tilespmem:s10+$0xFFFFFF20] =	vst v1;
	v0 =	vld [tilespmem:s12+$0x30]  }
0x299: {  	v1 =	vld [tilespmem:s12+$0xFFFFFF30];
	[tilespmem:s3+$0xFFFFFF60] =	vst v3  }
0x29a: {  	[tilespmem:s3+$0xFFFFFFE0] =	vst v2;
	v3 =	vld [tilespmem:s7+$0x60]  }
0x29b: {  	[tilespmem:s10+$0xB0] =	vst v4;
	v4 =	vld [tilespmem:s7+$0xFFFFFF70]  }
0x29c: {  	[tilespmem:s10+$0xFFFFFFB0] =	vst v5;
	v5 =	vld [tilespmem:s12+$0xC0]  }
0x29d: {  	v6 =	vld [tilespmem:s12+$0xFFFFFFC0];
	[tilespmem:s10+$0x30] =	vst v0  }
0x29e: {  	[tilespmem:s10+$0xFFFFFF30] =	vst v1;
	v7 =	vld [tilespmem:s12+$0x40]  }
.Ltmp10:
0x29f: {  	v2 =	vld [tilespmem:s12+$0xFFFFFF40];
	[tilespmem:s3+$0x60] =	vst v3;
	(pc) =	sbr.rel @p1 .LBB2_14-.Ltmp10, $4  }
0x2a0: {  	[tilespmem:s3+$0xFFFFFF70] =	vst v4;
	v0 =	vld [tilespmem:s7+$0xFFFFFFF0]  }
0x2a1: {  	[tilespmem:s10+$0xC0] =	vst v5;
	v1 =	vld [tilespmem:s7+$0x70];
	s7 =	smov.u32 s12  }
0x2a2: {  	[tilespmem:s10+$0xFFFFFFC0] =	vst v6;
	v4 =	vld [tilespmem:s12+$0xD0]  }
0x2a3: {  	s12 =	sadd.s32 $0x200, s12;
	v3 =	vld [tilespmem:s7+$0xFFFFFFD0];
	[tilespmem:s10+$0x40] =	vst v7  }
0x2a4: {  	[tilespmem:s10+$0xFFFFFF40] =	vst v2;
	v5 =	vld [tilespmem:s7+$0x50]  }
0x2a5: {  	v2 =	vld [tilespmem:s7+$0xFFFFFF50];
	_ =	sdelay $0x1  }
0x2a6: {  	[tilespmem:s10+$0xD0] =	vst v4  }
0x2a7: {  	v4 =	vld [tilespmem:s7+$0xE0];
	[tilespmem:s10+$0xFFFFFFD0] =	vst v3  }
0x2a8: {  	[tilespmem:s10+$0x50] =	vst v5;
	v3 =	vld [tilespmem:s7+$0xFFFFFFE0]  }
0x2a9: {  	[tilespmem:s10+$0xFFFFFF50] =	vst v2;
	v5 =	vld [tilespmem:s7+$0x60]  }
0x2aa: {  	v2 =	vld [tilespmem:s7+$0xFFFFFF60];
	_ =	sdelay $0x1  }
0x2ab: {  	[tilespmem:s10+$0xE0] =	vst v4  }
0x2ac: {  	v60 =	vld [tilespmem:s7+$0xF0];
	[tilespmem:s10+$0xFFFFFFE0] =	vst v3  }
0x2ad: {  	[tilespmem:s10+$0x60] =	vst v5;
	v62 =	vld [tilespmem:s7+$0xFFFFFFF0]  }
0x2ae: {  	[tilespmem:s10+$0xFFFFFF60] =	vst v2;
	v63 =	vld [tilespmem:s7+$0x70]  }
0x2af: {  	[tilespmem:s3+$0xFFFFFFF0] =	vst v0;
	v61 =	vld [tilespmem:s7+$0xFFFFFF70]  }
0x2b0: {  	[tilespmem:s3+$0x70] =	vst v1  }
0x2b1: {  	s2 =	smul.u32 $0xA00, s11;
	[tilespmem:s10+$0xF0] =	vst v60  }
0x2b2: {  	[tilespmem:s10+$0xFFFFFFF0] =	vst v62  }
0x2b3: {  	s2 =	sshra.s32 s2, $0x2;
	[tilespmem:s10+$0x70] =	vst v63  }
0x2b4: {  	s2 =	sadd.s32 $0x280, s2;
	[tilespmem:s10+$0xFFFFFF70] =	vst v61  }
0x2b5: {  	[tilespmem:s15], [sflag:$0x1] =	stream.indirect.gather.add.f32 [hbm:s1], $0x80, s2, s14, $0xb8;
	[tilespmem:$0x1E000] =	vst v63  }
.LBB2_16:
0x2b6: {  	s2 =	sadd.s32 s18, s9  }
0x2b7: {  	s2 =	sshll.u32 s2, $0x4  }
0x2b8: {  	s2 =	sadd.s32 s4, s2  }
0x2b9: {  	[hbm4b:s2+s5] =	stream.linear.scatter [tilespmem:s19], [sflag:$0x8], $0x2800, $0x38;
	[tilespmem:$0x1E000] =	vst v63  }
0x2ba: {  	_ =	swait.ge [sflag:s26], $0x2800  }
.Ltmp11:
0x2bb: {  	[sflag:s26] =	ssyncset.done $0x0;
	(pc) =	sbr.rel @p0 .LBB2_20-.Ltmp11, $4  }
0x2bc: {  	[sflag:s26] =	ssyncadd.s32 $0xFFFFD800  }
0x2bd: {  	_ =	swait.ge [sflag:s28], $0x2800  }
0x2be: {  	[sflag:s28] =	ssyncset.done $0x0  }
0x2bf: {  	[sflag:s28] =	ssyncadd.s32 $0xFFFFD800  }
0x2c0: {  	s2 =	simm.s32 $0xC9F0  }
0x2c1: {  	v0 =	vld [tilespmem:s2+$0xFFFFFF90]  }
0x2c2: {  	v2 =	vld [tilespmem:s2+$0xFFFFFF10]  }
0x2c3: {  	v1 =	vld [tilespmem:s2+$0xFFFFFE90]  }
0x2c4: {  	v3 =	vld [tilespmem:s2+$0xFFFFFE10]  }
0x2c5: {  	s3 =	simm.s32 $0x14100  }
0x2c6: {  	[tilespmem:s3+$0x80] =	vst v0  }
0x2c7: {  	[tilespmem:s3+$0x0] =	vst v2;
	v0 =	vld [tilespmem:s2+$0xFFFFFFA0]  }
0x2c8: {  	[tilespmem:s3+$0xFFFFFF80] =	vst v1;
	v2 =	vld [tilespmem:s2+$0xFFFFFF20]  }
0x2c9: {  	[tilespmem:s3+$0xFFFFFF00] =	vst v3;
	v1 =	vld [tilespmem:s2+$0xFFFFFEA0]  }
0x2ca: {  	v3 =	vld [tilespmem:s2+$0xFFFFFE20];
	_ =	sdelay $0x1  }
0x2cb: {  	[tilespmem:s3+$0x90] =	vst v0  }
0x2cc: {  	[tilespmem:s3+$0x10] =	vst v2;
	v0 =	vld [tilespmem:s2+$0xFFFFFFB0]  }
0x2cd: {  	[tilespmem:s3+$0xFFFFFF90] =	vst v1;
	v2 =	vld [tilespmem:s2+$0xFFFFFF30]  }
0x2ce: {  	[tilespmem:s3+$0xFFFFFF10] =	vst v3;
	v1 =	vld [tilespmem:s2+$0xFFFFFEB0]  }
0x2cf: {  	v3 =	vld [tilespmem:s2+$0xFFFFFE30];
	_ =	sdelay $0x1  }
0x2d0: {  	[tilespmem:s3+$0xA0] =	vst v0  }
0x2d1: {  	[tilespmem:s3+$0x20] =	vst v2;
	v0 =	vld [tilespmem:s2+$0xFFFFFFC0]  }
0x2d2: {  	[tilespmem:s3+$0xFFFFFFA0] =	vst v1;
	v2 =	vld [tilespmem:s2+$0xFFFFFF40]  }
0x2d3: {  	[tilespmem:s3+$0xFFFFFF20] =	vst v3;
	v1 =	vld [tilespmem:s2+$0xFFFFFEC0]  }
0x2d4: {  	v3 =	vld [tilespmem:s2+$0xFFFFFE40];
	_ =	sdelay $0x1  }
0x2d5: {  	[tilespmem:s3+$0xB0] =	vst v0  }
0x2d6: {  	[tilespmem:s3+$0x30] =	vst v2;
	v0 =	vld [tilespmem:s2+$0xFFFFFFD0]  }
0x2d7: {  	[tilespmem:s3+$0xFFFFFFB0] =	vst v1;
	v2 =	vld [tilespmem:s2+$0xFFFFFF50]  }
0x2d8: {  	[tilespmem:s3+$0xFFFFFF30] =	vst v3;
	v1 =	vld [tilespmem:s2+$0xFFFFFED0]  }
0x2d9: {  	v3 =	vld [tilespmem:s2+$0xFFFFFE50]  }
0x2da: {  	s7 =	simm.s32 $0xCBF0  }
0x2db: {  	v4 =	vld [tilespmem:s7+$0xFFFFFF90];
	[tilespmem:s3+$0xC0] =	vst v0  }
0x2dc: {  	[tilespmem:s3+$0x40] =	vst v2;
	v2 =	vld [tilespmem:s7+$0xFFFFFE90]  }
0x2dd: {  	[tilespmem:s3+$0xFFFFFFC0] =	vst v1;
	v0 =	vld [tilespmem:s2+$0xFFFFFFE0]  }
0x2de: {  	[tilespmem:s3+$0xFFFFFF40] =	vst v3;
	v3 =	vld [tilespmem:s7+$0xFFFFFF10]  }
0x2df: {  	s10 =	simm.s32 $0x14300;
	v1 =	vld [tilespmem:s2+$0xFFFFFEE0]  }
0x2e0: {  	v5 =	vld [tilespmem:s7+$0xFFFFFE10];
	[tilespmem:s10+$0x80] =	vst v4  }
0x2e1: {  	[tilespmem:s10+$0xFFFFFF80] =	vst v2;
	v2 =	vld [tilespmem:s7+$0xFFFFFFA0]  }
0x2e2: {  	[tilespmem:s3+$0xD0] =	vst v0;
	v4 =	vld [tilespmem:s7+$0xFFFFFEA0]  }
0x2e3: {  	[tilespmem:s10+$0x0] =	vst v3;
	v0 =	vld [tilespmem:s2+$0xFFFFFFF0]  }
0x2e4: {  	[tilespmem:s3+$0xFFFFFFD0] =	vst v1;
	v1 =	vld [tilespmem:s2+$0xFFFFFE60]  }
0x2e5: {  	[tilespmem:s10+$0xFFFFFF00] =	vst v5;
	v3 =	vld [tilespmem:s7+$0xFFFFFF20]  }
0x2e6: {  	v5 =	vld [tilespmem:s7+$0xFFFFFE20];
	[tilespmem:s10+$0x90] =	vst v2  }
0x2e7: {  	[tilespmem:s10+$0xFFFFFF90] =	vst v4;
	v2 =	vld [tilespmem:s7+$0xFFFFFFB0]  }
0x2e8: {  	[tilespmem:s3+$0xE0] =	vst v0;
	v4 =	vld [tilespmem:s7+$0xFFFFFEB0]  }
0x2e9: {  	[tilespmem:s3+$0xFFFFFF50] =	vst v1;
	v0 =	vld [tilespmem:s2+$0x0]  }
0x2ea: {  	v1 =	vld [tilespmem:s2+$0xFFFFFF60];
	[tilespmem:s10+$0x10] =	vst v3  }
0x2eb: {  	[tilespmem:s10+$0xFFFFFF10] =	vst v5;
	v3 =	vld [tilespmem:s7+$0xFFFFFF30]  }
0x2ec: {  	v5 =	vld [tilespmem:s7+$0xFFFFFE30];
	[tilespmem:s10+$0xA0] =	vst v2  }
0x2ed: {  	[tilespmem:s10+$0xFFFFFFA0] =	vst v4;
	v2 =	vld [tilespmem:s7+$0xFFFFFFC0]  }
0x2ee: {  	[tilespmem:s3+$0xF0] =	vst v0;
	v0 =	vld [tilespmem:s2+$0xFFFFFE70]  }
0x2ef: {  	[tilespmem:s3+$0x50] =	vst v1;
	v4 =	vld [tilespmem:s7+$0xFFFFFEC0]  }
0x2f0: {  	v1 =	vld [tilespmem:s2+$0xFFFFFEF0];
	[tilespmem:s10+$0x20] =	vst v3  }
0x2f1: {  	[tilespmem:s10+$0xFFFFFF20] =	vst v5;
	v3 =	vld [tilespmem:s7+$0xFFFFFF40]  }
0x2f2: {  	v5 =	vld [tilespmem:s7+$0xFFFFFE40];
	[tilespmem:s10+$0xB0] =	vst v2  }
0x2f3: {  	[tilespmem:s3+$0xFFFFFF60] =	vst v0;
	v0 =	vld [tilespmem:s2+$0xFFFFFF70]  }
0x2f4: {  	[tilespmem:s10+$0xFFFFFFB0] =	vst v4;
	v4 =	vld [tilespmem:s7+$0xFFFFFFD0]  }
0x2f5: {  	[tilespmem:s3+$0xFFFFFFE0] =	vst v1;
	v1 =	vld [tilespmem:s2+$0xFFFFFE80]  }
0x2f6: {  	[tilespmem:s10+$0x30] =	vst v3;
	v6 =	vld [tilespmem:s7+$0xFFFFFED0]  }
0x2f7: {  	[tilespmem:s10+$0xFFFFFF30] =	vst v5;
	v5 =	vld [tilespmem:s7+$0xFFFFFF50]  }
0x2f8: {  	v2 =	vld [tilespmem:s7+$0xFFFFFE50];
	[tilespmem:s3+$0x60] =	vst v0  }
0x2f9: {  	v0 =	vld [tilespmem:s2+$0xFFFFFF00];
	[tilespmem:s10+$0xC0] =	vst v4  }
0x2fa: {  	[tilespmem:s3+$0xFFFFFF70] =	vst v1;
	v1 =	vld [tilespmem:s2+$0xFFFFFF80]  }
0x2fb: {  	[tilespmem:s10+$0xFFFFFFC0] =	vst v6;
	v4 =	vld [tilespmem:s7+$0xFFFFFFE0]  }
0x2fc: {  	s12 =	simm.s32 $0xCDF0;
	s2 =	simm.s32 $0x4;
	[tilespmem:s10+$0x40] =	vst v5;
	v3 =	vld [tilespmem:s7+$0xFFFFFEE0]  }
.LBB2_18:
0x2fd: {  	v5 =	vld [tilespmem:s12+$0xFFFFFF90];
	s2 =	sadd.s32 $0x4, s2;
	[tilespmem:s10+$0xFFFFFF40] =	vst v2  }
0x2fe: {  	v2 =	vld [tilespmem:s12+$0xFFFFFE90];
	p1 =	slt.u32 s2, $0x4C;
	[tilespmem:s3+$0xFFFFFFF0] =	vst v0  }
0x2ff: {  	v0 =	vld [tilespmem:s12+$0xFFFFFF10];
	[tilespmem:s3+$0x70] =	vst v1;
	s3 =	smov.u32 s10  }
0x300: {  	v1 =	vld [tilespmem:s12+$0xFFFFFE10];
	[tilespmem:s10+$0xD0] =	vst v4  }
0x301: {  	s10 =	sadd.s32 $0x200, s10;
	[tilespmem:s3+$0xFFFFFFD0] =	vst v3;
	v3 =	vld [tilespmem:s7+$0xFFFFFFF0]  }
0x302: {  	[tilespmem:s10+$0x80] =	vst v5;
	v4 =	vld [tilespmem:s7+$0xFFFFFE60]  }
0x303: {  	[tilespmem:s10+$0xFFFFFF80] =	vst v2;
	v2 =	vld [tilespmem:s12+$0xFFFFFFA0]  }
0x304: {  	v5 =	vld [tilespmem:s12+$0xFFFFFEA0];
	[tilespmem:s10+$0x0] =	vst v0  }
0x305: {  	[tilespmem:s10+$0xFFFFFF00] =	vst v1;
	v0 =	vld [tilespmem:s12+$0xFFFFFF20]  }
0x306: {  	v1 =	vld [tilespmem:s12+$0xFFFFFE20];
	[tilespmem:s3+$0xE0] =	vst v3  }
0x307: {  	[tilespmem:s3+$0xFFFFFF50] =	vst v4;
	v3 =	vld [tilespmem:s7+$0x0]  }
0x308: {  	[tilespmem:s10+$0x90] =	vst v2;
	v2 =	vld [tilespmem:s7+$0xFFFFFF60]  }
0x309: {  	[tilespmem:s10+$0xFFFFFF90] =	vst v5;
	v4 =	vld [tilespmem:s12+$0xFFFFFFB0]  }
0x30a: {  	v5 =	vld [tilespmem:s12+$0xFFFFFEB0];
	[tilespmem:s10+$0x10] =	vst v0  }
0x30b: {  	[tilespmem:s10+$0xFFFFFF10] =	vst v1;
	v0 =	vld [tilespmem:s12+$0xFFFFFF30]  }
0x30c: {  	v1 =	vld [tilespmem:s12+$0xFFFFFE30];
	[tilespmem:s3+$0xF0] =	vst v3  }
0x30d: {  	v3 =	vld [tilespmem:s7+$0xFFFFFE70];
	[tilespmem:s3+$0x50] =	vst v2  }
0x30e: {  	[tilespmem:s10+$0xA0] =	vst v4;
	v2 =	vld [tilespmem:s7+$0xFFFFFEF0]  }
0x30f: {  	[tilespmem:s10+$0xFFFFFFA0] =	vst v5;
	v4 =	vld [tilespmem:s12+$0xFFFFFFC0]  }
0x310: {  	v5 =	vld [tilespmem:s12+$0xFFFFFEC0];
	[tilespmem:s10+$0x20] =	vst v0  }
0x311: {  	[tilespmem:s10+$0xFFFFFF20] =	vst v1;
	v0 =	vld [tilespmem:s12+$0xFFFFFF40]  }
0x312: {  	v1 =	vld [tilespmem:s12+$0xFFFFFE40];
	[tilespmem:s3+$0xFFFFFF60] =	vst v3  }
0x313: {  	[tilespmem:s3+$0xFFFFFFE0] =	vst v2;
	v3 =	vld [tilespmem:s7+$0xFFFFFF70]  }
0x314: {  	[tilespmem:s10+$0xB0] =	vst v4;
	v4 =	vld [tilespmem:s7+$0xFFFFFE80]  }
0x315: {  	[tilespmem:s10+$0xFFFFFFB0] =	vst v5;
	v5 =	vld [tilespmem:s12+$0xFFFFFFD0]  }
0x316: {  	v6 =	vld [tilespmem:s12+$0xFFFFFED0];
	[tilespmem:s10+$0x30] =	vst v0  }
0x317: {  	[tilespmem:s10+$0xFFFFFF30] =	vst v1;
	v7 =	vld [tilespmem:s12+$0xFFFFFF50]  }
.Ltmp12:
0x318: {  	v2 =	vld [tilespmem:s12+$0xFFFFFE50];
	[tilespmem:s3+$0x60] =	vst v3;
	(pc) =	sbr.rel @p1 .LBB2_18-.Ltmp12, $4  }
0x319: {  	[tilespmem:s3+$0xFFFFFF70] =	vst v4;
	v0 =	vld [tilespmem:s7+$0xFFFFFF00]  }
0x31a: {  	[tilespmem:s10+$0xC0] =	vst v5;
	v1 =	vld [tilespmem:s7+$0xFFFFFF80];
	s7 =	smov.u32 s12  }
0x31b: {  	[tilespmem:s10+$0xFFFFFFC0] =	vst v6;
	v4 =	vld [tilespmem:s12+$0xFFFFFFE0]  }
0x31c: {  	s12 =	sadd.s32 $0x200, s12;
	v3 =	vld [tilespmem:s7+$0xFFFFFEE0];
	[tilespmem:s10+$0x40] =	vst v7  }
0x31d: {  	[tilespmem:s10+$0xFFFFFF40] =	vst v2;
	v5 =	vld [tilespmem:s7+$0xFFFFFF60]  }
0x31e: {  	v2 =	vld [tilespmem:s7+$0xFFFFFE60];
	_ =	sdelay $0x1  }
0x31f: {  	[tilespmem:s10+$0xD0] =	vst v4  }
0x320: {  	v4 =	vld [tilespmem:s7+$0xFFFFFFF0];
	[tilespmem:s10+$0xFFFFFFD0] =	vst v3  }
0x321: {  	[tilespmem:s10+$0x50] =	vst v5;
	v3 =	vld [tilespmem:s7+$0xFFFFFEF0]  }
0x322: {  	[tilespmem:s10+$0xFFFFFF50] =	vst v2;
	v5 =	vld [tilespmem:s7+$0xFFFFFF70]  }
0x323: {  	v2 =	vld [tilespmem:s7+$0xFFFFFE70];
	_ =	sdelay $0x1  }
0x324: {  	[tilespmem:s10+$0xE0] =	vst v4  }
0x325: {  	v60 =	vld [tilespmem:s7+$0x0];
	[tilespmem:s10+$0xFFFFFFE0] =	vst v3  }
0x326: {  	[tilespmem:s10+$0x60] =	vst v5;
	v62 =	vld [tilespmem:s7+$0xFFFFFF00]  }
0x327: {  	[tilespmem:s10+$0xFFFFFF60] =	vst v2;
	v63 =	vld [tilespmem:s7+$0xFFFFFF80]  }
0x328: {  	[tilespmem:s3+$0xFFFFFFF0] =	vst v0;
	v61 =	vld [tilespmem:s7+$0xFFFFFE80]  }
0x329: {  	[tilespmem:s3+$0x70] =	vst v1  }
0x32a: {  	s2 =	smul.u32 $0xA00, s11;
	[tilespmem:s10+$0xF0] =	vst v60  }
0x32b: {  	[tilespmem:s10+$0xFFFFFFF0] =	vst v62  }
0x32c: {  	s2 =	sshra.s32 s2, $0x2;
	[tilespmem:s10+$0x70] =	vst v63  }
0x32d: {  	s2 =	sadd.s32 $0x300, s2;
	[tilespmem:s10+$0xFFFFFF70] =	vst v61  }
0x32e: {  	[tilespmem:s17], [sflag:$0x2] =	stream.indirect.gather.add.f32 [hbm:s1], $0x80, s2, s14, $0xb8;
	[tilespmem:$0x1E000] =	vst v63  }
.LBB2_20:
0x32f: {  	s2 =	sadd.s32 s6, s13  }
0x330: {  	s2 =	sshll.u32 s2, $0x4  }
0x331: {  	s3 =	simm.s32 $0x0;
	s2 =	sadd.s32 s4, s2  }
0x332: {  	[hbm4b:s2+s3] =	stream.linear.scatter [tilespmem:s21], [sflag:$0x9], $0x2800, $0x38;
	[tilespmem:$0x1E000] =	vst v63  }
0x333: {  	_ =	swait.ge [sflag:s29], $0x2800  }
.Ltmp13:
0x334: {  	[sflag:s29] =	ssyncset.done $0x0;
	(pc) =	sbr.rel @p0 .LBB2_24-.Ltmp13, $4  }
0x335: {  	[sflag:s29] =	ssyncadd.s32 $0xFFFFD800  }
0x336: {  	_ =	swait.ge [sflag:s30], $0x2800  }
0x337: {  	[sflag:s30] =	ssyncset.done $0x0  }
0x338: {  	[sflag:s30] =	ssyncadd.s32 $0xFFFFD800  }
0x339: {  	s3 =	simm.s32 $0x0  }
0x33a: {  	v0 =	vld [tilespmem:s3+$0xF1F0]  }
0x33b: {  	v1 =	vld [tilespmem:s3+$0xF000]  }
0x33c: {  	v6 =	vld [tilespmem:s3+$0xF080]  }
0x33d: {  	v2 =	vld [tilespmem:s3+$0xF010]  }
0x33e: {  	v7 =	vld [tilespmem:s3+$0xF090]  }
0x33f: {  	v3 =	vld [tilespmem:s3+$0xF020];
	[tilespmem:s3+$0x169F0] =	vst v0  }
0x340: {  	v8 =	vld [tilespmem:s3+$0xF0A0];
	[tilespmem:s3+$0x16800] =	vst v1  }
0x341: {  	v4 =	vld [tilespmem:s3+$0xF030];
	[tilespmem:s3+$0x16880] =	vst v6  }
0x342: {  	v5 =	vld [tilespmem:s3+$0xF040];
	[tilespmem:s3+$0x16810] =	vst v2  }
0x343: {  	v62 =	vld [tilespmem:s3+$0xF070];
	[tilespmem:s3+$0x16890] =	vst v7  }
0x344: {  	v63 =	vld [tilespmem:s3+$0xF130];
	[tilespmem:s3+$0x16820] =	vst v3  }
0x345: {  	v6 =	vld [tilespmem:s3+$0xF050];
	[tilespmem:s3+$0x168A0] =	vst v8  }
0x346: {  	v7 =	vld [tilespmem:s3+$0xF060];
	[tilespmem:s3+$0x16830] =	vst v4  }
0x347: {  	v0 =	vld [tilespmem:s3+$0xF0B0];
	[tilespmem:s3+$0x16840] =	vst v5  }
0x348: {  	v5 =	vld [tilespmem:s3+$0xF100];
	[tilespmem:s3+$0x16870] =	vst v62  }
0x349: {  	v1 =	vld [tilespmem:s3+$0xF0C0];
	[tilespmem:s3+$0x16930] =	vst v63  }
0x34a: {  	v2 =	vld [tilespmem:s3+$0xF0D0];
	[tilespmem:s3+$0x16850] =	vst v6  }
0x34b: {  	v3 =	vld [tilespmem:s3+$0xF0E0];
	[tilespmem:s3+$0x16860] =	vst v7  }
0x34c: {  	v4 =	vld [tilespmem:s3+$0xF0F0];
	[tilespmem:s3+$0x168B0] =	vst v0  }
0x34d: {  	v6 =	vld [tilespmem:s3+$0xF110];
	[tilespmem:s3+$0x16900] =	vst v5  }
0x34e: {  	v7 =	vld [tilespmem:s3+$0xF120];
	[tilespmem:s3+$0x168C0] =	vst v1  }
0x34f: {  	v0 =	vld [tilespmem:s3+$0xF140];
	[tilespmem:s3+$0x168D0] =	vst v2  }
0x350: {  	v1 =	vld [tilespmem:s3+$0xF150];
	[tilespmem:s3+$0x168E0] =	vst v3  }
0x351: {  	v2 =	vld [tilespmem:s3+$0xF160];
	[tilespmem:s3+$0x168F0] =	vst v4  }
0x352: {  	v4 =	vld [tilespmem:s3+$0xF180];
	[tilespmem:s3+$0x16910] =	vst v6  }
0x353: {  	v5 =	vld [tilespmem:s3+$0xF170];
	[tilespmem:s3+$0x16920] =	vst v7  }
0x354: {  	v3 =	vld [tilespmem:s3+$0xF190];
	[tilespmem:s3+$0x16940] =	vst v0  }
0x355: {  	v0 =	vld [tilespmem:s3+$0xF1A0];
	[tilespmem:s3+$0x16950] =	vst v1  }
0x356: {  	v1 =	vld [tilespmem:s3+$0xF1B0];
	[tilespmem:s3+$0x16960] =	vst v2  }
0x357: {  	v2 =	vld [tilespmem:s3+$0xF1C0];
	[tilespmem:s3+$0x16980] =	vst v4  }
0x358: {  	s2 =	simm.s32 $0x0;
	s7 =	simm.s32 $0x800;
	[tilespmem:s3+$0x16970] =	vst v5;
	v4 =	vld [tilespmem:s3+$0xF1D0]  }
.LBB2_22:
0x359: {  	s10 =	sshra.s32 s7, $0x2;
	s2 =	sadd.s32 $0x4, s2;
	[tilespmem:s3+$0x16990] =	vst v3;
	v3 =	vld [tilespmem:s3+$0xF1E0]  }
0x35a: {  	v5 =	vld [tilespmem:s10+$0xF1F0];
	p0 =	slt.u32 s2, $0x4C;
	[tilespmem:s3+$0x169A0] =	vst v0  }
0x35b: {  	v0 =	vld [tilespmem:s10+$0xF000];
	[tilespmem:s3+$0x169B0] =	vst v1  }
0x35c: {  	v1 =	vld [tilespmem:s10+$0xF010];
	[tilespmem:s3+$0x169C0] =	vst v2  }
0x35d: {  	v2 =	vld [tilespmem:s10+$0xF020];
	[tilespmem:s3+$0x169D0] =	vst v4  }
0x35e: {  	v4 =	vld [tilespmem:s10+$0xF030];
	[tilespmem:s3+$0x169E0] =	vst v3;
	s3 =	smov.u32 s10  }
0x35f: {  	v3 =	vld [tilespmem:s3+$0xF040];
	[tilespmem:s3+$0x169F0] =	vst v5  }
0x360: {  	[tilespmem:s3+$0x16800] =	vst v0;
	v0 =	vld [tilespmem:s3+$0xF050]  }
0x361: {  	[tilespmem:s3+$0x16810] =	vst v1;
	v1 =	vld [tilespmem:s3+$0xF060]  }
0x362: {  	[tilespmem:s3+$0x16820] =	vst v2;
	v2 =	vld [tilespmem:s3+$0xF070]  }
0x363: {  	[tilespmem:s3+$0x16830] =	vst v4;
	v4 =	vld [tilespmem:s3+$0xF080]  }
0x364: {  	[tilespmem:s3+$0x16840] =	vst v3;
	v3 =	vld [tilespmem:s3+$0xF090]  }
0x365: {  	[tilespmem:s3+$0x16850] =	vst v0;
	v0 =	vld [tilespmem:s3+$0xF0A0]  }
0x366: {  	[tilespmem:s3+$0x16860] =	vst v1;
	v1 =	vld [tilespmem:s3+$0xF0B0]  }
0x367: {  	[tilespmem:s3+$0x16870] =	vst v2;
	v2 =	vld [tilespmem:s3+$0xF0C0]  }
0x368: {  	[tilespmem:s3+$0x16880] =	vst v4;
	v4 =	vld [tilespmem:s3+$0xF0D0]  }
0x369: {  	[tilespmem:s3+$0x16890] =	vst v3;
	v3 =	vld [tilespmem:s3+$0xF0E0]  }
0x36a: {  	[tilespmem:s3+$0x168A0] =	vst v0;
	v0 =	vld [tilespmem:s3+$0xF0F0]  }
0x36b: {  	[tilespmem:s3+$0x168B0] =	vst v1;
	v1 =	vld [tilespmem:s3+$0xF100]  }
0x36c: {  	[tilespmem:s3+$0x168C0] =	vst v2;
	v2 =	vld [tilespmem:s3+$0xF110]  }
0x36d: {  	[tilespmem:s3+$0x168D0] =	vst v4;
	v4 =	vld [tilespmem:s3+$0xF120]  }
0x36e: {  	[tilespmem:s3+$0x168E0] =	vst v3;
	v3 =	vld [tilespmem:s3+$0xF130]  }
0x36f: {  	[tilespmem:s3+$0x168F0] =	vst v0;
	v0 =	vld [tilespmem:s3+$0xF140]  }
0x370: {  	[tilespmem:s3+$0x16900] =	vst v1;
	v1 =	vld [tilespmem:s3+$0xF150]  }
0x371: {  	[tilespmem:s3+$0x16910] =	vst v2;
	v2 =	vld [tilespmem:s3+$0xF160]  }
0x372: {  	[tilespmem:s3+$0x16920] =	vst v4;
	v4 =	vld [tilespmem:s3+$0xF170]  }
0x373: {  	[tilespmem:s3+$0x16930] =	vst v3;
	v5 =	vld [tilespmem:s3+$0xF180]  }
.Ltmp14:
0x374: {  	[tilespmem:s3+$0x16940] =	vst v0;
	v3 =	vld [tilespmem:s3+$0xF190];
	(pc) =	sbr.rel @p0 .LBB2_22-.Ltmp14, $4  }
0x375: {  	[tilespmem:s3+$0x16950] =	vst v1;
	v0 =	vld [tilespmem:s3+$0xF1A0]  }
0x376: {  	[tilespmem:s3+$0x16960] =	vst v2;
	v1 =	vld [tilespmem:s3+$0xF1B0]  }
0x377: {  	[tilespmem:s3+$0x16970] =	vst v4;
	v2 =	vld [tilespmem:s3+$0xF1C0]  }
0x378: {  	s7 =	sadd.s32 $0x800, s7;
	[tilespmem:s3+$0x16980] =	vst v5;
	v4 =	vld [tilespmem:s3+$0xF1D0]  }
0x379: {  	[tilespmem:s3+$0x16990] =	vst v3;
	v63 =	vld [tilespmem:s3+$0xF1E0]  }
0x37a: {  	s2 =	smul.u32 $0xA00, s11;
	[tilespmem:s3+$0x169A0] =	vst v0  }
.Ltmp15:
0x37b: {  	[tilespmem:s3+$0x169B0] =	vst v1;
	(pc) =	sbr.rel .LBB2_24-.Ltmp15, $4  }
0x37c: {  	[tilespmem:s3+$0x169C0] =	vst v2  }
0x37d: {  	s2 =	sshra.s32 s2, $0x2;
	[tilespmem:s3+$0x169D0] =	vst v4  }
0x37e: {  	s2 =	sadd.s32 $0x380, s2;
	[tilespmem:s3+$0x169E0] =	vst v63  }
0x37f: {  	[tilespmem:s19], [sflag:$0x3] =	stream.indirect.gather.add.f32 [hbm:s1], $0x80, s2, s14, $0xb8;
	[tilespmem:$0x1E000] =	vst v63  }
.LBB2_26:
0x380: {  	_ =	sfence.sel $0x180000  }
0x381: {  	[bflag:$0x0] =	sbarrier.arrive $0xFFFF  }
0x382: {  	_ =	strace $0x90000047  }
0x383: {  	s0 =	stileid.u32;
	[bflag:$0x2] =	sbarrier.arrive $0xFFFF  }
0x384: {  	p0 =	sne.s32 s0, $0x0;
	s0 =	rddreg [dreg:$0x4]  }
0x385: {  	s0 =	sadd.s32 @!p0 $0x100000, s0  }
0x386: {  	[sflag:s0] =	ssyncadd.tile.s32 @!p0 $0x1;
	_ =	shalt  }
.Lfunc_end2:
_tile_overlayer_lowered:
.L_overlay_start_2:
0x387: {  	(tag) =	ssettag $0x2  }
0x388: {  	s0 =	rddreg [dreg:$0x0];
	s2 =	stileid.u32  }
0x389: {  	s1 =	rddreg [dreg:$0x1];
	p0 =	sne.s32 s2, $0x0  }
0x38a: {  	s3 =	rddreg [dreg:$0x2];
	[bflag:$0x3] =	sbarrier.arrive $0xFFFF;
	s2 =	simm.s32 @!p0 $0x1C0B  }
0x38b: {  	[timem:s3], [sflag:s2] =	dma.local @!p0 [hbm:s0], s1  }
0x38c: {  	s0 =	simm.s32 @!p0 $0xB  }
0x38d: {  	_ =	swait.ge @!p0 [sflag:s0], s1  }
0x38e: {  	s1 =	ssub.s32 @!p0 $0x0, s1;
	[sflag:s0] =	ssyncset.done @!p0 $0x0  }
0x38f: {  	[sflag:s0] =	ssyncadd.s32 @!p0 s1  }
0x390: {  	[bflag:$0x3] =	sbarrier.arrive $0xFFFF  }
0x391: {  	_ =	shalt  }

</sc_bundles>
